<compile_context>
chip_gen: v7x
topology: tpu7x:2x2x1
jax: 0.10.2.dev20260603
libtpu: 0.0.44.dev20260713+nightly
codegen_flags: <defaults>
</compile_context>

<pallas_src>
import functools
import jax
import jax.numpy as jnp
from jax import lax
from jax.experimental import pallas as pl
from jax.experimental.pallas import tpu as pltpu
from jax.experimental.pallas import tpu_sc as plsc

T = 4096
D = 1024
H = 512
E = 16
K = 2
BM = 256
NT = T * K // BM + E
P_PAD = NT * BM
BT = 512

INTERPRET = False



NRT = T // BT


def _top2(x, rw):
    logits = jnp.dot(x, rw, preferred_element_type=jnp.float32)
    m = jnp.max(logits, axis=-1, keepdims=True)
    pe = jnp.exp(logits - m)
    probs = pe / jnp.sum(pe, axis=-1, keepdims=True)
    iota = lax.broadcasted_iota(jnp.int32, probs.shape, 1)
    m1 = jnp.max(probs, axis=-1, keepdims=True)
    a1 = jnp.min(jnp.where(probs == m1, iota, E), axis=-1, keepdims=True)
    probs2 = jnp.where(iota == a1, -1.0, probs)
    m2 = jnp.max(probs2, axis=-1, keepdims=True)
    a2 = jnp.min(jnp.where(probs2 == m2, iota, E), axis=-1, keepdims=True)
    ws = m1 + m2
    return a1, a2, m1 / ws, m2 / ws


def _route_rank_body(x_ref, rw_ref, d0_ref, d1_ref, w0_ref, w1_ref, meta_ref,
                     cnt_ref, off_ref):
    p = pl.program_id(0)
    i = pl.program_id(1)

    @pl.when(i == 0)
    def _():
        cnt_ref[...] = jnp.zeros_like(cnt_ref)

    a1, a2, wn1, wn2 = _top2(x_ref[...], rw_ref[...])
    ie = lax.broadcasted_iota(jnp.int32, (BT, E), 1)
    oh0 = (a1 == ie).astype(jnp.float32)
    oh1 = (a2 == ie).astype(jnp.float32)
    both = oh0 + oh1
    carry = cnt_ref[...]
    cnt_ref[...] = carry + jnp.sum(both, axis=0, keepdims=True)

    @pl.when((p == 0) & (i == NRT - 1))
    def _():
        total = cnt_ref[...]
        tiles = jnp.ceil(total / BM)
        rr = lax.broadcasted_iota(jnp.int32, (E, E), 0)
        cc = lax.broadcasted_iota(jnp.int32, (E, E), 1)
        tri_e = (rr < cc).astype(jnp.float32)
        off_ref[...] = jnp.dot(tiles, tri_e, preferred_element_type=jnp.float32) * BM

    @pl.when(p == 1)
    def _():
        r = lax.broadcasted_iota(jnp.int32, (BT, BT), 0)
        c = lax.broadcasted_iota(jnp.int32, (BT, BT), 1)
        tri = (c < r).astype(jnp.float32)
        excl = jnp.dot(tri, both, preferred_element_type=jnp.float32)
        base = excl + carry + off_ref[...]
        d0_ref[0, 0, :] = jnp.sum(base * oh0, axis=1).astype(jnp.int32)
        d1_ref[0, 0, :] = jnp.sum((base + oh0) * oh1, axis=1).astype(jnp.int32)
        w0_ref[0, 0, :] = wn1[:, 0]
        w1_ref[0, 0, :] = wn2[:, 0]

        @pl.when(i == NRT - 1)
        def _():
            tile_start = off_ref[...] / BM
            used = jnp.sum(jnp.ceil(cnt_ref[...] / BM))
            j2 = lax.broadcasted_iota(jnp.int32, (128, E), 0).astype(jnp.float32)
            ts_b = jnp.broadcast_to(tile_start, (128, E))
            te = jnp.sum((ts_b <= j2).astype(jnp.float32), axis=1) - 1.0
            jrow = lax.broadcasted_iota(jnp.int32, (1, 128), 1).astype(jnp.float32)
            meta_ref[0:1, :] = te.reshape(1, 128).astype(jnp.int32)
            meta_ref[1:2, :] = (jrow < used).astype(jnp.int32)


def _route_rank(x, router_w):
    return pl.pallas_call(
        _route_rank_body,
        grid=(2, NRT),
        in_specs=[
            pl.BlockSpec((BT, D), lambda p, i: (i, 0)),
            pl.BlockSpec((D, E), lambda p, i: (0, 0)),
        ],
        out_specs=[
            pl.BlockSpec((1, 1, BT), lambda p, i: (i, 0, 0)),
            pl.BlockSpec((1, 1, BT), lambda p, i: (i, 0, 0)),
            pl.BlockSpec((1, 1, BT), lambda p, i: (i, 0, 0)),
            pl.BlockSpec((1, 1, BT), lambda p, i: (i, 0, 0)),
            pl.BlockSpec((8, 128), lambda p, i: (0, 0)),
        ],
        out_shape=[
            jax.ShapeDtypeStruct((NRT, 1, BT), jnp.int32),
            jax.ShapeDtypeStruct((NRT, 1, BT), jnp.int32),
            jax.ShapeDtypeStruct((NRT, 1, BT), jnp.float32),
            jax.ShapeDtypeStruct((NRT, 1, BT), jnp.float32),
            jax.ShapeDtypeStruct((8, 128), jnp.int32),
        ],
        scratch_shapes=[
            pltpu.VMEM((1, E), jnp.float32),
            pltpu.VMEM((1, E), jnp.float32),
        ],
        interpret=INTERPRET,
    )(x, router_w)



def _ffn_body(te_ref, valid_ref, xs_ref, wg_ref, wu_ref, wd_ref, ys_ref):
    i = pl.program_id(0)

    @pl.when(valid_ref[i] == 1)
    def _():
        x = xs_ref[...].astype(jnp.bfloat16)
        g = jnp.dot(x, wg_ref[0].astype(jnp.bfloat16), preferred_element_type=jnp.float32)
        u = jnp.dot(x, wu_ref[0].astype(jnp.bfloat16), preferred_element_type=jnp.float32)
        h = g * (1.0 / (1.0 + jnp.exp(-g))) * u
        ys_ref[...] = jnp.dot(h.astype(jnp.bfloat16), wd_ref[0].astype(jnp.bfloat16),
                              preferred_element_type=jnp.float32)


def _ffn(xs, Wg, Wu, Wd, te, valid):
    grid_spec = pltpu.PrefetchScalarGridSpec(
        num_scalar_prefetch=2,
        grid=(NT,),
        in_specs=[
            pl.BlockSpec((BM, D), lambda i, te, va: (i, 0)),
            pl.BlockSpec((1, D, H), lambda i, te, va: (te[i], 0, 0)),
            pl.BlockSpec((1, D, H), lambda i, te, va: (te[i], 0, 0)),
            pl.BlockSpec((1, H, D), lambda i, te, va: (te[i], 0, 0)),
        ],
        out_specs=pl.BlockSpec((BM, D), lambda i, te, va: (i, 0)),
    )
    return pl.pallas_call(
        _ffn_body,
        grid_spec=grid_spec,
        out_shape=jax.ShapeDtypeStruct((P_PAD, D), jnp.float32),
        interpret=INTERPRET,
    )(te, valid, xs, Wg, Wu, Wd)



def _shared_body(x_ref, sg_ref, su_ref, sd_ref, y0_ref, y1_ref, w0_ref, w1_ref, o_ref):
    x = x_ref[...].astype(jnp.bfloat16)
    g = jnp.dot(x, sg_ref[...].astype(jnp.bfloat16), preferred_element_type=jnp.float32)
    u = jnp.dot(x, su_ref[...].astype(jnp.bfloat16), preferred_element_type=jnp.float32)
    h = g * (1.0 / (1.0 + jnp.exp(-g))) * u
    s = jnp.dot(h.astype(jnp.bfloat16), sd_ref[...].astype(jnp.bfloat16),
                preferred_element_type=jnp.float32)
    w0 = w0_ref[0].reshape(BT, 1)
    w1 = w1_ref[0].reshape(BT, 1)
    o_ref[...] = s + w0 * y0_ref[0] + w1 * y1_ref[0]


def _shared_combine(x, sg, su, sd, y_pairs, w3):
    return pl.pallas_call(
        _shared_body,
        grid=(T // BT,),
        in_specs=[
            pl.BlockSpec((BT, D), lambda i: (i, 0)),
            pl.BlockSpec((D, H), lambda i: (0, 0)),
            pl.BlockSpec((D, H), lambda i: (0, 0)),
            pl.BlockSpec((H, D), lambda i: (0, 0)),
            pl.BlockSpec((1, BT, D), lambda i: (0, i, 0)),
            pl.BlockSpec((1, BT, D), lambda i: (1, i, 0)),
            pl.BlockSpec((1, 1, BT), lambda i: (i, 0, 0)),
            pl.BlockSpec((1, 1, BT), lambda i: (i + T // BT, 0, 0)),
        ],
        out_specs=pl.BlockSpec((BT, D), lambda i: (i, 0)),
        out_shape=jax.ShapeDtypeStruct((T, D), jnp.float32),
        interpret=INTERPRET,
    )(x, sg, su, sd, y_pairs, y_pairs, w3, w3)



NW = 32
TPW = T // NW
NCH = TPW // 16


def _sc_mesh():
    return plsc.VectorSubcoreMesh(core_axis_name="c", subcore_axis_name="s")


def _dispatch(x, dest_k4):

    @functools.partial(
        pl.kernel,
        mesh=_sc_mesh(),
        out_type=jax.ShapeDtypeStruct((P_PAD, D), jnp.float32),
        scratch_types=[
            pltpu.VMEM((NCH, 16), jnp.int32),
            pltpu.VMEM((NCH, 16), jnp.int32),
            pltpu.VMEM((16, D), jnp.float32),
            pltpu.SemaphoreType.DMA,
        ],
    )
    def k(x_hbm, d_hbm, xs_hbm, idx0_v, idx1_v, rows_v, sem):
        w = lax.axis_index("s") * 2 + lax.axis_index("c")
        pltpu.sync_copy(d_hbm.at[0, w], idx0_v)
        pltpu.sync_copy(d_hbm.at[1, w], idx1_v)
        for ch in range(NCH):
            pltpu.sync_copy(x_hbm.at[pl.ds(w * TPW + ch * 16, 16)], rows_v)
            c0 = pltpu.async_copy(rows_v, xs_hbm.at[idx0_v.at[ch]], sem)
            c1 = pltpu.async_copy(rows_v, xs_hbm.at[idx1_v.at[ch]], sem)
            c0.wait()
            c1.wait()

    return k(x, dest_k4)


def _combine_gather(ys, dest_k4):

    @functools.partial(
        pl.kernel,
        mesh=_sc_mesh(),
        out_type=jax.ShapeDtypeStruct((K, T, D), jnp.float32),
        scratch_types=[
            pltpu.VMEM((NCH, 16), jnp.int32),
            pltpu.VMEM((16, D), jnp.float32),
            pltpu.SemaphoreType.DMA,
        ],
    )
    def k(ys_hbm, d_hbm, yp_hbm, idx_v, rows_v, sem):
        w = lax.axis_index("s") * 2 + lax.axis_index("c")
        for kk in range(K):
            pltpu.sync_copy(d_hbm.at[kk, w], idx_v)
            for ch in range(NCH):
                pltpu.async_copy(ys_hbm.at[idx_v.at[ch]], rows_v, sem).wait()
                pltpu.sync_copy(rows_v, yp_hbm.at[kk, pl.ds(w * TPW + ch * 16, 16)])

    return k(ys, dest_k4)



def kernel(hidden_states, shared_gate, shared_up, shared_down, Wg, Wu, Wd, router_w):
    b, l, d = hidden_states.shape
    x = hidden_states.reshape(T, D)

    d0, d1, w0, w1, meta = _route_rank(x, router_w)
    te = meta[0, :NT]
    valid = meta[1, :NT]

    dest_k4 = jnp.stack([d0.reshape(T), d1.reshape(T)]).reshape(K, NW, NCH, 16)

    xs = _dispatch(x, dest_k4)
    ys = _ffn(xs, Wg, Wu, Wd, te, valid)
    y_pairs = _combine_gather(ys, dest_k4)

    w3 = jnp.concatenate([w0, w1], axis=0)
    out = _shared_combine(x, shared_gate, shared_up, shared_down, y_pairs, w3)
    return out.reshape(b, l, d)

# --- scband reference (transcript-rebuilt; emitter-appended) ---
"""Pipeline reference for scband-deep-seek-mo-e-11922829214376 (READ-ONLY COPY).

The authoritative reference and input builder live on the scoring server;
editing this copy changes nothing except your own understanding.
"""

import jax, jax.numpy as jnp
import numpy as np

B, L, D = 2, 2048, 1024
E, K, H = 16, 2, 512
ROUTED_SCALING = 1.0

def setup_inputs(seed: int = 0) -> dict:
    key = jax.random.key(seed)
    ks = jax.random.split(key, 8)
    s = 0.02
    return {
        "hidden_states": jax.random.normal(ks[0], (B, L, D), dtype=jnp.float32),
        "shared_gate": jax.random.normal(ks[1], (D, H), dtype=jnp.float32) * s,
        "shared_up": jax.random.normal(ks[2], (D, H), dtype=jnp.float32) * s,
        "shared_down": jax.random.normal(ks[3], (H, D), dtype=jnp.float32) * s,
        "Wg": jax.random.normal(ks[4], (E, D, H), dtype=jnp.float32) * s,
        "Wu": jax.random.normal(ks[5], (E, D, H), dtype=jnp.float32) * s,
        "Wd": jax.random.normal(ks[6], (E, H, D), dtype=jnp.float32) * s,
        "router_w": jax.random.normal(ks[7], (D, E), dtype=jnp.float32) * s,
    }

def reference(hidden_states, shared_gate, shared_up, shared_down, Wg, Wu, Wd, router_w):
    b, l, d = hidden_states.shape
    x = hidden_states
    # shared expert (SwiGLU, dropout=0 in eval)
    g = jax.nn.silu(x @ shared_gate)
    u = x @ shared_up
    shared_out = (g * u) @ shared_down
    # router gate
    router_logits = x @ router_w
    router_probs = jax.nn.softmax(router_logits.astype(jnp.float32), axis=-1)
    expert_weights, selected_experts = jax.lax.top_k(router_probs, K)
    expert_weights = expert_weights / jnp.sum(expert_weights, axis=-1, keepdims=True)
    expert_weights = expert_weights.astype(x.dtype)
    # flatten tokens
    xf = x.reshape(-1, d)
    sel_flat = selected_experts.reshape(-1, K)
    w_flat = expert_weights.reshape(-1, K)
    n_experts = Wg.shape[0]
    # per-token per-expert combine weights: (T, E)
    combine = jnp.sum(jax.nn.one_hot(sel_flat, n_experts, dtype=x.dtype) * w_flat[..., None], axis=1)
    routed = jnp.zeros_like(xf)
    for e in range(n_experts):
        ge = jax.nn.silu(xf @ Wg[e])
        ue = xf @ Wu[e]
        oe = (ge * ue) @ Wd[e]
        routed = routed + combine[:, e:e + 1] * oe
    out = shared_out + routed.reshape(b, l, d) * ROUTED_SCALING
    return out

if __name__ == "__main__":
    import jax
    _d = setup_inputs()
    print(jax.jit(kernel)(*tuple(_d.values())))

</pallas_src>

<mosaic_0001>
#map = affine_map<(d0, d1) -> (0, 0)>
#map1 = affine_map<(d0, d1) -> (0, 0, 0, 0)>
#map2 = affine_map<(d0, d1) -> (0, 0, 0)>
module attributes {stable_mosaic.version = 14 : i64} {
  func.func @k(%arg0: i32, %arg1: i32, %arg2: memref<12288x1024xf32, #tpu.memory_space<hbm>>, %arg3: memref<2x32x8x16xi32, #tpu.memory_space<hbm>>, %arg4: memref<2x4096x1024xf32, #tpu.memory_space<hbm>>, %arg5: memref<8x16xi32, #tpu.memory_space<vmem>>, %arg6: memref<16x1024xf32, #tpu.memory_space<vmem>>, %arg7: memref<!tpu.dma_semaphore, #tpu.memory_space<semaphore_mem>>) attributes {dimension_semantics = [#tpu.dimension_semantics<core_parallel>, #tpu.dimension_semantics<subcore_parallel>], iteration_bounds = array<i64: 2, 16>, scalar_prefetch = 0 : i64, scratch_operands = 3 : i64, tpu.core_type = #tpu.core_type<sc_vector_subcore>, window_params = [{transform_indices = #map}, {transform_indices = #map1}, {transform_indices = #map2}]} {
    %mul3A = arith.constant 2 : i32
    %mul3A_0 = arith.muli %arg1, %mul3A : i32
    %add3A = arith.addi %mul3A_0, %arg0 : i32
    %run_scoped3A = arith.constant 0 : i32
    "tpu.region"() ({
      %run_scoped3A_304 = tpu.sem_alloc : memref<!tpu.dma_semaphore, #tpu.memory_space<semaphore_mem>>
      %dma_start3A_305 = arith.constant 0 : i32
      %dma_start3A_306 = arith.constant 0 : i32
      %dma_start3A_307 = tpu.memref_slice %arg3[%run_scoped3A, %add3A, %dma_start3A_305, %dma_start3A_306] : memref<2x32x8x16xi32, #tpu.memory_space<hbm>> -> memref<1x1x8x16xi32, #tpu.memory_space<hbm>>
      %dma_start3A_308 = tpu.memref_squeeze %dma_start3A_307 : memref<1x1x8x16xi32, #tpu.memory_space<hbm>> -> memref<8x16xi32, #tpu.memory_space<hbm>>
      %dma_start3A_309 = arith.constant 0 : i32
      %dma_start3A_310 = arith.constant 0 : i32
      %dma_start3A_311 = tpu.memref_slice %arg3[%run_scoped3A, %add3A, %dma_start3A_309, %dma_start3A_310] : memref<2x32x8x16xi32, #tpu.memory_space<hbm>> -> memref<1x1x8x16xi32, #tpu.memory_space<hbm>>
      %dma_start3A_312 = tpu.memref_squeeze %dma_start3A_311 : memref<1x1x8x16xi32, #tpu.memory_space<hbm>> -> memref<8x16xi32, #tpu.memory_space<hbm>>
      tpu.enqueue_dma source(%dma_start3A_312 : memref<8x16xi32, #tpu.memory_space<hbm>>) target(%arg5 : memref<8x16xi32, #tpu.memory_space<vmem>>) target_semaphore(%run_scoped3A_304 : memref<!tpu.dma_semaphore, #tpu.memory_space<semaphore_mem>>)
      %dma_wait3A_313 = arith.constant 0 : i32
      %dma_wait3A_314 = arith.constant 0 : i32
      %dma_wait3A_315 = tpu.memref_slice %arg3[%run_scoped3A, %add3A, %dma_wait3A_313, %dma_wait3A_314] : memref<2x32x8x16xi32, #tpu.memory_space<hbm>> -> memref<1x1x8x16xi32, #tpu.memory_space<hbm>>
      %dma_wait3A_316 = tpu.memref_squeeze %dma_wait3A_315 : memref<1x1x8x16xi32, #tpu.memory_space<hbm>> -> memref<8x16xi32, #tpu.memory_space<hbm>>
      %dma_wait3A_317 = arith.constant 0 : i32
      %dma_wait3A_318 = arith.constant 0 : i32
      %dma_wait3A_319 = tpu.memref_slice %arg3[%run_scoped3A, %add3A, %dma_wait3A_317, %dma_wait3A_318] : memref<2x32x8x16xi32, #tpu.memory_space<hbm>> -> memref<1x1x8x16xi32, #tpu.memory_space<hbm>>
      %dma_wait3A_320 = tpu.memref_squeeze %dma_wait3A_319 : memref<1x1x8x16xi32, #tpu.memory_space<hbm>> -> memref<8x16xi32, #tpu.memory_space<hbm>>
      tpu.wait_dma2 semaphore(%run_scoped3A_304 : memref<!tpu.dma_semaphore, #tpu.memory_space<semaphore_mem>>) src(%dma_wait3A_320 : memref<8x16xi32, #tpu.memory_space<hbm>>) dst(%arg5 : memref<8x16xi32, #tpu.memory_space<vmem>>)
      tpu.yield
    }) : () -> ()
    %dma_start3A = arith.constant 0 : i32
    %dma_start3A_1 = arith.constant 0 : i32
    %dma_start3A_2 = tpu.memref_slice %arg5[%dma_start3A, %dma_start3A_1] : memref<8x16xi32, #tpu.memory_space<vmem>> -> memref<1x16xi32, #tpu.memory_space<vmem>>
    %dma_start3A_3 = tpu.memref_squeeze %dma_start3A_2 : memref<1x16xi32, #tpu.memory_space<vmem>> -> memref<16xi32, #tpu.memory_space<vmem>>
    %dma_start3A_4 = arith.constant 0 : i32
    %dma_start3A_5 = arith.constant 0 : i32
    %dma_start3A_6 = tpu.memref_slice %arg2[%dma_start3A_4, %dma_start3A_5] : memref<12288x1024xf32, #tpu.memory_space<hbm>> -> memref<12288x1024xf32, #tpu.memory_space<hbm>>
    tpu.enqueue_indirect_dma source(%dma_start3A_6 : memref<12288x1024xf32, #tpu.memory_space<hbm>>) target(%arg6 : memref<16x1024xf32, #tpu.memory_space<vmem>>) offsets(%dma_start3A_3 : memref<16xi32, #tpu.memory_space<vmem>>) semaphore(%arg7 : memref<!tpu.dma_semaphore, #tpu.memory_space<semaphore_mem>>)
    %dma_wait3A = arith.constant 0 : i32
    %dma_wait3A_7 = arith.constant 0 : i32
    %dma_wait3A_8 = tpu.memref_slice %arg5[%dma_wait3A, %dma_wait3A_7] : memref<8x16xi32, #tpu.memory_space<vmem>> -> memref<1x16xi32, #tpu.memory_space<vmem>>
    %dma_wait3A_9 = tpu.memref_squeeze %dma_wait3A_8 : memref<1x16xi32, #tpu.memory_space<vmem>> -> memref<16xi32, #tpu.memory_space<vmem>>
    %dma_wait3A_10 = arith.constant 0 : i32
    %dma_wait3A_11 = arith.constant 0 : i32
    %dma_wait3A_12 = tpu.memref_slice %arg2[%dma_wait3A_10, %dma_wait3A_11] : memref<12288x1024xf32, #tpu.memory_space<hbm>> -> memref<12288x1024xf32, #tpu.memory_space<hbm>>
    tpu.wait_indirect_dma semaphore(%arg7 : memref<!tpu.dma_semaphore, #tpu.memory_space<semaphore_mem>>) src(%dma_wait3A_12 : memref<12288x1024xf32, #tpu.memory_space<hbm>>) dst(%arg6 : memref<16x1024xf32, #tpu.memory_space<vmem>>)
    %mul3A_13 = arith.constant 128 : i32
    %mul3A_14 = arith.muli %add3A, %mul3A_13 : i32
    %add3A_15 = arith.constant 0 : i32
    %add3A_16 = arith.addi %mul3A_14, %add3A_15 : i32
    %run_scoped3A_17 = arith.constant 0 : i32
    "tpu.region"() ({
      %run_scoped3A_304 = tpu.sem_alloc : memref<!tpu.dma_semaphore, #tpu.memory_space<semaphore_mem>>
      %dma_start3A_305 = arith.constant 0 : i32
      %dma_start3A_306 = tpu.memref_slice %arg4[%run_scoped3A_17, %add3A_16, %dma_start3A_305] : memref<2x4096x1024xf32, #tpu.memory_space<hbm>> -> memref<1x16x1024xf32, #tpu.memory_space<hbm>>
      %dma_start3A_307 = tpu.memref_squeeze %dma_start3A_306 : memref<1x16x1024xf32, #tpu.memory_space<hbm>> -> memref<16x1024xf32, #tpu.memory_space<hbm>>
      %dma_start3A_308 = arith.constant 0 : i32
      %dma_start3A_309 = tpu.memref_slice %arg4[%run_scoped3A_17, %add3A_16, %dma_start3A_308] : memref<2x4096x1024xf32, #tpu.memory_space<hbm>> -> memref<1x16x1024xf32, #tpu.memory_space<hbm>>
      %dma_start3A_310 = tpu.memref_squeeze %dma_start3A_309 : memref<1x16x1024xf32, #tpu.memory_space<hbm>> -> memref<16x1024xf32, #tpu.memory_space<hbm>>
      tpu.enqueue_dma source(%arg6 : memref<16x1024xf32, #tpu.memory_space<vmem>>) target(%dma_start3A_310 : memref<16x1024xf32, #tpu.memory_space<hbm>>) target_semaphore(%run_scoped3A_304 : memref<!tpu.dma_semaphore, #tpu.memory_space<semaphore_mem>>)
      %dma_wait3A_311 = arith.constant 0 : i32
      %dma_wait3A_312 = tpu.memref_slice %arg4[%run_scoped3A_17, %add3A_16, %dma_wait3A_311] : memref<2x4096x1024xf32, #tpu.memory_space<hbm>> -> memref<1x16x1024xf32, #tpu.memory_space<hbm>>
      %dma_wait3A_313 = tpu.memref_squeeze %dma_wait3A_312 : memref<1x16x1024xf32, #tpu.memory_space<hbm>> -> memref<16x1024xf32, #tpu.memory_space<hbm>>
      %dma_wait3A_314 = arith.constant 0 : i32
      %dma_wait3A_315 = tpu.memref_slice %arg4[%run_scoped3A_17, %add3A_16, %dma_wait3A_314] : memref<2x4096x1024xf32, #tpu.memory_space<hbm>> -> memref<1x16x1024xf32, #tpu.memory_space<hbm>>
      %dma_wait3A_316 = tpu.memref_squeeze %dma_wait3A_315 : memref<1x16x1024xf32, #tpu.memory_space<hbm>> -> memref<16x1024xf32, #tpu.memory_space<hbm>>
      tpu.wait_dma2 semaphore(%run_scoped3A_304 : memref<!tpu.dma_semaphore, #tpu.memory_space<semaphore_mem>>) src(%arg6 : memref<16x1024xf32, #tpu.memory_space<vmem>>) dst(%dma_wait3A_316 : memref<16x1024xf32, #tpu.memory_space<hbm>>)
      tpu.yield
    }) : () -> ()
    %dma_start3A_18 = arith.constant 1 : i32
    %dma_start3A_19 = arith.constant 0 : i32
    %dma_start3A_20 = tpu.memref_slice %arg5[%dma_start3A_18, %dma_start3A_19] : memref<8x16xi32, #tpu.memory_space<vmem>> -> memref<1x16xi32, #tpu.memory_space<vmem>>
    %dma_start3A_21 = tpu.memref_squeeze %dma_start3A_20 : memref<1x16xi32, #tpu.memory_space<vmem>> -> memref<16xi32, #tpu.memory_space<vmem>>
    %dma_start3A_22 = arith.constant 0 : i32
    %dma_start3A_23 = arith.constant 0 : i32
    %dma_start3A_24 = tpu.memref_slice %arg2[%dma_start3A_22, %dma_start3A_23] : memref<12288x1024xf32, #tpu.memory_space<hbm>> -> memref<12288x1024xf32, #tpu.memory_space<hbm>>
    tpu.enqueue_indirect_dma source(%dma_start3A_24 : memref<12288x1024xf32, #tpu.memory_space<hbm>>) target(%arg6 : memref<16x1024xf32, #tpu.memory_space<vmem>>) offsets(%dma_start3A_21 : memref<16xi32, #tpu.memory_space<vmem>>) semaphore(%arg7 : memref<!tpu.dma_semaphore, #tpu.memory_space<semaphore_mem>>)
    %dma_wait3A_25 = arith.constant 1 : i32
    %dma_wait3A_26 = arith.constant 0 : i32
    %dma_wait3A_27 = tpu.memref_slice %arg5[%dma_wait3A_25, %dma_wait3A_26] : memref<8x16xi32, #tpu.memory_space<vmem>> -> memref<1x16xi32, #tpu.memory_space<vmem>>
    %dma_wait3A_28 = tpu.memref_squeeze %dma_wait3A_27 : memref<1x16xi32, #tpu.memory_space<vmem>> -> memref<16xi32, #tpu.memory_space<vmem>>
    %dma_wait3A_29 = arith.constant 0 : i32
    %dma_wait3A_30 = arith.constant 0 : i32
    %dma_wait3A_31 = tpu.memref_slice %arg2[%dma_wait3A_29, %dma_wait3A_30] : memref<12288x1024xf32, #tpu.memory_space<hbm>> -> memref<12288x1024xf32, #tpu.memory_space<hbm>>
    tpu.wait_indirect_dma semaphore(%arg7 : memref<!tpu.dma_semaphore, #tpu.memory_space<semaphore_mem>>) src(%dma_wait3A_31 : memref<12288x1024xf32, #tpu.memory_space<hbm>>) dst(%arg6 : memref<16x1024xf32, #tpu.memory_space<vmem>>)
    %mul3A_32 = arith.constant 128 : i32
    %mul3A_33 = arith.muli %add3A, %mul3A_32 : i32
    %add3A_34 = arith.constant 16 : i32
    %add3A_35 = arith.addi %mul3A_33, %add3A_34 : i32
    %run_scoped3A_36 = arith.constant 0 : i32
    "tpu.region"() ({
      %run_scoped3A_304 = tpu.sem_alloc : memref<!tpu.dma_semaphore, #tpu.memory_space<semaphore_mem>>
      %dma_start3A_305 = arith.constant 0 : i32
      %dma_start3A_306 = tpu.memref_slice %arg4[%run_scoped3A_36, %add3A_35, %dma_start3A_305] : memref<2x4096x1024xf32, #tpu.memory_space<hbm>> -> memref<1x16x1024xf32, #tpu.memory_space<hbm>>
      %dma_start3A_307 = tpu.memref_squeeze %dma_start3A_306 : memref<1x16x1024xf32, #tpu.memory_space<hbm>> -> memref<16x1024xf32, #tpu.memory_space<hbm>>
      %dma_start3A_308 = arith.constant 0 : i32
      %dma_start3A_309 = tpu.memref_slice %arg4[%run_scoped3A_36, %add3A_35, %dma_start3A_308] : memref<2x4096x1024xf32, #tpu.memory_space<hbm>> -> memref<1x16x1024xf32, #tpu.memory_space<hbm>>
      %dma_start3A_310 = tpu.memref_squeeze %dma_start3A_309 : memref<1x16x1024xf32, #tpu.memory_space<hbm>> -> memref<16x1024xf32, #tpu.memory_space<hbm>>
      tpu.enqueue_dma source(%arg6 : memref<16x1024xf32, #tpu.memory_space<vmem>>) target(%dma_start3A_310 : memref<16x1024xf32, #tpu.memory_space<hbm>>) target_semaphore(%run_scoped3A_304 : memref<!tpu.dma_semaphore, #tpu.memory_space<semaphore_mem>>)
      %dma_wait3A_311 = arith.constant 0 : i32
      %dma_wait3A_312 = tpu.memref_slice %arg4[%run_scoped3A_36, %add3A_35, %dma_wait3A_311] : memref<2x4096x1024xf32, #tpu.memory_space<hbm>> -> memref<1x16x1024xf32, #tpu.memory_space<hbm>>
      %dma_wait3A_313 = tpu.memref_squeeze %dma_wait3A_312 : memref<1x16x1024xf32, #tpu.memory_space<hbm>> -> memref<16x1024xf32, #tpu.memory_space<hbm>>
      %dma_wait3A_314 = arith.constant 0 : i32
      %dma_wait3A_315 = tpu.memref_slice %arg4[%run_scoped3A_36, %add3A_35, %dma_wait3A_314] : memref<2x4096x1024xf32, #tpu.memory_space<hbm>> -> memref<1x16x1024xf32, #tpu.memory_space<hbm>>
      %dma_wait3A_316 = tpu.memref_squeeze %dma_wait3A_315 : memref<1x16x1024xf32, #tpu.memory_space<hbm>> -> memref<16x1024xf32, #tpu.memory_space<hbm>>
      tpu.wait_dma2 semaphore(%run_scoped3A_304 : memref<!tpu.dma_semaphore, #tpu.memory_space<semaphore_mem>>) src(%arg6 : memref<16x1024xf32, #tpu.memory_space<vmem>>) dst(%dma_wait3A_316 : memref<16x1024xf32, #tpu.memory_space<hbm>>)
      tpu.yield
    }) : () -> ()
    %dma_start3A_37 = arith.constant 2 : i32
    %dma_start3A_38 = arith.constant 0 : i32
    %dma_start3A_39 = tpu.memref_slice %arg5[%dma_start3A_37, %dma_start3A_38] : memref<8x16xi32, #tpu.memory_space<vmem>> -> memref<1x16xi32, #tpu.memory_space<vmem>>
    %dma_start3A_40 = tpu.memref_squeeze %dma_start3A_39 : memref<1x16xi32, #tpu.memory_space<vmem>> -> memref<16xi32, #tpu.memory_space<vmem>>
    %dma_start3A_41 = arith.constant 0 : i32
    %dma_start3A_42 = arith.constant 0 : i32
    %dma_start3A_43 = tpu.memref_slice %arg2[%dma_start3A_41, %dma_start3A_42] : memref<12288x1024xf32, #tpu.memory_space<hbm>> -> memref<12288x1024xf32, #tpu.memory_space<hbm>>
    tpu.enqueue_indirect_dma source(%dma_start3A_43 : memref<12288x1024xf32, #tpu.memory_space<hbm>>) target(%arg6 : memref<16x1024xf32, #tpu.memory_space<vmem>>) offsets(%dma_start3A_40 : memref<16xi32, #tpu.memory_space<vmem>>) semaphore(%arg7 : memref<!tpu.dma_semaphore, #tpu.memory_space<semaphore_mem>>)
    %dma_wait3A_44 = arith.constant 2 : i32
    %dma_wait3A_45 = arith.constant 0 : i32
    %dma_wait3A_46 = tpu.memref_slice %arg5[%dma_wait3A_44, %dma_wait3A_45] : memref<8x16xi32, #tpu.memory_space<vmem>> -> memref<1x16xi32, #tpu.memory_space<vmem>>
    %dma_wait3A_47 = tpu.memref_squeeze %dma_wait3A_46 : memref<1x16xi32, #tpu.memory_space<vmem>> -> memref<16xi32, #tpu.memory_space<vmem>>
    %dma_wait3A_48 = arith.constant 0 : i32
    %dma_wait3A_49 = arith.constant 0 : i32
    %dma_wait3A_50 = tpu.memref_slice %arg2[%dma_wait3A_48, %dma_wait3A_49] : memref<12288x1024xf32, #tpu.memory_space<hbm>> -> memref<12288x1024xf32, #tpu.memory_space<hbm>>
    tpu.wait_indirect_dma semaphore(%arg7 : memref<!tpu.dma_semaphore, #tpu.memory_space<semaphore_mem>>) src(%dma_wait3A_50 : memref<12288x1024xf32, #tpu.memory_space<hbm>>) dst(%arg6 : memref<16x1024xf32, #tpu.memory_space<vmem>>)
    %mul3A_51 = arith.constant 128 : i32
    %mul3A_52 = arith.muli %add3A, %mul3A_51 : i32
    %add3A_53 = arith.constant 32 : i32
    %add3A_54 = arith.addi %mul3A_52, %add3A_53 : i32
    %run_scoped3A_55 = arith.constant 0 : i32
    "tpu.region"() ({
      %run_scoped3A_304 = tpu.sem_alloc : memref<!tpu.dma_semaphore, #tpu.memory_space<semaphore_mem>>
      %dma_start3A_305 = arith.constant 0 : i32
      %dma_start3A_306 = tpu.memref_slice %arg4[%run_scoped3A_55, %add3A_54, %dma_start3A_305] : memref<2x4096x1024xf32, #tpu.memory_space<hbm>> -> memref<1x16x1024xf32, #tpu.memory_space<hbm>>
      %dma_start3A_307 = tpu.memref_squeeze %dma_start3A_306 : memref<1x16x1024xf32, #tpu.memory_space<hbm>> -> memref<16x1024xf32, #tpu.memory_space<hbm>>
      %dma_start3A_308 = arith.constant 0 : i32
      %dma_start3A_309 = tpu.memref_slice %arg4[%run_scoped3A_55, %add3A_54, %dma_start3A_308] : memref<2x4096x1024xf32, #tpu.memory_space<hbm>> -> memref<1x16x1024xf32, #tpu.memory_space<hbm>>
      %dma_start3A_310 = tpu.memref_squeeze %dma_start3A_309 : memref<1x16x1024xf32, #tpu.memory_space<hbm>> -> memref<16x1024xf32, #tpu.memory_space<hbm>>
      tpu.enqueue_dma source(%arg6 : memref<16x1024xf32, #tpu.memory_space<vmem>>) target(%dma_start3A_310 : memref<16x1024xf32, #tpu.memory_space<hbm>>) target_semaphore(%run_scoped3A_304 : memref<!tpu.dma_semaphore, #tpu.memory_space<semaphore_mem>>)
      %dma_wait3A_311 = arith.constant 0 : i32
      %dma_wait3A_312 = tpu.memref_slice %arg4[%run_scoped3A_55, %add3A_54, %dma_wait3A_311] : memref<2x4096x1024xf32, #tpu.memory_space<hbm>> -> memref<1x16x1024xf32, #tpu.memory_space<hbm>>
      %dma_wait3A_313 = tpu.memref_squeeze %dma_wait3A_312 : memref<1x16x1024xf32, #tpu.memory_space<hbm>> -> memref<16x1024xf32, #tpu.memory_space<hbm>>
      %dma_wait3A_314 = arith.constant 0 : i32
      %dma_wait3A_315 = tpu.memref_slice %arg4[%run_scoped3A_55, %add3A_54, %dma_wait3A_314] : memref<2x4096x1024xf32, #tpu.memory_space<hbm>> -> memref<1x16x1024xf32, #tpu.memory_space<hbm>>
      %dma_wait3A_316 = tpu.memref_squeeze %dma_wait3A_315 : memref<1x16x1024xf32, #tpu.memory_space<hbm>> -> memref<16x1024xf32, #tpu.memory_space<hbm>>
      tpu.wait_dma2 semaphore(%run_scoped3A_304 : memref<!tpu.dma_semaphore, #tpu.memory_space<semaphore_mem>>) src(%arg6 : memref<16x1024xf32, #tpu.memory_space<vmem>>) dst(%dma_wait3A_316 : memref<16x1024xf32, #tpu.memory_space<hbm>>)
      tpu.yield
    }) : () -> ()
    %dma_start3A_56 = arith.constant 3 : i32
    %dma_start3A_57 = arith.constant 0 : i32
    %dma_start3A_58 = tpu.memref_slice %arg5[%dma_start3A_56, %dma_start3A_57] : memref<8x16xi32, #tpu.memory_space<vmem>> -> memref<1x16xi32, #tpu.memory_space<vmem>>
    %dma_start3A_59 = tpu.memref_squeeze %dma_start3A_58 : memref<1x16xi32, #tpu.memory_space<vmem>> -> memref<16xi32, #tpu.memory_space<vmem>>
    %dma_start3A_60 = arith.constant 0 : i32
    %dma_start3A_61 = arith.constant 0 : i32
    %dma_start3A_62 = tpu.memref_slice %arg2[%dma_start3A_60, %dma_start3A_61] : memref<12288x1024xf32, #tpu.memory_space<hbm>> -> memref<12288x1024xf32, #tpu.memory_space<hbm>>
    tpu.enqueue_indirect_dma source(%dma_start3A_62 : memref<12288x1024xf32, #tpu.memory_space<hbm>>) target(%arg6 : memref<16x1024xf32, #tpu.memory_space<vmem>>) offsets(%dma_start3A_59 : memref<16xi32, #tpu.memory_space<vmem>>) semaphore(%arg7 : memref<!tpu.dma_semaphore, #tpu.memory_space<semaphore_mem>>)
    %dma_wait3A_63 = arith.constant 3 : i32
    %dma_wait3A_64 = arith.constant 0 : i32
    %dma_wait3A_65 = tpu.memref_slice %arg5[%dma_wait3A_63, %dma_wait3A_64] : memref<8x16xi32, #tpu.memory_space<vmem>> -> memref<1x16xi32, #tpu.memory_space<vmem>>
    %dma_wait3A_66 = tpu.memref_squeeze %dma_wait3A_65 : memref<1x16xi32, #tpu.memory_space<vmem>> -> memref<16xi32, #tpu.memory_space<vmem>>
    %dma_wait3A_67 = arith.constant 0 : i32
    %dma_wait3A_68 = arith.constant 0 : i32
    %dma_wait3A_69 = tpu.memref_slice %arg2[%dma_wait3A_67, %dma_wait3A_68] : memref<12288x1024xf32, #tpu.memory_space<hbm>> -> memref<12288x1024xf32, #tpu.memory_space<hbm>>
    tpu.wait_indirect_dma semaphore(%arg7 : memref<!tpu.dma_semaphore, #tpu.memory_space<semaphore_mem>>) src(%dma_wait3A_69 : memref<12288x1024xf32, #tpu.memory_space<hbm>>) dst(%arg6 : memref<16x1024xf32, #tpu.memory_space<vmem>>)
    %mul3A_70 = arith.constant 128 : i32
    %mul3A_71 = arith.muli %add3A, %mul3A_70 : i32
    %add3A_72 = arith.constant 48 : i32
    %add3A_73 = arith.addi %mul3A_71, %add3A_72 : i32
    %run_scoped3A_74 = arith.constant 0 : i32
    "tpu.region"() ({
      %run_scoped3A_304 = tpu.sem_alloc : memref<!tpu.dma_semaphore, #tpu.memory_space<semaphore_mem>>
      %dma_start3A_305 = arith.constant 0 : i32
      %dma_start3A_306 = tpu.memref_slice %arg4[%run_scoped3A_74, %add3A_73, %dma_start3A_305] : memref<2x4096x1024xf32, #tpu.memory_space<hbm>> -> memref<1x16x1024xf32, #tpu.memory_space<hbm>>
      %dma_start3A_307 = tpu.memref_squeeze %dma_start3A_306 : memref<1x16x1024xf32, #tpu.memory_space<hbm>> -> memref<16x1024xf32, #tpu.memory_space<hbm>>
      %dma_start3A_308 = arith.constant 0 : i32
      %dma_start3A_309 = tpu.memref_slice %arg4[%run_scoped3A_74, %add3A_73, %dma_start3A_308] : memref<2x4096x1024xf32, #tpu.memory_space<hbm>> -> memref<1x16x1024xf32, #tpu.memory_space<hbm>>
      %dma_start3A_310 = tpu.memref_squeeze %dma_start3A_309 : memref<1x16x1024xf32, #tpu.memory_space<hbm>> -> memref<16x1024xf32, #tpu.memory_space<hbm>>
      tpu.enqueue_dma source(%arg6 : memref<16x1024xf32, #tpu.memory_space<vmem>>) target(%dma_start3A_310 : memref<16x1024xf32, #tpu.memory_space<hbm>>) target_semaphore(%run_scoped3A_304 : memref<!tpu.dma_semaphore, #tpu.memory_space<semaphore_mem>>)
      %dma_wait3A_311 = arith.constant 0 : i32
      %dma_wait3A_312 = tpu.memref_slice %arg4[%run_scoped3A_74, %add3A_73, %dma_wait3A_311] : memref<2x4096x1024xf32, #tpu.memory_space<hbm>> -> memref<1x16x1024xf32, #tpu.memory_space<hbm>>
      %dma_wait3A_313 = tpu.memref_squeeze %dma_wait3A_312 : memref<1x16x1024xf32, #tpu.memory_space<hbm>> -> memref<16x1024xf32, #tpu.memory_space<hbm>>
      %dma_wait3A_314 = arith.constant 0 : i32
      %dma_wait3A_315 = tpu.memref_slice %arg4[%run_scoped3A_74, %add3A_73, %dma_wait3A_314] : memref<2x4096x1024xf32, #tpu.memory_space<hbm>> -> memref<1x16x1024xf32, #tpu.memory_space<hbm>>
      %dma_wait3A_316 = tpu.memref_squeeze %dma_wait3A_315 : memref<1x16x1024xf32, #tpu.memory_space<hbm>> -> memref<16x1024xf32, #tpu.memory_space<hbm>>
      tpu.wait_dma2 semaphore(%run_scoped3A_304 : memref<!tpu.dma_semaphore, #tpu.memory_space<semaphore_mem>>) src(%arg6 : memref<16x1024xf32, #tpu.memory_space<vmem>>) dst(%dma_wait3A_316 : memref<16x1024xf32, #tpu.memory_space<hbm>>)
      tpu.yield
    }) : () -> ()
    %dma_start3A_75 = arith.constant 4 : i32
    %dma_start3A_76 = arith.constant 0 : i32
    %dma_start3A_77 = tpu.memref_slice %arg5[%dma_start3A_75, %dma_start3A_76] : memref<8x16xi32, #tpu.memory_space<vmem>> -> memref<1x16xi32, #tpu.memory_space<vmem>>
    %dma_start3A_78 = tpu.memref_squeeze %dma_start3A_77 : memref<1x16xi32, #tpu.memory_space<vmem>> -> memref<16xi32, #tpu.memory_space<vmem>>
    %dma_start3A_79 = arith.constant 0 : i32
    %dma_start3A_80 = arith.constant 0 : i32
    %dma_start3A_81 = tpu.memref_slice %arg2[%dma_start3A_79, %dma_start3A_80] : memref<12288x1024xf32, #tpu.memory_space<hbm>> -> memref<12288x1024xf32, #tpu.memory_space<hbm>>
    tpu.enqueue_indirect_dma source(%dma_start3A_81 : memref<12288x1024xf32, #tpu.memory_space<hbm>>) target(%arg6 : memref<16x1024xf32, #tpu.memory_space<vmem>>) offsets(%dma_start3A_78 : memref<16xi32, #tpu.memory_space<vmem>>) semaphore(%arg7 : memref<!tpu.dma_semaphore, #tpu.memory_space<semaphore_mem>>)
    %dma_wait3A_82 = arith.constant 4 : i32
    %dma_wait3A_83 = arith.constant 0 : i32
    %dma_wait3A_84 = tpu.memref_slice %arg5[%dma_wait3A_82, %dma_wait3A_83] : memref<8x16xi32, #tpu.memory_space<vmem>> -> memref<1x16xi32, #tpu.memory_space<vmem>>
    %dma_wait3A_85 = tpu.memref_squeeze %dma_wait3A_84 : memref<1x16xi32, #tpu.memory_space<vmem>> -> memref<16xi32, #tpu.memory_space<vmem>>
    %dma_wait3A_86 = arith.constant 0 : i32
    %dma_wait3A_87 = arith.constant 0 : i32
    %dma_wait3A_88 = tpu.memref_slice %arg2[%dma_wait3A_86, %dma_wait3A_87] : memref<12288x1024xf32, #tpu.memory_space<hbm>> -> memref<12288x1024xf32, #tpu.memory_space<hbm>>
    tpu.wait_indirect_dma semaphore(%arg7 : memref<!tpu.dma_semaphore, #tpu.memory_space<semaphore_mem>>) src(%dma_wait3A_88 : memref<12288x1024xf32, #tpu.memory_space<hbm>>) dst(%arg6 : memref<16x1024xf32, #tpu.memory_space<vmem>>)
    %mul3A_89 = arith.constant 128 : i32
    %mul3A_90 = arith.muli %add3A, %mul3A_89 : i32
    %add3A_91 = arith.constant 64 : i32
    %add3A_92 = arith.addi %mul3A_90, %add3A_91 : i32
    %run_scoped3A_93 = arith.constant 0 : i32
    "tpu.region"() ({
      %run_scoped3A_304 = tpu.sem_alloc : memref<!tpu.dma_semaphore, #tpu.memory_space<semaphore_mem>>
      %dma_start3A_305 = arith.constant 0 : i32
      %dma_start3A_306 = tpu.memref_slice %arg4[%run_scoped3A_93, %add3A_92, %dma_start3A_305] : memref<2x4096x1024xf32, #tpu.memory_space<hbm>> -> memref<1x16x1024xf32, #tpu.memory_space<hbm>>
      %dma_start3A_307 = tpu.memref_squeeze %dma_start3A_306 : memref<1x16x1024xf32, #tpu.memory_space<hbm>> -> memref<16x1024xf32, #tpu.memory_space<hbm>>
      %dma_start3A_308 = arith.constant 0 : i32
      %dma_start3A_309 = tpu.memref_slice %arg4[%run_scoped3A_93, %add3A_92, %dma_start3A_308] : memref<2x4096x1024xf32, #tpu.memory_space<hbm>> -> memref<1x16x1024xf32, #tpu.memory_space<hbm>>
      %dma_start3A_310 = tpu.memref_squeeze %dma_start3A_309 : memref<1x16x1024xf32, #tpu.memory_space<hbm>> -> memref<16x1024xf32, #tpu.memory_space<hbm>>
      tpu.enqueue_dma source(%arg6 : memref<16x1024xf32, #tpu.memory_space<vmem>>) target(%dma_start3A_310 : memref<16x1024xf32, #tpu.memory_space<hbm>>) target_semaphore(%run_scoped3A_304 : memref<!tpu.dma_semaphore, #tpu.memory_space<semaphore_mem>>)
      %dma_wait3A_311 = arith.constant 0 : i32
      %dma_wait3A_312 = tpu.memref_slice %arg4[%run_scoped3A_93, %add3A_92, %dma_wait3A_311] : memref<2x4096x1024xf32, #tpu.memory_space<hbm>> -> memref<1x16x1024xf32, #tpu.memory_space<hbm>>
      %dma_wait3A_313 = tpu.memref_squeeze %dma_wait3A_312 : memref<1x16x1024xf32, #tpu.memory_space<hbm>> -> memref<16x1024xf32, #tpu.memory_space<hbm>>
      %dma_wait3A_314 = arith.constant 0 : i32
      %dma_wait3A_315 = tpu.memref_slice %arg4[%run_scoped3A_93, %add3A_92, %dma_wait3A_314] : memref<2x4096x1024xf32, #tpu.memory_space<hbm>> -> memref<1x16x1024xf32, #tpu.memory_space<hbm>>
      %dma_wait3A_316 = tpu.memref_squeeze %dma_wait3A_315 : memref<1x16x1024xf32, #tpu.memory_space<hbm>> -> memref<16x1024xf32, #tpu.memory_space<hbm>>
      tpu.wait_dma2 semaphore(%run_scoped3A_304 : memref<!tpu.dma_semaphore, #tpu.memory_space<semaphore_mem>>) src(%arg6 : memref<16x1024xf32, #tpu.memory_space<vmem>>) dst(%dma_wait3A_316 : memref<16x1024xf32, #tpu.memory_space<hbm>>)
      tpu.yield
    }) : () -> ()
    %dma_start3A_94 = arith.constant 5 : i32
    %dma_start3A_95 = arith.constant 0 : i32
    %dma_start3A_96 = tpu.memref_slice %arg5[%dma_start3A_94, %dma_start3A_95] : memref<8x16xi32, #tpu.memory_space<vmem>> -> memref<1x16xi32, #tpu.memory_space<vmem>>
    %dma_start3A_97 = tpu.memref_squeeze %dma_start3A_96 : memref<1x16xi32, #tpu.memory_space<vmem>> -> memref<16xi32, #tpu.memory_space<vmem>>
    %dma_start3A_98 = arith.constant 0 : i32
    %dma_start3A_99 = arith.constant 0 : i32
    %dma_start3A_100 = tpu.memref_slice %arg2[%dma_start3A_98, %dma_start3A_99] : memref<12288x1024xf32, #tpu.memory_space<hbm>> -> memref<12288x1024xf32, #tpu.memory_space<hbm>>
    tpu.enqueue_indirect_dma source(%dma_start3A_100 : memref<12288x1024xf32, #tpu.memory_space<hbm>>) target(%arg6 : memref<16x1024xf32, #tpu.memory_space<vmem>>) offsets(%dma_start3A_97 : memref<16xi32, #tpu.memory_space<vmem>>) semaphore(%arg7 : memref<!tpu.dma_semaphore, #tpu.memory_space<semaphore_mem>>)
    %dma_wait3A_101 = arith.constant 5 : i32
    %dma_wait3A_102 = arith.constant 0 : i32
    %dma_wait3A_103 = tpu.memref_slice %arg5[%dma_wait3A_101, %dma_wait3A_102] : memref<8x16xi32, #tpu.memory_space<vmem>> -> memref<1x16xi32, #tpu.memory_space<vmem>>
    %dma_wait3A_104 = tpu.memref_squeeze %dma_wait3A_103 : memref<1x16xi32, #tpu.memory_space<vmem>> -> memref<16xi32, #tpu.memory_space<vmem>>
    %dma_wait3A_105 = arith.constant 0 : i32
    %dma_wait3A_106 = arith.constant 0 : i32
    %dma_wait3A_107 = tpu.memref_slice %arg2[%dma_wait3A_105, %dma_wait3A_106] : memref<12288x1024xf32, #tpu.memory_space<hbm>> -> memref<12288x1024xf32, #tpu.memory_space<hbm>>
    tpu.wait_indirect_dma semaphore(%arg7 : memref<!tpu.dma_semaphore, #tpu.memory_space<semaphore_mem>>) src(%dma_wait3A_107 : memref<12288x1024xf32, #tpu.memory_space<hbm>>) dst(%arg6 : memref<16x1024xf32, #tpu.memory_space<vmem>>)
    %mul3A_108 = arith.constant 128 : i32
    %mul3A_109 = arith.muli %add3A, %mul3A_108 : i32
    %add3A_110 = arith.constant 80 : i32
    %add3A_111 = arith.addi %mul3A_109, %add3A_110 : i32
    %run_scoped3A_112 = arith.constant 0 : i32
    "tpu.region"() ({
      %run_scoped3A_304 = tpu.sem_alloc : memref<!tpu.dma_semaphore, #tpu.memory_space<semaphore_mem>>
      %dma_start3A_305 = arith.constant 0 : i32
      %dma_start3A_306 = tpu.memref_slice %arg4[%run_scoped3A_112, %add3A_111, %dma_start3A_305] : memref<2x4096x1024xf32, #tpu.memory_space<hbm>> -> memref<1x16x1024xf32, #tpu.memory_space<hbm>>
      %dma_start3A_307 = tpu.memref_squeeze %dma_start3A_306 : memref<1x16x1024xf32, #tpu.memory_space<hbm>> -> memref<16x1024xf32, #tpu.memory_space<hbm>>
      %dma_start3A_308 = arith.constant 0 : i32
      %dma_start3A_309 = tpu.memref_slice %arg4[%run_scoped3A_112, %add3A_111, %dma_start3A_308] : memref<2x4096x1024xf32, #tpu.memory_space<hbm>> -> memref<1x16x1024xf32, #tpu.memory_space<hbm>>
      %dma_start3A_310 = tpu.memref_squeeze %dma_start3A_309 : memref<1x16x1024xf32, #tpu.memory_space<hbm>> -> memref<16x1024xf32, #tpu.memory_space<hbm>>
      tpu.enqueue_dma source(%arg6 : memref<16x1024xf32, #tpu.memory_space<vmem>>) target(%dma_start3A_310 : memref<16x1024xf32, #tpu.memory_space<hbm>>) target_semaphore(%run_scoped3A_304 : memref<!tpu.dma_semaphore, #tpu.memory_space<semaphore_mem>>)
      %dma_wait3A_311 = arith.constant 0 : i32
      %dma_wait3A_312 = tpu.memref_slice %arg4[%run_scoped3A_112, %add3A_111, %dma_wait3A_311] : memref<2x4096x1024xf32, #tpu.memory_space<hbm>> -> memref<1x16x1024xf32, #tpu.memory_space<hbm>>
      %dma_wait3A_313 = tpu.memref_squeeze %dma_wait3A_312 : memref<1x16x1024xf32, #tpu.memory_space<hbm>> -> memref<16x1024xf32, #tpu.memory_space<hbm>>
      %dma_wait3A_314 = arith.constant 0 : i32
      %dma_wait3A_315 = tpu.memref_slice %arg4[%run_scoped3A_112, %add3A_111, %dma_wait3A_314] : memref<2x4096x1024xf32, #tpu.memory_space<hbm>> -> memref<1x16x1024xf32, #tpu.memory_space<hbm>>
      %dma_wait3A_316 = tpu.memref_squeeze %dma_wait3A_315 : memref<1x16x1024xf32, #tpu.memory_space<hbm>> -> memref<16x1024xf32, #tpu.memory_space<hbm>>
      tpu.wait_dma2 semaphore(%run_scoped3A_304 : memref<!tpu.dma_semaphore, #tpu.memory_space<semaphore_mem>>) src(%arg6 : memref<16x1024xf32, #tpu.memory_space<vmem>>) dst(%dma_wait3A_316 : memref<16x1024xf32, #tpu.memory_space<hbm>>)
      tpu.yield
    }) : () -> ()
    %dma_start3A_113 = arith.constant 6 : i32
    %dma_start3A_114 = arith.constant 0 : i32
    %dma_start3A_115 = tpu.memref_slice %arg5[%dma_start3A_113, %dma_start3A_114] : memref<8x16xi32, #tpu.memory_space<vmem>> -> memref<1x16xi32, #tpu.memory_space<vmem>>
    %dma_start3A_116 = tpu.memref_squeeze %dma_start3A_115 : memref<1x16xi32, #tpu.memory_space<vmem>> -> memref<16xi32, #tpu.memory_space<vmem>>
    %dma_start3A_117 = arith.constant 0 : i32
    %dma_start3A_118 = arith.constant 0 : i32
    %dma_start3A_119 = tpu.memref_slice %arg2[%dma_start3A_117, %dma_start3A_118] : memref<12288x1024xf32, #tpu.memory_space<hbm>> -> memref<12288x1024xf32, #tpu.memory_space<hbm>>
    tpu.enqueue_indirect_dma source(%dma_start3A_119 : memref<12288x1024xf32, #tpu.memory_space<hbm>>) target(%arg6 : memref<16x1024xf32, #tpu.memory_space<vmem>>) offsets(%dma_start3A_116 : memref<16xi32, #tpu.memory_space<vmem>>) semaphore(%arg7 : memref<!tpu.dma_semaphore, #tpu.memory_space<semaphore_mem>>)
    %dma_wait3A_120 = arith.constant 6 : i32
    %dma_wait3A_121 = arith.constant 0 : i32
    %dma_wait3A_122 = tpu.memref_slice %arg5[%dma_wait3A_120, %dma_wait3A_121] : memref<8x16xi32, #tpu.memory_space<vmem>> -> memref<1x16xi32, #tpu.memory_space<vmem>>
    %dma_wait3A_123 = tpu.memref_squeeze %dma_wait3A_122 : memref<1x16xi32, #tpu.memory_space<vmem>> -> memref<16xi32, #tpu.memory_space<vmem>>
    %dma_wait3A_124 = arith.constant 0 : i32
    %dma_wait3A_125 = arith.constant 0 : i32
    %dma_wait3A_126 = tpu.memref_slice %arg2[%dma_wait3A_124, %dma_wait3A_125] : memref<12288x1024xf32, #tpu.memory_space<hbm>> -> memref<12288x1024xf32, #tpu.memory_space<hbm>>
    tpu.wait_indirect_dma semaphore(%arg7 : memref<!tpu.dma_semaphore, #tpu.memory_space<semaphore_mem>>) src(%dma_wait3A_126 : memref<12288x1024xf32, #tpu.memory_space<hbm>>) dst(%arg6 : memref<16x1024xf32, #tpu.memory_space<vmem>>)
    %mul3A_127 = arith.constant 128 : i32
    %mul3A_128 = arith.muli %add3A, %mul3A_127 : i32
    %add3A_129 = arith.constant 96 : i32
    %add3A_130 = arith.addi %mul3A_128, %add3A_129 : i32
    %run_scoped3A_131 = arith.constant 0 : i32
    "tpu.region"() ({
      %run_scoped3A_304 = tpu.sem_alloc : memref<!tpu.dma_semaphore, #tpu.memory_space<semaphore_mem>>
      %dma_start3A_305 = arith.constant 0 : i32
      %dma_start3A_306 = tpu.memref_slice %arg4[%run_scoped3A_131, %add3A_130, %dma_start3A_305] : memref<2x4096x1024xf32, #tpu.memory_space<hbm>> -> memref<1x16x1024xf32, #tpu.memory_space<hbm>>
      %dma_start3A_307 = tpu.memref_squeeze %dma_start3A_306 : memref<1x16x1024xf32, #tpu.memory_space<hbm>> -> memref<16x1024xf32, #tpu.memory_space<hbm>>
      %dma_start3A_308 = arith.constant 0 : i32
      %dma_start3A_309 = tpu.memref_slice %arg4[%run_scoped3A_131, %add3A_130, %dma_start3A_308] : memref<2x4096x1024xf32, #tpu.memory_space<hbm>> -> memref<1x16x1024xf32, #tpu.memory_space<hbm>>
      %dma_start3A_310 = tpu.memref_squeeze %dma_start3A_309 : memref<1x16x1024xf32, #tpu.memory_space<hbm>> -> memref<16x1024xf32, #tpu.memory_space<hbm>>
      tpu.enqueue_dma source(%arg6 : memref<16x1024xf32, #tpu.memory_space<vmem>>) target(%dma_start3A_310 : memref<16x1024xf32, #tpu.memory_space<hbm>>) target_semaphore(%run_scoped3A_304 : memref<!tpu.dma_semaphore, #tpu.memory_space<semaphore_mem>>)
      %dma_wait3A_311 = arith.constant 0 : i32
      %dma_wait3A_312 = tpu.memref_slice %arg4[%run_scoped3A_131, %add3A_130, %dma_wait3A_311] : memref<2x4096x1024xf32, #tpu.memory_space<hbm>> -> memref<1x16x1024xf32, #tpu.memory_space<hbm>>
      %dma_wait3A_313 = tpu.memref_squeeze %dma_wait3A_312 : memref<1x16x1024xf32, #tpu.memory_space<hbm>> -> memref<16x1024xf32, #tpu.memory_space<hbm>>
      %dma_wait3A_314 = arith.constant 0 : i32
      %dma_wait3A_315 = tpu.memref_slice %arg4[%run_scoped3A_131, %add3A_130, %dma_wait3A_314] : memref<2x4096x1024xf32, #tpu.memory_space<hbm>> -> memref<1x16x1024xf32, #tpu.memory_space<hbm>>
      %dma_wait3A_316 = tpu.memref_squeeze %dma_wait3A_315 : memref<1x16x1024xf32, #tpu.memory_space<hbm>> -> memref<16x1024xf32, #tpu.memory_space<hbm>>
      tpu.wait_dma2 semaphore(%run_scoped3A_304 : memref<!tpu.dma_semaphore, #tpu.memory_space<semaphore_mem>>) src(%arg6 : memref<16x1024xf32, #tpu.memory_space<vmem>>) dst(%dma_wait3A_316 : memref<16x1024xf32, #tpu.memory_space<hbm>>)
      tpu.yield
    }) : () -> ()
    %dma_start3A_132 = arith.constant 7 : i32
    %dma_start3A_133 = arith.constant 0 : i32
    %dma_start3A_134 = tpu.memref_slice %arg5[%dma_start3A_132, %dma_start3A_133] : memref<8x16xi32, #tpu.memory_space<vmem>> -> memref<1x16xi32, #tpu.memory_space<vmem>>
    %dma_start3A_135 = tpu.memref_squeeze %dma_start3A_134 : memref<1x16xi32, #tpu.memory_space<vmem>> -> memref<16xi32, #tpu.memory_space<vmem>>
    %dma_start3A_136 = arith.constant 0 : i32
    %dma_start3A_137 = arith.constant 0 : i32
    %dma_start3A_138 = tpu.memref_slice %arg2[%dma_start3A_136, %dma_start3A_137] : memref<12288x1024xf32, #tpu.memory_space<hbm>> -> memref<12288x1024xf32, #tpu.memory_space<hbm>>
    tpu.enqueue_indirect_dma source(%dma_start3A_138 : memref<12288x1024xf32, #tpu.memory_space<hbm>>) target(%arg6 : memref<16x1024xf32, #tpu.memory_space<vmem>>) offsets(%dma_start3A_135 : memref<16xi32, #tpu.memory_space<vmem>>) semaphore(%arg7 : memref<!tpu.dma_semaphore, #tpu.memory_space<semaphore_mem>>)
    %dma_wait3A_139 = arith.constant 7 : i32
    %dma_wait3A_140 = arith.constant 0 : i32
    %dma_wait3A_141 = tpu.memref_slice %arg5[%dma_wait3A_139, %dma_wait3A_140] : memref<8x16xi32, #tpu.memory_space<vmem>> -> memref<1x16xi32, #tpu.memory_space<vmem>>
    %dma_wait3A_142 = tpu.memref_squeeze %dma_wait3A_141 : memref<1x16xi32, #tpu.memory_space<vmem>> -> memref<16xi32, #tpu.memory_space<vmem>>
    %dma_wait3A_143 = arith.constant 0 : i32
    %dma_wait3A_144 = arith.constant 0 : i32
    %dma_wait3A_145 = tpu.memref_slice %arg2[%dma_wait3A_143, %dma_wait3A_144] : memref<12288x1024xf32, #tpu.memory_space<hbm>> -> memref<12288x1024xf32, #tpu.memory_space<hbm>>
    tpu.wait_indirect_dma semaphore(%arg7 : memref<!tpu.dma_semaphore, #tpu.memory_space<semaphore_mem>>) src(%dma_wait3A_145 : memref<12288x1024xf32, #tpu.memory_space<hbm>>) dst(%arg6 : memref<16x1024xf32, #tpu.memory_space<vmem>>)
    %mul3A_146 = arith.constant 128 : i32
    %mul3A_147 = arith.muli %add3A, %mul3A_146 : i32
    %add3A_148 = arith.constant 112 : i32
    %add3A_149 = arith.addi %mul3A_147, %add3A_148 : i32
    %run_scoped3A_150 = arith.constant 0 : i32
    "tpu.region"() ({
      %run_scoped3A_304 = tpu.sem_alloc : memref<!tpu.dma_semaphore, #tpu.memory_space<semaphore_mem>>
      %dma_start3A_305 = arith.constant 0 : i32
      %dma_start3A_306 = tpu.memref_slice %arg4[%run_scoped3A_150, %add3A_149, %dma_start3A_305] : memref<2x4096x1024xf32, #tpu.memory_space<hbm>> -> memref<1x16x1024xf32, #tpu.memory_space<hbm>>
      %dma_start3A_307 = tpu.memref_squeeze %dma_start3A_306 : memref<1x16x1024xf32, #tpu.memory_space<hbm>> -> memref<16x1024xf32, #tpu.memory_space<hbm>>
      %dma_start3A_308 = arith.constant 0 : i32
      %dma_start3A_309 = tpu.memref_slice %arg4[%run_scoped3A_150, %add3A_149, %dma_start3A_308] : memref<2x4096x1024xf32, #tpu.memory_space<hbm>> -> memref<1x16x1024xf32, #tpu.memory_space<hbm>>
      %dma_start3A_310 = tpu.memref_squeeze %dma_start3A_309 : memref<1x16x1024xf32, #tpu.memory_space<hbm>> -> memref<16x1024xf32, #tpu.memory_space<hbm>>
      tpu.enqueue_dma source(%arg6 : memref<16x1024xf32, #tpu.memory_space<vmem>>) target(%dma_start3A_310 : memref<16x1024xf32, #tpu.memory_space<hbm>>) target_semaphore(%run_scoped3A_304 : memref<!tpu.dma_semaphore, #tpu.memory_space<semaphore_mem>>)
      %dma_wait3A_311 = arith.constant 0 : i32
      %dma_wait3A_312 = tpu.memref_slice %arg4[%run_scoped3A_150, %add3A_149, %dma_wait3A_311] : memref<2x4096x1024xf32, #tpu.memory_space<hbm>> -> memref<1x16x1024xf32, #tpu.memory_space<hbm>>
      %dma_wait3A_313 = tpu.memref_squeeze %dma_wait3A_312 : memref<1x16x1024xf32, #tpu.memory_space<hbm>> -> memref<16x1024xf32, #tpu.memory_space<hbm>>
      %dma_wait3A_314 = arith.constant 0 : i32
      %dma_wait3A_315 = tpu.memref_slice %arg4[%run_scoped3A_150, %add3A_149, %dma_wait3A_314] : memref<2x4096x1024xf32, #tpu.memory_space<hbm>> -> memref<1x16x1024xf32, #tpu.memory_space<hbm>>
      %dma_wait3A_316 = tpu.memref_squeeze %dma_wait3A_315 : memref<1x16x1024xf32, #tpu.memory_space<hbm>> -> memref<16x1024xf32, #tpu.memory_space<hbm>>
      tpu.wait_dma2 semaphore(%run_scoped3A_304 : memref<!tpu.dma_semaphore, #tpu.memory_space<semaphore_mem>>) src(%arg6 : memref<16x1024xf32, #tpu.memory_space<vmem>>) dst(%dma_wait3A_316 : memref<16x1024xf32, #tpu.memory_space<hbm>>)
      tpu.yield
    }) : () -> ()
    %run_scoped3A_151 = arith.constant 1 : i32
    "tpu.region"() ({
      %run_scoped3A_304 = tpu.sem_alloc : memref<!tpu.dma_semaphore, #tpu.memory_space<semaphore_mem>>
      %dma_start3A_305 = arith.constant 0 : i32
      %dma_start3A_306 = arith.constant 0 : i32
      %dma_start3A_307 = tpu.memref_slice %arg3[%run_scoped3A_151, %add3A, %dma_start3A_305, %dma_start3A_306] : memref<2x32x8x16xi32, #tpu.memory_space<hbm>> -> memref<1x1x8x16xi32, #tpu.memory_space<hbm>>
      %dma_start3A_308 = tpu.memref_squeeze %dma_start3A_307 : memref<1x1x8x16xi32, #tpu.memory_space<hbm>> -> memref<8x16xi32, #tpu.memory_space<hbm>>
      %dma_start3A_309 = arith.constant 0 : i32
      %dma_start3A_310 = arith.constant 0 : i32
      %dma_start3A_311 = tpu.memref_slice %arg3[%run_scoped3A_151, %add3A, %dma_start3A_309, %dma_start3A_310] : memref<2x32x8x16xi32, #tpu.memory_space<hbm>> -> memref<1x1x8x16xi32, #tpu.memory_space<hbm>>
      %dma_start3A_312 = tpu.memref_squeeze %dma_start3A_311 : memref<1x1x8x16xi32, #tpu.memory_space<hbm>> -> memref<8x16xi32, #tpu.memory_space<hbm>>
      tpu.enqueue_dma source(%dma_start3A_312 : memref<8x16xi32, #tpu.memory_space<hbm>>) target(%arg5 : memref<8x16xi32, #tpu.memory_space<vmem>>) target_semaphore(%run_scoped3A_304 : memref<!tpu.dma_semaphore, #tpu.memory_space<semaphore_mem>>)
      %dma_wait3A_313 = arith.constant 0 : i32
      %dma_wait3A_314 = arith.constant 0 : i32
      %dma_wait3A_315 = tpu.memref_slice %arg3[%run_scoped3A_151, %add3A, %dma_wait3A_313, %dma_wait3A_314] : memref<2x32x8x16xi32, #tpu.memory_space<hbm>> -> memref<1x1x8x16xi32, #tpu.memory_space<hbm>>
      %dma_wait3A_316 = tpu.memref_squeeze %dma_wait3A_315 : memref<1x1x8x16xi32, #tpu.memory_space<hbm>> -> memref<8x16xi32, #tpu.memory_space<hbm>>
      %dma_wait3A_317 = arith.constant 0 : i32
      %dma_wait3A_318 = arith.constant 0 : i32
      %dma_wait3A_319 = tpu.memref_slice %arg3[%run_scoped3A_151, %add3A, %dma_wait3A_317, %dma_wait3A_318] : memref<2x32x8x16xi32, #tpu.memory_space<hbm>> -> memref<1x1x8x16xi32, #tpu.memory_space<hbm>>
      %dma_wait3A_320 = tpu.memref_squeeze %dma_wait3A_319 : memref<1x1x8x16xi32, #tpu.memory_space<hbm>> -> memref<8x16xi32, #tpu.memory_space<hbm>>
      tpu.wait_dma2 semaphore(%run_scoped3A_304 : memref<!tpu.dma_semaphore, #tpu.memory_space<semaphore_mem>>) src(%dma_wait3A_320 : memref<8x16xi32, #tpu.memory_space<hbm>>) dst(%arg5 : memref<8x16xi32, #tpu.memory_space<vmem>>)
      tpu.yield
    }) : () -> ()
    %dma_start3A_152 = arith.constant 0 : i32
    %dma_start3A_153 = arith.constant 0 : i32
    %dma_start3A_154 = tpu.memref_slice %arg5[%dma_start3A_152, %dma_start3A_153] : memref<8x16xi32, #tpu.memory_space<vmem>> -> memref<1x16xi32, #tpu.memory_space<vmem>>
    %dma_start3A_155 = tpu.memref_squeeze %dma_start3A_154 : memref<1x16xi32, #tpu.memory_space<vmem>> -> memref<16xi32, #tpu.memory_space<vmem>>
    %dma_start3A_156 = arith.constant 0 : i32
    %dma_start3A_157 = arith.constant 0 : i32
    %dma_start3A_158 = tpu.memref_slice %arg2[%dma_start3A_156, %dma_start3A_157] : memref<12288x1024xf32, #tpu.memory_space<hbm>> -> memref<12288x1024xf32, #tpu.memory_space<hbm>>
    tpu.enqueue_indirect_dma source(%dma_start3A_158 : memref<12288x1024xf32, #tpu.memory_space<hbm>>) target(%arg6 : memref<16x1024xf32, #tpu.memory_space<vmem>>) offsets(%dma_start3A_155 : memref<16xi32, #tpu.memory_space<vmem>>) semaphore(%arg7 : memref<!tpu.dma_semaphore, #tpu.memory_space<semaphore_mem>>)
    %dma_wait3A_159 = arith.constant 0 : i32
    %dma_wait3A_160 = arith.constant 0 : i32
    %dma_wait3A_161 = tpu.memref_slice %arg5[%dma_wait3A_159, %dma_wait3A_160] : memref<8x16xi32, #tpu.memory_space<vmem>> -> memref<1x16xi32, #tpu.memory_space<vmem>>
    %dma_wait3A_162 = tpu.memref_squeeze %dma_wait3A_161 : memref<1x16xi32, #tpu.memory_space<vmem>> -> memref<16xi32, #tpu.memory_space<vmem>>
    %dma_wait3A_163 = arith.constant 0 : i32
    %dma_wait3A_164 = arith.constant 0 : i32
    %dma_wait3A_165 = tpu.memref_slice %arg2[%dma_wait3A_163, %dma_wait3A_164] : memref<12288x1024xf32, #tpu.memory_space<hbm>> -> memref<12288x1024xf32, #tpu.memory_space<hbm>>
    tpu.wait_indirect_dma semaphore(%arg7 : memref<!tpu.dma_semaphore, #tpu.memory_space<semaphore_mem>>) src(%dma_wait3A_165 : memref<12288x1024xf32, #tpu.memory_space<hbm>>) dst(%arg6 : memref<16x1024xf32, #tpu.memory_space<vmem>>)
    %mul3A_166 = arith.constant 128 : i32
    %mul3A_167 = arith.muli %add3A, %mul3A_166 : i32
    %add3A_168 = arith.constant 0 : i32
    %add3A_169 = arith.addi %mul3A_167, %add3A_168 : i32
    %run_scoped3A_170 = arith.constant 1 : i32
    "tpu.region"() ({
      %run_scoped3A_304 = tpu.sem_alloc : memref<!tpu.dma_semaphore, #tpu.memory_space<semaphore_mem>>
      %dma_start3A_305 = arith.constant 0 : i32
      %dma_start3A_306 = tpu.memref_slice %arg4[%run_scoped3A_170, %add3A_169, %dma_start3A_305] : memref<2x4096x1024xf32, #tpu.memory_space<hbm>> -> memref<1x16x1024xf32, #tpu.memory_space<hbm>>
      %dma_start3A_307 = tpu.memref_squeeze %dma_start3A_306 : memref<1x16x1024xf32, #tpu.memory_space<hbm>> -> memref<16x1024xf32, #tpu.memory_space<hbm>>
      %dma_start3A_308 = arith.constant 0 : i32
      %dma_start3A_309 = tpu.memref_slice %arg4[%run_scoped3A_170, %add3A_169, %dma_start3A_308] : memref<2x4096x1024xf32, #tpu.memory_space<hbm>> -> memref<1x16x1024xf32, #tpu.memory_space<hbm>>
      %dma_start3A_310 = tpu.memref_squeeze %dma_start3A_309 : memref<1x16x1024xf32, #tpu.memory_space<hbm>> -> memref<16x1024xf32, #tpu.memory_space<hbm>>
      tpu.enqueue_dma source(%arg6 : memref<16x1024xf32, #tpu.memory_space<vmem>>) target(%dma_start3A_310 : memref<16x1024xf32, #tpu.memory_space<hbm>>) target_semaphore(%run_scoped3A_304 : memref<!tpu.dma_semaphore, #tpu.memory_space<semaphore_mem>>)
      %dma_wait3A_311 = arith.constant 0 : i32
      %dma_wait3A_312 = tpu.memref_slice %arg4[%run_scoped3A_170, %add3A_169, %dma_wait3A_311] : memref<2x4096x1024xf32, #tpu.memory_space<hbm>> -> memref<1x16x1024xf32, #tpu.memory_space<hbm>>
      %dma_wait3A_313 = tpu.memref_squeeze %dma_wait3A_312 : memref<1x16x1024xf32, #tpu.memory_space<hbm>> -> memref<16x1024xf32, #tpu.memory_space<hbm>>
      %dma_wait3A_314 = arith.constant 0 : i32
      %dma_wait3A_315 = tpu.memref_slice %arg4[%run_scoped3A_170, %add3A_169, %dma_wait3A_314] : memref<2x4096x1024xf32, #tpu.memory_space<hbm>> -> memref<1x16x1024xf32, #tpu.memory_space<hbm>>
      %dma_wait3A_316 = tpu.memref_squeeze %dma_wait3A_315 : memref<1x16x1024xf32, #tpu.memory_space<hbm>> -> memref<16x1024xf32, #tpu.memory_space<hbm>>
      tpu.wait_dma2 semaphore(%run_scoped3A_304 : memref<!tpu.dma_semaphore, #tpu.memory_space<semaphore_mem>>) src(%arg6 : memref<16x1024xf32, #tpu.memory_space<vmem>>) dst(%dma_wait3A_316 : memref<16x1024xf32, #tpu.memory_space<hbm>>)
      tpu.yield
    }) : () -> ()
    %dma_start3A_171 = arith.constant 1 : i32
    %dma_start3A_172 = arith.constant 0 : i32
    %dma_start3A_173 = tpu.memref_slice %arg5[%dma_start3A_171, %dma_start3A_172] : memref<8x16xi32, #tpu.memory_space<vmem>> -> memref<1x16xi32, #tpu.memory_space<vmem>>
    %dma_start3A_174 = tpu.memref_squeeze %dma_start3A_173 : memref<1x16xi32, #tpu.memory_space<vmem>> -> memref<16xi32, #tpu.memory_space<vmem>>
    %dma_start3A_175 = arith.constant 0 : i32
    %dma_start3A_176 = arith.constant 0 : i32
    %dma_start3A_177 = tpu.memref_slice %arg2[%dma_start3A_175, %dma_start3A_176] : memref<12288x1024xf32, #tpu.memory_space<hbm>> -> memref<12288x1024xf32, #tpu.memory_space<hbm>>
    tpu.enqueue_indirect_dma source(%dma_start3A_177 : memref<12288x1024xf32, #tpu.memory_space<hbm>>) target(%arg6 : memref<16x1024xf32, #tpu.memory_space<vmem>>) offsets(%dma_start3A_174 : memref<16xi32, #tpu.memory_space<vmem>>) semaphore(%arg7 : memref<!tpu.dma_semaphore, #tpu.memory_space<semaphore_mem>>)
    %dma_wait3A_178 = arith.constant 1 : i32
    %dma_wait3A_179 = arith.constant 0 : i32
    %dma_wait3A_180 = tpu.memref_slice %arg5[%dma_wait3A_178, %dma_wait3A_179] : memref<8x16xi32, #tpu.memory_space<vmem>> -> memref<1x16xi32, #tpu.memory_space<vmem>>
    %dma_wait3A_181 = tpu.memref_squeeze %dma_wait3A_180 : memref<1x16xi32, #tpu.memory_space<vmem>> -> memref<16xi32, #tpu.memory_space<vmem>>
    %dma_wait3A_182 = arith.constant 0 : i32
    %dma_wait3A_183 = arith.constant 0 : i32
    %dma_wait3A_184 = tpu.memref_slice %arg2[%dma_wait3A_182, %dma_wait3A_183] : memref<12288x1024xf32, #tpu.memory_space<hbm>> -> memref<12288x1024xf32, #tpu.memory_space<hbm>>
    tpu.wait_indirect_dma semaphore(%arg7 : memref<!tpu.dma_semaphore, #tpu.memory_space<semaphore_mem>>) src(%dma_wait3A_184 : memref<12288x1024xf32, #tpu.memory_space<hbm>>) dst(%arg6 : memref<16x1024xf32, #tpu.memory_space<vmem>>)
    %mul3A_185 = arith.constant 128 : i32
    %mul3A_186 = arith.muli %add3A, %mul3A_185 : i32
    %add3A_187 = arith.constant 16 : i32
    %add3A_188 = arith.addi %mul3A_186, %add3A_187 : i32
    %run_scoped3A_189 = arith.constant 1 : i32
    "tpu.region"() ({
      %run_scoped3A_304 = tpu.sem_alloc : memref<!tpu.dma_semaphore, #tpu.memory_space<semaphore_mem>>
      %dma_start3A_305 = arith.constant 0 : i32
      %dma_start3A_306 = tpu.memref_slice %arg4[%run_scoped3A_189, %add3A_188, %dma_start3A_305] : memref<2x4096x1024xf32, #tpu.memory_space<hbm>> -> memref<1x16x1024xf32, #tpu.memory_space<hbm>>
      %dma_start3A_307 = tpu.memref_squeeze %dma_start3A_306 : memref<1x16x1024xf32, #tpu.memory_space<hbm>> -> memref<16x1024xf32, #tpu.memory_space<hbm>>
      %dma_start3A_308 = arith.constant 0 : i32
      %dma_start3A_309 = tpu.memref_slice %arg4[%run_scoped3A_189, %add3A_188, %dma_start3A_308] : memref<2x4096x1024xf32, #tpu.memory_space<hbm>> -> memref<1x16x1024xf32, #tpu.memory_space<hbm>>
      %dma_start3A_310 = tpu.memref_squeeze %dma_start3A_309 : memref<1x16x1024xf32, #tpu.memory_space<hbm>> -> memref<16x1024xf32, #tpu.memory_space<hbm>>
      tpu.enqueue_dma source(%arg6 : memref<16x1024xf32, #tpu.memory_space<vmem>>) target(%dma_start3A_310 : memref<16x1024xf32, #tpu.memory_space<hbm>>) target_semaphore(%run_scoped3A_304 : memref<!tpu.dma_semaphore, #tpu.memory_space<semaphore_mem>>)
      %dma_wait3A_311 = arith.constant 0 : i32
      %dma_wait3A_312 = tpu.memref_slice %arg4[%run_scoped3A_189, %add3A_188, %dma_wait3A_311] : memref<2x4096x1024xf32, #tpu.memory_space<hbm>> -> memref<1x16x1024xf32, #tpu.memory_space<hbm>>
      %dma_wait3A_313 = tpu.memref_squeeze %dma_wait3A_312 : memref<1x16x1024xf32, #tpu.memory_space<hbm>> -> memref<16x1024xf32, #tpu.memory_space<hbm>>
      %dma_wait3A_314 = arith.constant 0 : i32
      %dma_wait3A_315 = tpu.memref_slice %arg4[%run_scoped3A_189, %add3A_188, %dma_wait3A_314] : memref<2x4096x1024xf32, #tpu.memory_space<hbm>> -> memref<1x16x1024xf32, #tpu.memory_space<hbm>>
      %dma_wait3A_316 = tpu.memref_squeeze %dma_wait3A_315 : memref<1x16x1024xf32, #tpu.memory_space<hbm>> -> memref<16x1024xf32, #tpu.memory_space<hbm>>
      tpu.wait_dma2 semaphore(%run_scoped3A_304 : memref<!tpu.dma_semaphore, #tpu.memory_space<semaphore_mem>>) src(%arg6 : memref<16x1024xf32, #tpu.memory_space<vmem>>) dst(%dma_wait3A_316 : memref<16x1024xf32, #tpu.memory_space<hbm>>)
      tpu.yield
    }) : () -> ()
    %dma_start3A_190 = arith.constant 2 : i32
    %dma_start3A_191 = arith.constant 0 : i32
    %dma_start3A_192 = tpu.memref_slice %arg5[%dma_start3A_190, %dma_start3A_191] : memref<8x16xi32, #tpu.memory_space<vmem>> -> memref<1x16xi32, #tpu.memory_space<vmem>>
    %dma_start3A_193 = tpu.memref_squeeze %dma_start3A_192 : memref<1x16xi32, #tpu.memory_space<vmem>> -> memref<16xi32, #tpu.memory_space<vmem>>
    %dma_start3A_194 = arith.constant 0 : i32
    %dma_start3A_195 = arith.constant 0 : i32
    %dma_start3A_196 = tpu.memref_slice %arg2[%dma_start3A_194, %dma_start3A_195] : memref<12288x1024xf32, #tpu.memory_space<hbm>> -> memref<12288x1024xf32, #tpu.memory_space<hbm>>
    tpu.enqueue_indirect_dma source(%dma_start3A_196 : memref<12288x1024xf32, #tpu.memory_space<hbm>>) target(%arg6 : memref<16x1024xf32, #tpu.memory_space<vmem>>) offsets(%dma_start3A_193 : memref<16xi32, #tpu.memory_space<vmem>>) semaphore(%arg7 : memref<!tpu.dma_semaphore, #tpu.memory_space<semaphore_mem>>)
    %dma_wait3A_197 = arith.constant 2 : i32
    %dma_wait3A_198 = arith.constant 0 : i32
    %dma_wait3A_199 = tpu.memref_slice %arg5[%dma_wait3A_197, %dma_wait3A_198] : memref<8x16xi32, #tpu.memory_space<vmem>> -> memref<1x16xi32, #tpu.memory_space<vmem>>
    %dma_wait3A_200 = tpu.memref_squeeze %dma_wait3A_199 : memref<1x16xi32, #tpu.memory_space<vmem>> -> memref<16xi32, #tpu.memory_space<vmem>>
    %dma_wait3A_201 = arith.constant 0 : i32
    %dma_wait3A_202 = arith.constant 0 : i32
    %dma_wait3A_203 = tpu.memref_slice %arg2[%dma_wait3A_201, %dma_wait3A_202] : memref<12288x1024xf32, #tpu.memory_space<hbm>> -> memref<12288x1024xf32, #tpu.memory_space<hbm>>
    tpu.wait_indirect_dma semaphore(%arg7 : memref<!tpu.dma_semaphore, #tpu.memory_space<semaphore_mem>>) src(%dma_wait3A_203 : memref<12288x1024xf32, #tpu.memory_space<hbm>>) dst(%arg6 : memref<16x1024xf32, #tpu.memory_space<vmem>>)
    %mul3A_204 = arith.constant 128 : i32
    %mul3A_205 = arith.muli %add3A, %mul3A_204 : i32
    %add3A_206 = arith.constant 32 : i32
    %add3A_207 = arith.addi %mul3A_205, %add3A_206 : i32
    %run_scoped3A_208 = arith.constant 1 : i32
    "tpu.region"() ({
      %run_scoped3A_304 = tpu.sem_alloc : memref<!tpu.dma_semaphore, #tpu.memory_space<semaphore_mem>>
      %dma_start3A_305 = arith.constant 0 : i32
      %dma_start3A_306 = tpu.memref_slice %arg4[%run_scoped3A_208, %add3A_207, %dma_start3A_305] : memref<2x4096x1024xf32, #tpu.memory_space<hbm>> -> memref<1x16x1024xf32, #tpu.memory_space<hbm>>
      %dma_start3A_307 = tpu.memref_squeeze %dma_start3A_306 : memref<1x16x1024xf32, #tpu.memory_space<hbm>> -> memref<16x1024xf32, #tpu.memory_space<hbm>>
      %dma_start3A_308 = arith.constant 0 : i32
      %dma_start3A_309 = tpu.memref_slice %arg4[%run_scoped3A_208, %add3A_207, %dma_start3A_308] : memref<2x4096x1024xf32, #tpu.memory_space<hbm>> -> memref<1x16x1024xf32, #tpu.memory_space<hbm>>
      %dma_start3A_310 = tpu.memref_squeeze %dma_start3A_309 : memref<1x16x1024xf32, #tpu.memory_space<hbm>> -> memref<16x1024xf32, #tpu.memory_space<hbm>>
      tpu.enqueue_dma source(%arg6 : memref<16x1024xf32, #tpu.memory_space<vmem>>) target(%dma_start3A_310 : memref<16x1024xf32, #tpu.memory_space<hbm>>) target_semaphore(%run_scoped3A_304 : memref<!tpu.dma_semaphore, #tpu.memory_space<semaphore_mem>>)
      %dma_wait3A_311 = arith.constant 0 : i32
      %dma_wait3A_312 = tpu.memref_slice %arg4[%run_scoped3A_208, %add3A_207, %dma_wait3A_311] : memref<2x4096x1024xf32, #tpu.memory_space<hbm>> -> memref<1x16x1024xf32, #tpu.memory_space<hbm>>
      %dma_wait3A_313 = tpu.memref_squeeze %dma_wait3A_312 : memref<1x16x1024xf32, #tpu.memory_space<hbm>> -> memref<16x1024xf32, #tpu.memory_space<hbm>>
      %dma_wait3A_314 = arith.constant 0 : i32
      %dma_wait3A_315 = tpu.memref_slice %arg4[%run_scoped3A_208, %add3A_207, %dma_wait3A_314] : memref<2x4096x1024xf32, #tpu.memory_space<hbm>> -> memref<1x16x1024xf32, #tpu.memory_space<hbm>>
      %dma_wait3A_316 = tpu.memref_squeeze %dma_wait3A_315 : memref<1x16x1024xf32, #tpu.memory_space<hbm>> -> memref<16x1024xf32, #tpu.memory_space<hbm>>
      tpu.wait_dma2 semaphore(%run_scoped3A_304 : memref<!tpu.dma_semaphore, #tpu.memory_space<semaphore_mem>>) src(%arg6 : memref<16x1024xf32, #tpu.memory_space<vmem>>) dst(%dma_wait3A_316 : memref<16x1024xf32, #tpu.memory_space<hbm>>)
      tpu.yield
    }) : () -> ()
    %dma_start3A_209 = arith.constant 3 : i32
    %dma_start3A_210 = arith.constant 0 : i32
    %dma_start3A_211 = tpu.memref_slice %arg5[%dma_start3A_209, %dma_start3A_210] : memref<8x16xi32, #tpu.memory_space<vmem>> -> memref<1x16xi32, #tpu.memory_space<vmem>>
    %dma_start3A_212 = tpu.memref_squeeze %dma_start3A_211 : memref<1x16xi32, #tpu.memory_space<vmem>> -> memref<16xi32, #tpu.memory_space<vmem>>
    %dma_start3A_213 = arith.constant 0 : i32
    %dma_start3A_214 = arith.constant 0 : i32
    %dma_start3A_215 = tpu.memref_slice %arg2[%dma_start3A_213, %dma_start3A_214] : memref<12288x1024xf32, #tpu.memory_space<hbm>> -> memref<12288x1024xf32, #tpu.memory_space<hbm>>
    tpu.enqueue_indirect_dma source(%dma_start3A_215 : memref<12288x1024xf32, #tpu.memory_space<hbm>>) target(%arg6 : memref<16x1024xf32, #tpu.memory_space<vmem>>) offsets(%dma_start3A_212 : memref<16xi32, #tpu.memory_space<vmem>>) semaphore(%arg7 : memref<!tpu.dma_semaphore, #tpu.memory_space<semaphore_mem>>)
    %dma_wait3A_216 = arith.constant 3 : i32
    %dma_wait3A_217 = arith.constant 0 : i32
    %dma_wait3A_218 = tpu.memref_slice %arg5[%dma_wait3A_216, %dma_wait3A_217] : memref<8x16xi32, #tpu.memory_space<vmem>> -> memref<1x16xi32, #tpu.memory_space<vmem>>
    %dma_wait3A_219 = tpu.memref_squeeze %dma_wait3A_218 : memref<1x16xi32, #tpu.memory_space<vmem>> -> memref<16xi32, #tpu.memory_space<vmem>>
    %dma_wait3A_220 = arith.constant 0 : i32
    %dma_wait3A_221 = arith.constant 0 : i32
    %dma_wait3A_222 = tpu.memref_slice %arg2[%dma_wait3A_220, %dma_wait3A_221] : memref<12288x1024xf32, #tpu.memory_space<hbm>> -> memref<12288x1024xf32, #tpu.memory_space<hbm>>
    tpu.wait_indirect_dma semaphore(%arg7 : memref<!tpu.dma_semaphore, #tpu.memory_space<semaphore_mem>>) src(%dma_wait3A_222 : memref<12288x1024xf32, #tpu.memory_space<hbm>>) dst(%arg6 : memref<16x1024xf32, #tpu.memory_space<vmem>>)
    %mul3A_223 = arith.constant 128 : i32
    %mul3A_224 = arith.muli %add3A, %mul3A_223 : i32
    %add3A_225 = arith.constant 48 : i32
    %add3A_226 = arith.addi %mul3A_224, %add3A_225 : i32
    %run_scoped3A_227 = arith.constant 1 : i32
    "tpu.region"() ({
      %run_scoped3A_304 = tpu.sem_alloc : memref<!tpu.dma_semaphore, #tpu.memory_space<semaphore_mem>>
      %dma_start3A_305 = arith.constant 0 : i32
      %dma_start3A_306 = tpu.memref_slice %arg4[%run_scoped3A_227, %add3A_226, %dma_start3A_305] : memref<2x4096x1024xf32, #tpu.memory_space<hbm>> -> memref<1x16x1024xf32, #tpu.memory_space<hbm>>
      %dma_start3A_307 = tpu.memref_squeeze %dma_start3A_306 : memref<1x16x1024xf32, #tpu.memory_space<hbm>> -> memref<16x1024xf32, #tpu.memory_space<hbm>>
      %dma_start3A_308 = arith.constant 0 : i32
      %dma_start3A_309 = tpu.memref_slice %arg4[%run_scoped3A_227, %add3A_226, %dma_start3A_308] : memref<2x4096x1024xf32, #tpu.memory_space<hbm>> -> memref<1x16x1024xf32, #tpu.memory_space<hbm>>
      %dma_start3A_310 = tpu.memref_squeeze %dma_start3A_309 : memref<1x16x1024xf32, #tpu.memory_space<hbm>> -> memref<16x1024xf32, #tpu.memory_space<hbm>>
      tpu.enqueue_dma source(%arg6 : memref<16x1024xf32, #tpu.memory_space<vmem>>) target(%dma_start3A_310 : memref<16x1024xf32, #tpu.memory_space<hbm>>) target_semaphore(%run_scoped3A_304 : memref<!tpu.dma_semaphore, #tpu.memory_space<semaphore_mem>>)
      %dma_wait3A_311 = arith.constant 0 : i32
      %dma_wait3A_312 = tpu.memref_slice %arg4[%run_scoped3A_227, %add3A_226, %dma_wait3A_311] : memref<2x4096x1024xf32, #tpu.memory_space<hbm>> -> memref<1x16x1024xf32, #tpu.memory_space<hbm>>
      %dma_wait3A_313 = tpu.memref_squeeze %dma_wait3A_312 : memref<1x16x1024xf32, #tpu.memory_space<hbm>> -> memref<16x1024xf32, #tpu.memory_space<hbm>>
      %dma_wait3A_314 = arith.constant 0 : i32
      %dma_wait3A_315 = tpu.memref_slice %arg4[%run_scoped3A_227, %add3A_226, %dma_wait3A_314] : memref<2x4096x1024xf32, #tpu.memory_space<hbm>> -> memref<1x16x1024xf32, #tpu.memory_space<hbm>>
      %dma_wait3A_316 = tpu.memref_squeeze %dma_wait3A_315 : memref<1x16x1024xf32, #tpu.memory_space<hbm>> -> memref<16x1024xf32, #tpu.memory_space<hbm>>
      tpu.wait_dma2 semaphore(%run_scoped3A_304 : memref<!tpu.dma_semaphore, #tpu.memory_space<semaphore_mem>>) src(%arg6 : memref<16x1024xf32, #tpu.memory_space<vmem>>) dst(%dma_wait3A_316 : memref<16x1024xf32, #tpu.memory_space<hbm>>)
      tpu.yield
    }) : () -> ()
    %dma_start3A_228 = arith.constant 4 : i32
    %dma_start3A_229 = arith.constant 0 : i32
    %dma_start3A_230 = tpu.memref_slice %arg5[%dma_start3A_228, %dma_start3A_229] : memref<8x16xi32, #tpu.memory_space<vmem>> -> memref<1x16xi32, #tpu.memory_space<vmem>>
    %dma_start3A_231 = tpu.memref_squeeze %dma_start3A_230 : memref<1x16xi32, #tpu.memory_space<vmem>> -> memref<16xi32, #tpu.memory_space<vmem>>
    %dma_start3A_232 = arith.constant 0 : i32
    %dma_start3A_233 = arith.constant 0 : i32
    %dma_start3A_234 = tpu.memref_slice %arg2[%dma_start3A_232, %dma_start3A_233] : memref<12288x1024xf32, #tpu.memory_space<hbm>> -> memref<12288x1024xf32, #tpu.memory_space<hbm>>
    tpu.enqueue_indirect_dma source(%dma_start3A_234 : memref<12288x1024xf32, #tpu.memory_space<hbm>>) target(%arg6 : memref<16x1024xf32, #tpu.memory_space<vmem>>) offsets(%dma_start3A_231 : memref<16xi32, #tpu.memory_space<vmem>>) semaphore(%arg7 : memref<!tpu.dma_semaphore, #tpu.memory_space<semaphore_mem>>)
    %dma_wait3A_235 = arith.constant 4 : i32
    %dma_wait3A_236 = arith.constant 0 : i32
    %dma_wait3A_237 = tpu.memref_slice %arg5[%dma_wait3A_235, %dma_wait3A_236] : memref<8x16xi32, #tpu.memory_space<vmem>> -> memref<1x16xi32, #tpu.memory_space<vmem>>
    %dma_wait3A_238 = tpu.memref_squeeze %dma_wait3A_237 : memref<1x16xi32, #tpu.memory_space<vmem>> -> memref<16xi32, #tpu.memory_space<vmem>>
    %dma_wait3A_239 = arith.constant 0 : i32
    %dma_wait3A_240 = arith.constant 0 : i32
    %dma_wait3A_241 = tpu.memref_slice %arg2[%dma_wait3A_239, %dma_wait3A_240] : memref<12288x1024xf32, #tpu.memory_space<hbm>> -> memref<12288x1024xf32, #tpu.memory_space<hbm>>
    tpu.wait_indirect_dma semaphore(%arg7 : memref<!tpu.dma_semaphore, #tpu.memory_space<semaphore_mem>>) src(%dma_wait3A_241 : memref<12288x1024xf32, #tpu.memory_space<hbm>>) dst(%arg6 : memref<16x1024xf32, #tpu.memory_space<vmem>>)
    %mul3A_242 = arith.constant 128 : i32
    %mul3A_243 = arith.muli %add3A, %mul3A_242 : i32
    %add3A_244 = arith.constant 64 : i32
    %add3A_245 = arith.addi %mul3A_243, %add3A_244 : i32
    %run_scoped3A_246 = arith.constant 1 : i32
    "tpu.region"() ({
      %run_scoped3A_304 = tpu.sem_alloc : memref<!tpu.dma_semaphore, #tpu.memory_space<semaphore_mem>>
      %dma_start3A_305 = arith.constant 0 : i32
      %dma_start3A_306 = tpu.memref_slice %arg4[%run_scoped3A_246, %add3A_245, %dma_start3A_305] : memref<2x4096x1024xf32, #tpu.memory_space<hbm>> -> memref<1x16x1024xf32, #tpu.memory_space<hbm>>
      %dma_start3A_307 = tpu.memref_squeeze %dma_start3A_306 : memref<1x16x1024xf32, #tpu.memory_space<hbm>> -> memref<16x1024xf32, #tpu.memory_space<hbm>>
      %dma_start3A_308 = arith.constant 0 : i32
      %dma_start3A_309 = tpu.memref_slice %arg4[%run_scoped3A_246, %add3A_245, %dma_start3A_308] : memref<2x4096x1024xf32, #tpu.memory_space<hbm>> -> memref<1x16x1024xf32, #tpu.memory_space<hbm>>
      %dma_start3A_310 = tpu.memref_squeeze %dma_start3A_309 : memref<1x16x1024xf32, #tpu.memory_space<hbm>> -> memref<16x1024xf32, #tpu.memory_space<hbm>>
      tpu.enqueue_dma source(%arg6 : memref<16x1024xf32, #tpu.memory_space<vmem>>) target(%dma_start3A_310 : memref<16x1024xf32, #tpu.memory_space<hbm>>) target_semaphore(%run_scoped3A_304 : memref<!tpu.dma_semaphore, #tpu.memory_space<semaphore_mem>>)
      %dma_wait3A_311 = arith.constant 0 : i32
      %dma_wait3A_312 = tpu.memref_slice %arg4[%run_scoped3A_246, %add3A_245, %dma_wait3A_311] : memref<2x4096x1024xf32, #tpu.memory_space<hbm>> -> memref<1x16x1024xf32, #tpu.memory_space<hbm>>
      %dma_wait3A_313 = tpu.memref_squeeze %dma_wait3A_312 : memref<1x16x1024xf32, #tpu.memory_space<hbm>> -> memref<16x1024xf32, #tpu.memory_space<hbm>>
      %dma_wait3A_314 = arith.constant 0 : i32
      %dma_wait3A_315 = tpu.memref_slice %arg4[%run_scoped3A_246, %add3A_245, %dma_wait3A_314] : memref<2x4096x1024xf32, #tpu.memory_space<hbm>> -> memref<1x16x1024xf32, #tpu.memory_space<hbm>>
      %dma_wait3A_316 = tpu.memref_squeeze %dma_wait3A_315 : memref<1x16x1024xf32, #tpu.memory_space<hbm>> -> memref<16x1024xf32, #tpu.memory_space<hbm>>
      tpu.wait_dma2 semaphore(%run_scoped3A_304 : memref<!tpu.dma_semaphore, #tpu.memory_space<semaphore_mem>>) src(%arg6 : memref<16x1024xf32, #tpu.memory_space<vmem>>) dst(%dma_wait3A_316 : memref<16x1024xf32, #tpu.memory_space<hbm>>)
      tpu.yield
    }) : () -> ()
    %dma_start3A_247 = arith.constant 5 : i32
    %dma_start3A_248 = arith.constant 0 : i32
    %dma_start3A_249 = tpu.memref_slice %arg5[%dma_start3A_247, %dma_start3A_248] : memref<8x16xi32, #tpu.memory_space<vmem>> -> memref<1x16xi32, #tpu.memory_space<vmem>>
    %dma_start3A_250 = tpu.memref_squeeze %dma_start3A_249 : memref<1x16xi32, #tpu.memory_space<vmem>> -> memref<16xi32, #tpu.memory_space<vmem>>
    %dma_start3A_251 = arith.constant 0 : i32
    %dma_start3A_252 = arith.constant 0 : i32
    %dma_start3A_253 = tpu.memref_slice %arg2[%dma_start3A_251, %dma_start3A_252] : memref<12288x1024xf32, #tpu.memory_space<hbm>> -> memref<12288x1024xf32, #tpu.memory_space<hbm>>
    tpu.enqueue_indirect_dma source(%dma_start3A_253 : memref<12288x1024xf32, #tpu.memory_space<hbm>>) target(%arg6 : memref<16x1024xf32, #tpu.memory_space<vmem>>) offsets(%dma_start3A_250 : memref<16xi32, #tpu.memory_space<vmem>>) semaphore(%arg7 : memref<!tpu.dma_semaphore, #tpu.memory_space<semaphore_mem>>)
    %dma_wait3A_254 = arith.constant 5 : i32
    %dma_wait3A_255 = arith.constant 0 : i32
    %dma_wait3A_256 = tpu.memref_slice %arg5[%dma_wait3A_254, %dma_wait3A_255] : memref<8x16xi32, #tpu.memory_space<vmem>> -> memref<1x16xi32, #tpu.memory_space<vmem>>
    %dma_wait3A_257 = tpu.memref_squeeze %dma_wait3A_256 : memref<1x16xi32, #tpu.memory_space<vmem>> -> memref<16xi32, #tpu.memory_space<vmem>>
    %dma_wait3A_258 = arith.constant 0 : i32
    %dma_wait3A_259 = arith.constant 0 : i32
    %dma_wait3A_260 = tpu.memref_slice %arg2[%dma_wait3A_258, %dma_wait3A_259] : memref<12288x1024xf32, #tpu.memory_space<hbm>> -> memref<12288x1024xf32, #tpu.memory_space<hbm>>
    tpu.wait_indirect_dma semaphore(%arg7 : memref<!tpu.dma_semaphore, #tpu.memory_space<semaphore_mem>>) src(%dma_wait3A_260 : memref<12288x1024xf32, #tpu.memory_space<hbm>>) dst(%arg6 : memref<16x1024xf32, #tpu.memory_space<vmem>>)
    %mul3A_261 = arith.constant 128 : i32
    %mul3A_262 = arith.muli %add3A, %mul3A_261 : i32
    %add3A_263 = arith.constant 80 : i32
    %add3A_264 = arith.addi %mul3A_262, %add3A_263 : i32
    %run_scoped3A_265 = arith.constant 1 : i32
    "tpu.region"() ({
      %run_scoped3A_304 = tpu.sem_alloc : memref<!tpu.dma_semaphore, #tpu.memory_space<semaphore_mem>>
      %dma_start3A_305 = arith.constant 0 : i32
      %dma_start3A_306 = tpu.memref_slice %arg4[%run_scoped3A_265, %add3A_264, %dma_start3A_305] : memref<2x4096x1024xf32, #tpu.memory_space<hbm>> -> memref<1x16x1024xf32, #tpu.memory_space<hbm>>
      %dma_start3A_307 = tpu.memref_squeeze %dma_start3A_306 : memref<1x16x1024xf32, #tpu.memory_space<hbm>> -> memref<16x1024xf32, #tpu.memory_space<hbm>>
      %dma_start3A_308 = arith.constant 0 : i32
      %dma_start3A_309 = tpu.memref_slice %arg4[%run_scoped3A_265, %add3A_264, %dma_start3A_308] : memref<2x4096x1024xf32, #tpu.memory_space<hbm>> -> memref<1x16x1024xf32, #tpu.memory_space<hbm>>
      %dma_start3A_310 = tpu.memref_squeeze %dma_start3A_309 : memref<1x16x1024xf32, #tpu.memory_space<hbm>> -> memref<16x1024xf32, #tpu.memory_space<hbm>>
      tpu.enqueue_dma source(%arg6 : memref<16x1024xf32, #tpu.memory_space<vmem>>) target(%dma_start3A_310 : memref<16x1024xf32, #tpu.memory_space<hbm>>) target_semaphore(%run_scoped3A_304 : memref<!tpu.dma_semaphore, #tpu.memory_space<semaphore_mem>>)
      %dma_wait3A_311 = arith.constant 0 : i32
      %dma_wait3A_312 = tpu.memref_slice %arg4[%run_scoped3A_265, %add3A_264, %dma_wait3A_311] : memref<2x4096x1024xf32, #tpu.memory_space<hbm>> -> memref<1x16x1024xf32, #tpu.memory_space<hbm>>
      %dma_wait3A_313 = tpu.memref_squeeze %dma_wait3A_312 : memref<1x16x1024xf32, #tpu.memory_space<hbm>> -> memref<16x1024xf32, #tpu.memory_space<hbm>>
      %dma_wait3A_314 = arith.constant 0 : i32
      %dma_wait3A_315 = tpu.memref_slice %arg4[%run_scoped3A_265, %add3A_264, %dma_wait3A_314] : memref<2x4096x1024xf32, #tpu.memory_space<hbm>> -> memref<1x16x1024xf32, #tpu.memory_space<hbm>>
      %dma_wait3A_316 = tpu.memref_squeeze %dma_wait3A_315 : memref<1x16x1024xf32, #tpu.memory_space<hbm>> -> memref<16x1024xf32, #tpu.memory_space<hbm>>
      tpu.wait_dma2 semaphore(%run_scoped3A_304 : memref<!tpu.dma_semaphore, #tpu.memory_space<semaphore_mem>>) src(%arg6 : memref<16x1024xf32, #tpu.memory_space<vmem>>) dst(%dma_wait3A_316 : memref<16x1024xf32, #tpu.memory_space<hbm>>)
      tpu.yield
    }) : () -> ()
    %dma_start3A_266 = arith.constant 6 : i32
    %dma_start3A_267 = arith.constant 0 : i32
    %dma_start3A_268 = tpu.memref_slice %arg5[%dma_start3A_266, %dma_start3A_267] : memref<8x16xi32, #tpu.memory_space<vmem>> -> memref<1x16xi32, #tpu.memory_space<vmem>>
    %dma_start3A_269 = tpu.memref_squeeze %dma_start3A_268 : memref<1x16xi32, #tpu.memory_space<vmem>> -> memref<16xi32, #tpu.memory_space<vmem>>
    %dma_start3A_270 = arith.constant 0 : i32
    %dma_start3A_271 = arith.constant 0 : i32
    %dma_start3A_272 = tpu.memref_slice %arg2[%dma_start3A_270, %dma_start3A_271] : memref<12288x1024xf32, #tpu.memory_space<hbm>> -> memref<12288x1024xf32, #tpu.memory_space<hbm>>
    tpu.enqueue_indirect_dma source(%dma_start3A_272 : memref<12288x1024xf32, #tpu.memory_space<hbm>>) target(%arg6 : memref<16x1024xf32, #tpu.memory_space<vmem>>) offsets(%dma_start3A_269 : memref<16xi32, #tpu.memory_space<vmem>>) semaphore(%arg7 : memref<!tpu.dma_semaphore, #tpu.memory_space<semaphore_mem>>)
    %dma_wait3A_273 = arith.constant 6 : i32
    %dma_wait3A_274 = arith.constant 0 : i32
    %dma_wait3A_275 = tpu.memref_slice %arg5[%dma_wait3A_273, %dma_wait3A_274] : memref<8x16xi32, #tpu.memory_space<vmem>> -> memref<1x16xi32, #tpu.memory_space<vmem>>
    %dma_wait3A_276 = tpu.memref_squeeze %dma_wait3A_275 : memref<1x16xi32, #tpu.memory_space<vmem>> -> memref<16xi32, #tpu.memory_space<vmem>>
    %dma_wait3A_277 = arith.constant 0 : i32
    %dma_wait3A_278 = arith.constant 0 : i32
    %dma_wait3A_279 = tpu.memref_slice %arg2[%dma_wait3A_277, %dma_wait3A_278] : memref<12288x1024xf32, #tpu.memory_space<hbm>> -> memref<12288x1024xf32, #tpu.memory_space<hbm>>
    tpu.wait_indirect_dma semaphore(%arg7 : memref<!tpu.dma_semaphore, #tpu.memory_space<semaphore_mem>>) src(%dma_wait3A_279 : memref<12288x1024xf32, #tpu.memory_space<hbm>>) dst(%arg6 : memref<16x1024xf32, #tpu.memory_space<vmem>>)
    %mul3A_280 = arith.constant 128 : i32
    %mul3A_281 = arith.muli %add3A, %mul3A_280 : i32
    %add3A_282 = arith.constant 96 : i32
    %add3A_283 = arith.addi %mul3A_281, %add3A_282 : i32
    %run_scoped3A_284 = arith.constant 1 : i32
    "tpu.region"() ({
      %run_scoped3A_304 = tpu.sem_alloc : memref<!tpu.dma_semaphore, #tpu.memory_space<semaphore_mem>>
      %dma_start3A_305 = arith.constant 0 : i32
      %dma_start3A_306 = tpu.memref_slice %arg4[%run_scoped3A_284, %add3A_283, %dma_start3A_305] : memref<2x4096x1024xf32, #tpu.memory_space<hbm>> -> memref<1x16x1024xf32, #tpu.memory_space<hbm>>
      %dma_start3A_307 = tpu.memref_squeeze %dma_start3A_306 : memref<1x16x1024xf32, #tpu.memory_space<hbm>> -> memref<16x1024xf32, #tpu.memory_space<hbm>>
      %dma_start3A_308 = arith.constant 0 : i32
      %dma_start3A_309 = tpu.memref_slice %arg4[%run_scoped3A_284, %add3A_283, %dma_start3A_308] : memref<2x4096x1024xf32, #tpu.memory_space<hbm>> -> memref<1x16x1024xf32, #tpu.memory_space<hbm>>
      %dma_start3A_310 = tpu.memref_squeeze %dma_start3A_309 : memref<1x16x1024xf32, #tpu.memory_space<hbm>> -> memref<16x1024xf32, #tpu.memory_space<hbm>>
      tpu.enqueue_dma source(%arg6 : memref<16x1024xf32, #tpu.memory_space<vmem>>) target(%dma_start3A_310 : memref<16x1024xf32, #tpu.memory_space<hbm>>) target_semaphore(%run_scoped3A_304 : memref<!tpu.dma_semaphore, #tpu.memory_space<semaphore_mem>>)
      %dma_wait3A_311 = arith.constant 0 : i32
      %dma_wait3A_312 = tpu.memref_slice %arg4[%run_scoped3A_284, %add3A_283, %dma_wait3A_311] : memref<2x4096x1024xf32, #tpu.memory_space<hbm>> -> memref<1x16x1024xf32, #tpu.memory_space<hbm>>
      %dma_wait3A_313 = tpu.memref_squeeze %dma_wait3A_312 : memref<1x16x1024xf32, #tpu.memory_space<hbm>> -> memref<16x1024xf32, #tpu.memory_space<hbm>>
      %dma_wait3A_314 = arith.constant 0 : i32
      %dma_wait3A_315 = tpu.memref_slice %arg4[%run_scoped3A_284, %add3A_283, %dma_wait3A_314] : memref<2x4096x1024xf32, #tpu.memory_space<hbm>> -> memref<1x16x1024xf32, #tpu.memory_space<hbm>>
      %dma_wait3A_316 = tpu.memref_squeeze %dma_wait3A_315 : memref<1x16x1024xf32, #tpu.memory_space<hbm>> -> memref<16x1024xf32, #tpu.memory_space<hbm>>
      tpu.wait_dma2 semaphore(%run_scoped3A_304 : memref<!tpu.dma_semaphore, #tpu.memory_space<semaphore_mem>>) src(%arg6 : memref<16x1024xf32, #tpu.memory_space<vmem>>) dst(%dma_wait3A_316 : memref<16x1024xf32, #tpu.memory_space<hbm>>)
      tpu.yield
    }) : () -> ()
    %dma_start3A_285 = arith.constant 7 : i32
    %dma_start3A_286 = arith.constant 0 : i32
    %dma_start3A_287 = tpu.memref_slice %arg5[%dma_start3A_285, %dma_start3A_286] : memref<8x16xi32, #tpu.memory_space<vmem>> -> memref<1x16xi32, #tpu.memory_space<vmem>>
    %dma_start3A_288 = tpu.memref_squeeze %dma_start3A_287 : memref<1x16xi32, #tpu.memory_space<vmem>> -> memref<16xi32, #tpu.memory_space<vmem>>
    %dma_start3A_289 = arith.constant 0 : i32
    %dma_start3A_290 = arith.constant 0 : i32
    %dma_start3A_291 = tpu.memref_slice %arg2[%dma_start3A_289, %dma_start3A_290] : memref<12288x1024xf32, #tpu.memory_space<hbm>> -> memref<12288x1024xf32, #tpu.memory_space<hbm>>
    tpu.enqueue_indirect_dma source(%dma_start3A_291 : memref<12288x1024xf32, #tpu.memory_space<hbm>>) target(%arg6 : memref<16x1024xf32, #tpu.memory_space<vmem>>) offsets(%dma_start3A_288 : memref<16xi32, #tpu.memory_space<vmem>>) semaphore(%arg7 : memref<!tpu.dma_semaphore, #tpu.memory_space<semaphore_mem>>)
    %dma_wait3A_292 = arith.constant 7 : i32
    %dma_wait3A_293 = arith.constant 0 : i32
    %dma_wait3A_294 = tpu.memref_slice %arg5[%dma_wait3A_292, %dma_wait3A_293] : memref<8x16xi32, #tpu.memory_space<vmem>> -> memref<1x16xi32, #tpu.memory_space<vmem>>
    %dma_wait3A_295 = tpu.memref_squeeze %dma_wait3A_294 : memref<1x16xi32, #tpu.memory_space<vmem>> -> memref<16xi32, #tpu.memory_space<vmem>>
    %dma_wait3A_296 = arith.constant 0 : i32
    %dma_wait3A_297 = arith.constant 0 : i32
    %dma_wait3A_298 = tpu.memref_slice %arg2[%dma_wait3A_296, %dma_wait3A_297] : memref<12288x1024xf32, #tpu.memory_space<hbm>> -> memref<12288x1024xf32, #tpu.memory_space<hbm>>
    tpu.wait_indirect_dma semaphore(%arg7 : memref<!tpu.dma_semaphore, #tpu.memory_space<semaphore_mem>>) src(%dma_wait3A_298 : memref<12288x1024xf32, #tpu.memory_space<hbm>>) dst(%arg6 : memref<16x1024xf32, #tpu.memory_space<vmem>>)
    %mul3A_299 = arith.constant 128 : i32
    %mul3A_300 = arith.muli %add3A, %mul3A_299 : i32
    %add3A_301 = arith.constant 112 : i32
    %add3A_302 = arith.addi %mul3A_300, %add3A_301 : i32
    %run_scoped3A_303 = arith.constant 1 : i32
    "tpu.region"() ({
      %run_scoped3A_304 = tpu.sem_alloc : memref<!tpu.dma_semaphore, #tpu.memory_space<semaphore_mem>>
      %dma_start3A_305 = arith.constant 0 : i32
      %dma_start3A_306 = tpu.memref_slice %arg4[%run_scoped3A_303, %add3A_302, %dma_start3A_305] : memref<2x4096x1024xf32, #tpu.memory_space<hbm>> -> memref<1x16x1024xf32, #tpu.memory_space<hbm>>
      %dma_start3A_307 = tpu.memref_squeeze %dma_start3A_306 : memref<1x16x1024xf32, #tpu.memory_space<hbm>> -> memref<16x1024xf32, #tpu.memory_space<hbm>>
      %dma_start3A_308 = arith.constant 0 : i32
      %dma_start3A_309 = tpu.memref_slice %arg4[%run_scoped3A_303, %add3A_302, %dma_start3A_308] : memref<2x4096x1024xf32, #tpu.memory_space<hbm>> -> memref<1x16x1024xf32, #tpu.memory_space<hbm>>
      %dma_start3A_310 = tpu.memref_squeeze %dma_start3A_309 : memref<1x16x1024xf32, #tpu.memory_space<hbm>> -> memref<16x1024xf32, #tpu.memory_space<hbm>>
      tpu.enqueue_dma source(%arg6 : memref<16x1024xf32, #tpu.memory_space<vmem>>) target(%dma_start3A_310 : memref<16x1024xf32, #tpu.memory_space<hbm>>) target_semaphore(%run_scoped3A_304 : memref<!tpu.dma_semaphore, #tpu.memory_space<semaphore_mem>>)
      %dma_wait3A_311 = arith.constant 0 : i32
      %dma_wait3A_312 = tpu.memref_slice %arg4[%run_scoped3A_303, %add3A_302, %dma_wait3A_311] : memref<2x4096x1024xf32, #tpu.memory_space<hbm>> -> memref<1x16x1024xf32, #tpu.memory_space<hbm>>
      %dma_wait3A_313 = tpu.memref_squeeze %dma_wait3A_312 : memref<1x16x1024xf32, #tpu.memory_space<hbm>> -> memref<16x1024xf32, #tpu.memory_space<hbm>>
      %dma_wait3A_314 = arith.constant 0 : i32
      %dma_wait3A_315 = tpu.memref_slice %arg4[%run_scoped3A_303, %add3A_302, %dma_wait3A_314] : memref<2x4096x1024xf32, #tpu.memory_space<hbm>> -> memref<1x16x1024xf32, #tpu.memory_space<hbm>>
      %dma_wait3A_316 = tpu.memref_squeeze %dma_wait3A_315 : memref<1x16x1024xf32, #tpu.memory_space<hbm>> -> memref<16x1024xf32, #tpu.memory_space<hbm>>
      tpu.wait_dma2 semaphore(%run_scoped3A_304 : memref<!tpu.dma_semaphore, #tpu.memory_space<semaphore_mem>>) src(%arg6 : memref<16x1024xf32, #tpu.memory_space<vmem>>) dst(%dma_wait3A_316 : memref<16x1024xf32, #tpu.memory_space<hbm>>)
      tpu.yield
    }) : () -> ()
    return
  }
}

#map = affine_map<(d0, d1) -> (0, 0)>
#map1 = affine_map<(d0, d1) -> (0, 0, 0, 0)>
module attributes {stable_mosaic.version = 14 : i64} {
  func.func @k(%arg0: i32, %arg1: i32, %arg2: memref<4096x1024xf32, #tpu.memory_space<hbm>>, %arg3: memref<2x32x8x16xi32, #tpu.memory_space<hbm>>, %arg4: memref<12288x1024xf32, #tpu.memory_space<hbm>>, %arg5: memref<8x16xi32, #tpu.memory_space<vmem>>, %arg6: memref<8x16xi32, #tpu.memory_space<vmem>>, %arg7: memref<16x1024xf32, #tpu.memory_space<vmem>>, %arg8: memref<!tpu.dma_semaphore, #tpu.memory_space<semaphore_mem>>) attributes {dimension_semantics = [#tpu.dimension_semantics<core_parallel>, #tpu.dimension_semantics<subcore_parallel>], iteration_bounds = array<i64: 2, 16>, scalar_prefetch = 0 : i64, scratch_operands = 4 : i64, tpu.core_type = #tpu.core_type<sc_vector_subcore>, window_params = [{transform_indices = #map}, {transform_indices = #map1}, {transform_indices = #map}]} {
    %mul3A = arith.constant 2 : i32
    %mul3A_0 = arith.muli %arg1, %mul3A : i32
    %add3A = arith.addi %mul3A_0, %arg0 : i32
    %run_scoped3A = arith.constant 0 : i32
    "tpu.region"() ({
      %run_scoped3A_256 = tpu.sem_alloc : memref<!tpu.dma_semaphore, #tpu.memory_space<semaphore_mem>>
      %dma_start3A_257 = arith.constant 0 : i32
      %dma_start3A_258 = arith.constant 0 : i32
      %dma_start3A_259 = tpu.memref_slice %arg3[%run_scoped3A, %add3A, %dma_start3A_257, %dma_start3A_258] : memref<2x32x8x16xi32, #tpu.memory_space<hbm>> -> memref<1x1x8x16xi32, #tpu.memory_space<hbm>>
      %dma_start3A_260 = tpu.memref_squeeze %dma_start3A_259 : memref<1x1x8x16xi32, #tpu.memory_space<hbm>> -> memref<8x16xi32, #tpu.memory_space<hbm>>
      %dma_start3A_261 = arith.constant 0 : i32
      %dma_start3A_262 = arith.constant 0 : i32
      %dma_start3A_263 = tpu.memref_slice %arg3[%run_scoped3A, %add3A, %dma_start3A_261, %dma_start3A_262] : memref<2x32x8x16xi32, #tpu.memory_space<hbm>> -> memref<1x1x8x16xi32, #tpu.memory_space<hbm>>
      %dma_start3A_264 = tpu.memref_squeeze %dma_start3A_263 : memref<1x1x8x16xi32, #tpu.memory_space<hbm>> -> memref<8x16xi32, #tpu.memory_space<hbm>>
      tpu.enqueue_dma source(%dma_start3A_264 : memref<8x16xi32, #tpu.memory_space<hbm>>) target(%arg5 : memref<8x16xi32, #tpu.memory_space<vmem>>) target_semaphore(%run_scoped3A_256 : memref<!tpu.dma_semaphore, #tpu.memory_space<semaphore_mem>>)
      %dma_wait3A_265 = arith.constant 0 : i32
      %dma_wait3A_266 = arith.constant 0 : i32
      %dma_wait3A_267 = tpu.memref_slice %arg3[%run_scoped3A, %add3A, %dma_wait3A_265, %dma_wait3A_266] : memref<2x32x8x16xi32, #tpu.memory_space<hbm>> -> memref<1x1x8x16xi32, #tpu.memory_space<hbm>>
      %dma_wait3A_268 = tpu.memref_squeeze %dma_wait3A_267 : memref<1x1x8x16xi32, #tpu.memory_space<hbm>> -> memref<8x16xi32, #tpu.memory_space<hbm>>
      %dma_wait3A_269 = arith.constant 0 : i32
      %dma_wait3A_270 = arith.constant 0 : i32
      %dma_wait3A_271 = tpu.memref_slice %arg3[%run_scoped3A, %add3A, %dma_wait3A_269, %dma_wait3A_270] : memref<2x32x8x16xi32, #tpu.memory_space<hbm>> -> memref<1x1x8x16xi32, #tpu.memory_space<hbm>>
      %dma_wait3A_272 = tpu.memref_squeeze %dma_wait3A_271 : memref<1x1x8x16xi32, #tpu.memory_space<hbm>> -> memref<8x16xi32, #tpu.memory_space<hbm>>
      tpu.wait_dma2 semaphore(%run_scoped3A_256 : memref<!tpu.dma_semaphore, #tpu.memory_space<semaphore_mem>>) src(%dma_wait3A_272 : memref<8x16xi32, #tpu.memory_space<hbm>>) dst(%arg5 : memref<8x16xi32, #tpu.memory_space<vmem>>)
      tpu.yield
    }) : () -> ()
    %run_scoped3A_1 = arith.constant 1 : i32
    "tpu.region"() ({
      %run_scoped3A_256 = tpu.sem_alloc : memref<!tpu.dma_semaphore, #tpu.memory_space<semaphore_mem>>
      %dma_start3A_257 = arith.constant 0 : i32
      %dma_start3A_258 = arith.constant 0 : i32
      %dma_start3A_259 = tpu.memref_slice %arg3[%run_scoped3A_1, %add3A, %dma_start3A_257, %dma_start3A_258] : memref<2x32x8x16xi32, #tpu.memory_space<hbm>> -> memref<1x1x8x16xi32, #tpu.memory_space<hbm>>
      %dma_start3A_260 = tpu.memref_squeeze %dma_start3A_259 : memref<1x1x8x16xi32, #tpu.memory_space<hbm>> -> memref<8x16xi32, #tpu.memory_space<hbm>>
      %dma_start3A_261 = arith.constant 0 : i32
      %dma_start3A_262 = arith.constant 0 : i32
      %dma_start3A_263 = tpu.memref_slice %arg3[%run_scoped3A_1, %add3A, %dma_start3A_261, %dma_start3A_262] : memref<2x32x8x16xi32, #tpu.memory_space<hbm>> -> memref<1x1x8x16xi32, #tpu.memory_space<hbm>>
      %dma_start3A_264 = tpu.memref_squeeze %dma_start3A_263 : memref<1x1x8x16xi32, #tpu.memory_space<hbm>> -> memref<8x16xi32, #tpu.memory_space<hbm>>
      tpu.enqueue_dma source(%dma_start3A_264 : memref<8x16xi32, #tpu.memory_space<hbm>>) target(%arg6 : memref<8x16xi32, #tpu.memory_space<vmem>>) target_semaphore(%run_scoped3A_256 : memref<!tpu.dma_semaphore, #tpu.memory_space<semaphore_mem>>)
      %dma_wait3A_265 = arith.constant 0 : i32
      %dma_wait3A_266 = arith.constant 0 : i32
      %dma_wait3A_267 = tpu.memref_slice %arg3[%run_scoped3A_1, %add3A, %dma_wait3A_265, %dma_wait3A_266] : memref<2x32x8x16xi32, #tpu.memory_space<hbm>> -> memref<1x1x8x16xi32, #tpu.memory_space<hbm>>
      %dma_wait3A_268 = tpu.memref_squeeze %dma_wait3A_267 : memref<1x1x8x16xi32, #tpu.memory_space<hbm>> -> memref<8x16xi32, #tpu.memory_space<hbm>>
      %dma_wait3A_269 = arith.constant 0 : i32
      %dma_wait3A_270 = arith.constant 0 : i32
      %dma_wait3A_271 = tpu.memref_slice %arg3[%run_scoped3A_1, %add3A, %dma_wait3A_269, %dma_wait3A_270] : memref<2x32x8x16xi32, #tpu.memory_space<hbm>> -> memref<1x1x8x16xi32, #tpu.memory_space<hbm>>
      %dma_wait3A_272 = tpu.memref_squeeze %dma_wait3A_271 : memref<1x1x8x16xi32, #tpu.memory_space<hbm>> -> memref<8x16xi32, #tpu.memory_space<hbm>>
      tpu.wait_dma2 semaphore(%run_scoped3A_256 : memref<!tpu.dma_semaphore, #tpu.memory_space<semaphore_mem>>) src(%dma_wait3A_272 : memref<8x16xi32, #tpu.memory_space<hbm>>) dst(%arg6 : memref<8x16xi32, #tpu.memory_space<vmem>>)
      tpu.yield
    }) : () -> ()
    %mul3A_2 = arith.constant 128 : i32
    %mul3A_3 = arith.muli %add3A, %mul3A_2 : i32
    %add3A_4 = arith.constant 0 : i32
    %add3A_5 = arith.addi %mul3A_3, %add3A_4 : i32
    "tpu.region"() ({
      %run_scoped3A_256 = tpu.sem_alloc : memref<!tpu.dma_semaphore, #tpu.memory_space<semaphore_mem>>
      %dma_start3A_257 = arith.constant 0 : i32
      %dma_start3A_258 = tpu.memref_slice %arg2[%add3A_5, %dma_start3A_257] : memref<4096x1024xf32, #tpu.memory_space<hbm>> -> memref<16x1024xf32, #tpu.memory_space<hbm>>
      %dma_start3A_259 = arith.constant 0 : i32
      %dma_start3A_260 = tpu.memref_slice %arg2[%add3A_5, %dma_start3A_259] : memref<4096x1024xf32, #tpu.memory_space<hbm>> -> memref<16x1024xf32, #tpu.memory_space<hbm>>
      tpu.enqueue_dma source(%dma_start3A_260 : memref<16x1024xf32, #tpu.memory_space<hbm>>) target(%arg7 : memref<16x1024xf32, #tpu.memory_space<vmem>>) target_semaphore(%run_scoped3A_256 : memref<!tpu.dma_semaphore, #tpu.memory_space<semaphore_mem>>)
      %dma_wait3A_261 = arith.constant 0 : i32
      %dma_wait3A_262 = tpu.memref_slice %arg2[%add3A_5, %dma_wait3A_261] : memref<4096x1024xf32, #tpu.memory_space<hbm>> -> memref<16x1024xf32, #tpu.memory_space<hbm>>
      %dma_wait3A_263 = arith.constant 0 : i32
      %dma_wait3A_264 = tpu.memref_slice %arg2[%add3A_5, %dma_wait3A_263] : memref<4096x1024xf32, #tpu.memory_space<hbm>> -> memref<16x1024xf32, #tpu.memory_space<hbm>>
      tpu.wait_dma2 semaphore(%run_scoped3A_256 : memref<!tpu.dma_semaphore, #tpu.memory_space<semaphore_mem>>) src(%dma_wait3A_264 : memref<16x1024xf32, #tpu.memory_space<hbm>>) dst(%arg7 : memref<16x1024xf32, #tpu.memory_space<vmem>>)
      tpu.yield
    }) : () -> ()
    %dma_start3A = arith.constant 0 : i32
    %dma_start3A_6 = arith.constant 0 : i32
    %dma_start3A_7 = tpu.memref_slice %arg5[%dma_start3A, %dma_start3A_6] : memref<8x16xi32, #tpu.memory_space<vmem>> -> memref<1x16xi32, #tpu.memory_space<vmem>>
    %dma_start3A_8 = tpu.memref_squeeze %dma_start3A_7 : memref<1x16xi32, #tpu.memory_space<vmem>> -> memref<16xi32, #tpu.memory_space<vmem>>
    %dma_start3A_9 = arith.constant 0 : i32
    %dma_start3A_10 = arith.constant 0 : i32
    %dma_start3A_11 = tpu.memref_slice %arg4[%dma_start3A_9, %dma_start3A_10] : memref<12288x1024xf32, #tpu.memory_space<hbm>> -> memref<12288x1024xf32, #tpu.memory_space<hbm>>
    tpu.enqueue_indirect_dma source(%arg7 : memref<16x1024xf32, #tpu.memory_space<vmem>>) target(%dma_start3A_11 : memref<12288x1024xf32, #tpu.memory_space<hbm>>) offsets(%dma_start3A_8 : memref<16xi32, #tpu.memory_space<vmem>>) semaphore(%arg8 : memref<!tpu.dma_semaphore, #tpu.memory_space<semaphore_mem>>)
    %dma_start3A_12 = arith.constant 0 : i32
    %dma_start3A_13 = arith.constant 0 : i32
    %dma_start3A_14 = tpu.memref_slice %arg6[%dma_start3A_12, %dma_start3A_13] : memref<8x16xi32, #tpu.memory_space<vmem>> -> memref<1x16xi32, #tpu.memory_space<vmem>>
    %dma_start3A_15 = tpu.memref_squeeze %dma_start3A_14 : memref<1x16xi32, #tpu.memory_space<vmem>> -> memref<16xi32, #tpu.memory_space<vmem>>
    %dma_start3A_16 = arith.constant 0 : i32
    %dma_start3A_17 = arith.constant 0 : i32
    %dma_start3A_18 = tpu.memref_slice %arg4[%dma_start3A_16, %dma_start3A_17] : memref<12288x1024xf32, #tpu.memory_space<hbm>> -> memref<12288x1024xf32, #tpu.memory_space<hbm>>
    tpu.enqueue_indirect_dma source(%arg7 : memref<16x1024xf32, #tpu.memory_space<vmem>>) target(%dma_start3A_18 : memref<12288x1024xf32, #tpu.memory_space<hbm>>) offsets(%dma_start3A_15 : memref<16xi32, #tpu.memory_space<vmem>>) semaphore(%arg8 : memref<!tpu.dma_semaphore, #tpu.memory_space<semaphore_mem>>)
    %dma_wait3A = arith.constant 0 : i32
    %dma_wait3A_19 = arith.constant 0 : i32
    %dma_wait3A_20 = tpu.memref_slice %arg5[%dma_wait3A, %dma_wait3A_19] : memref<8x16xi32, #tpu.memory_space<vmem>> -> memref<1x16xi32, #tpu.memory_space<vmem>>
    %dma_wait3A_21 = tpu.memref_squeeze %dma_wait3A_20 : memref<1x16xi32, #tpu.memory_space<vmem>> -> memref<16xi32, #tpu.memory_space<vmem>>
    %dma_wait3A_22 = arith.constant 0 : i32
    %dma_wait3A_23 = arith.constant 0 : i32
    %dma_wait3A_24 = tpu.memref_slice %arg4[%dma_wait3A_22, %dma_wait3A_23] : memref<12288x1024xf32, #tpu.memory_space<hbm>> -> memref<12288x1024xf32, #tpu.memory_space<hbm>>
    tpu.wait_indirect_dma semaphore(%arg8 : memref<!tpu.dma_semaphore, #tpu.memory_space<semaphore_mem>>) src(%arg7 : memref<16x1024xf32, #tpu.memory_space<vmem>>) dst(%dma_wait3A_24 : memref<12288x1024xf32, #tpu.memory_space<hbm>>)
    %dma_wait3A_25 = arith.constant 0 : i32
    %dma_wait3A_26 = arith.constant 0 : i32
    %dma_wait3A_27 = tpu.memref_slice %arg6[%dma_wait3A_25, %dma_wait3A_26] : memref<8x16xi32, #tpu.memory_space<vmem>> -> memref<1x16xi32, #tpu.memory_space<vmem>>
    %dma_wait3A_28 = tpu.memref_squeeze %dma_wait3A_27 : memref<1x16xi32, #tpu.memory_space<vmem>> -> memref<16xi32, #tpu.memory_space<vmem>>
    %dma_wait3A_29 = arith.constant 0 : i32
    %dma_wait3A_30 = arith.constant 0 : i32
    %dma_wait3A_31 = tpu.memref_slice %arg4[%dma_wait3A_29, %dma_wait3A_30] : memref<12288x1024xf32, #tpu.memory_space<hbm>> -> memref<12288x1024xf32, #tpu.memory_space<hbm>>
    tpu.wait_indirect_dma semaphore(%arg8 : memref<!tpu.dma_semaphore, #tpu.memory_space<semaphore_mem>>) src(%arg7 : memref<16x1024xf32, #tpu.memory_space<vmem>>) dst(%dma_wait3A_31 : memref<12288x1024xf32, #tpu.memory_space<hbm>>)
    %mul3A_32 = arith.constant 128 : i32
    %mul3A_33 = arith.muli %add3A, %mul3A_32 : i32
    %add3A_34 = arith.constant 16 : i32
    %add3A_35 = arith.addi %mul3A_33, %add3A_34 : i32
    "tpu.region"() ({
      %run_scoped3A_256 = tpu.sem_alloc : memref<!tpu.dma_semaphore, #tpu.memory_space<semaphore_mem>>
      %dma_start3A_257 = arith.constant 0 : i32
      %dma_start3A_258 = tpu.memref_slice %arg2[%add3A_35, %dma_start3A_257] : memref<4096x1024xf32, #tpu.memory_space<hbm>> -> memref<16x1024xf32, #tpu.memory_space<hbm>>
      %dma_start3A_259 = arith.constant 0 : i32
      %dma_start3A_260 = tpu.memref_slice %arg2[%add3A_35, %dma_start3A_259] : memref<4096x1024xf32, #tpu.memory_space<hbm>> -> memref<16x1024xf32, #tpu.memory_space<hbm>>
      tpu.enqueue_dma source(%dma_start3A_260 : memref<16x1024xf32, #tpu.memory_space<hbm>>) target(%arg7 : memref<16x1024xf32, #tpu.memory_space<vmem>>) target_semaphore(%run_scoped3A_256 : memref<!tpu.dma_semaphore, #tpu.memory_space<semaphore_mem>>)
      %dma_wait3A_261 = arith.constant 0 : i32
      %dma_wait3A_262 = tpu.memref_slice %arg2[%add3A_35, %dma_wait3A_261] : memref<4096x1024xf32, #tpu.memory_space<hbm>> -> memref<16x1024xf32, #tpu.memory_space<hbm>>
      %dma_wait3A_263 = arith.constant 0 : i32
      %dma_wait3A_264 = tpu.memref_slice %arg2[%add3A_35, %dma_wait3A_263] : memref<4096x1024xf32, #tpu.memory_space<hbm>> -> memref<16x1024xf32, #tpu.memory_space<hbm>>
      tpu.wait_dma2 semaphore(%run_scoped3A_256 : memref<!tpu.dma_semaphore, #tpu.memory_space<semaphore_mem>>) src(%dma_wait3A_264 : memref<16x1024xf32, #tpu.memory_space<hbm>>) dst(%arg7 : memref<16x1024xf32, #tpu.memory_space<vmem>>)
      tpu.yield
    }) : () -> ()
    %dma_start3A_36 = arith.constant 1 : i32
    %dma_start3A_37 = arith.constant 0 : i32
    %dma_start3A_38 = tpu.memref_slice %arg5[%dma_start3A_36, %dma_start3A_37] : memref<8x16xi32, #tpu.memory_space<vmem>> -> memref<1x16xi32, #tpu.memory_space<vmem>>
    %dma_start3A_39 = tpu.memref_squeeze %dma_start3A_38 : memref<1x16xi32, #tpu.memory_space<vmem>> -> memref<16xi32, #tpu.memory_space<vmem>>
    %dma_start3A_40 = arith.constant 0 : i32
    %dma_start3A_41 = arith.constant 0 : i32
    %dma_start3A_42 = tpu.memref_slice %arg4[%dma_start3A_40, %dma_start3A_41] : memref<12288x1024xf32, #tpu.memory_space<hbm>> -> memref<12288x1024xf32, #tpu.memory_space<hbm>>
    tpu.enqueue_indirect_dma source(%arg7 : memref<16x1024xf32, #tpu.memory_space<vmem>>) target(%dma_start3A_42 : memref<12288x1024xf32, #tpu.memory_space<hbm>>) offsets(%dma_start3A_39 : memref<16xi32, #tpu.memory_space<vmem>>) semaphore(%arg8 : memref<!tpu.dma_semaphore, #tpu.memory_space<semaphore_mem>>)
    %dma_start3A_43 = arith.constant 1 : i32
    %dma_start3A_44 = arith.constant 0 : i32
    %dma_start3A_45 = tpu.memref_slice %arg6[%dma_start3A_43, %dma_start3A_44] : memref<8x16xi32, #tpu.memory_space<vmem>> -> memref<1x16xi32, #tpu.memory_space<vmem>>
    %dma_start3A_46 = tpu.memref_squeeze %dma_start3A_45 : memref<1x16xi32, #tpu.memory_space<vmem>> -> memref<16xi32, #tpu.memory_space<vmem>>
    %dma_start3A_47 = arith.constant 0 : i32
    %dma_start3A_48 = arith.constant 0 : i32
    %dma_start3A_49 = tpu.memref_slice %arg4[%dma_start3A_47, %dma_start3A_48] : memref<12288x1024xf32, #tpu.memory_space<hbm>> -> memref<12288x1024xf32, #tpu.memory_space<hbm>>
    tpu.enqueue_indirect_dma source(%arg7 : memref<16x1024xf32, #tpu.memory_space<vmem>>) target(%dma_start3A_49 : memref<12288x1024xf32, #tpu.memory_space<hbm>>) offsets(%dma_start3A_46 : memref<16xi32, #tpu.memory_space<vmem>>) semaphore(%arg8 : memref<!tpu.dma_semaphore, #tpu.memory_space<semaphore_mem>>)
    %dma_wait3A_50 = arith.constant 1 : i32
    %dma_wait3A_51 = arith.constant 0 : i32
    %dma_wait3A_52 = tpu.memref_slice %arg5[%dma_wait3A_50, %dma_wait3A_51] : memref<8x16xi32, #tpu.memory_space<vmem>> -> memref<1x16xi32, #tpu.memory_space<vmem>>
    %dma_wait3A_53 = tpu.memref_squeeze %dma_wait3A_52 : memref<1x16xi32, #tpu.memory_space<vmem>> -> memref<16xi32, #tpu.memory_space<vmem>>
    %dma_wait3A_54 = arith.constant 0 : i32
    %dma_wait3A_55 = arith.constant 0 : i32
    %dma_wait3A_56 = tpu.memref_slice %arg4[%dma_wait3A_54, %dma_wait3A_55] : memref<12288x1024xf32, #tpu.memory_space<hbm>> -> memref<12288x1024xf32, #tpu.memory_space<hbm>>
    tpu.wait_indirect_dma semaphore(%arg8 : memref<!tpu.dma_semaphore, #tpu.memory_space<semaphore_mem>>) src(%arg7 : memref<16x1024xf32, #tpu.memory_space<vmem>>) dst(%dma_wait3A_56 : memref<12288x1024xf32, #tpu.memory_space<hbm>>)
    %dma_wait3A_57 = arith.constant 1 : i32
    %dma_wait3A_58 = arith.constant 0 : i32
    %dma_wait3A_59 = tpu.memref_slice %arg6[%dma_wait3A_57, %dma_wait3A_58] : memref<8x16xi32, #tpu.memory_space<vmem>> -> memref<1x16xi32, #tpu.memory_space<vmem>>
    %dma_wait3A_60 = tpu.memref_squeeze %dma_wait3A_59 : memref<1x16xi32, #tpu.memory_space<vmem>> -> memref<16xi32, #tpu.memory_space<vmem>>
    %dma_wait3A_61 = arith.constant 0 : i32
    %dma_wait3A_62 = arith.constant 0 : i32
    %dma_wait3A_63 = tpu.memref_slice %arg4[%dma_wait3A_61, %dma_wait3A_62] : memref<12288x1024xf32, #tpu.memory_space<hbm>> -> memref<12288x1024xf32, #tpu.memory_space<hbm>>
    tpu.wait_indirect_dma semaphore(%arg8 : memref<!tpu.dma_semaphore, #tpu.memory_space<semaphore_mem>>) src(%arg7 : memref<16x1024xf32, #tpu.memory_space<vmem>>) dst(%dma_wait3A_63 : memref<12288x1024xf32, #tpu.memory_space<hbm>>)
    %mul3A_64 = arith.constant 128 : i32
    %mul3A_65 = arith.muli %add3A, %mul3A_64 : i32
    %add3A_66 = arith.constant 32 : i32
    %add3A_67 = arith.addi %mul3A_65, %add3A_66 : i32
    "tpu.region"() ({
      %run_scoped3A_256 = tpu.sem_alloc : memref<!tpu.dma_semaphore, #tpu.memory_space<semaphore_mem>>
      %dma_start3A_257 = arith.constant 0 : i32
      %dma_start3A_258 = tpu.memref_slice %arg2[%add3A_67, %dma_start3A_257] : memref<4096x1024xf32, #tpu.memory_space<hbm>> -> memref<16x1024xf32, #tpu.memory_space<hbm>>
      %dma_start3A_259 = arith.constant 0 : i32
      %dma_start3A_260 = tpu.memref_slice %arg2[%add3A_67, %dma_start3A_259] : memref<4096x1024xf32, #tpu.memory_space<hbm>> -> memref<16x1024xf32, #tpu.memory_space<hbm>>
      tpu.enqueue_dma source(%dma_start3A_260 : memref<16x1024xf32, #tpu.memory_space<hbm>>) target(%arg7 : memref<16x1024xf32, #tpu.memory_space<vmem>>) target_semaphore(%run_scoped3A_256 : memref<!tpu.dma_semaphore, #tpu.memory_space<semaphore_mem>>)
      %dma_wait3A_261 = arith.constant 0 : i32
      %dma_wait3A_262 = tpu.memref_slice %arg2[%add3A_67, %dma_wait3A_261] : memref<4096x1024xf32, #tpu.memory_space<hbm>> -> memref<16x1024xf32, #tpu.memory_space<hbm>>
      %dma_wait3A_263 = arith.constant 0 : i32
      %dma_wait3A_264 = tpu.memref_slice %arg2[%add3A_67, %dma_wait3A_263] : memref<4096x1024xf32, #tpu.memory_space<hbm>> -> memref<16x1024xf32, #tpu.memory_space<hbm>>
      tpu.wait_dma2 semaphore(%run_scoped3A_256 : memref<!tpu.dma_semaphore, #tpu.memory_space<semaphore_mem>>) src(%dma_wait3A_264 : memref<16x1024xf32, #tpu.memory_space<hbm>>) dst(%arg7 : memref<16x1024xf32, #tpu.memory_space<vmem>>)
      tpu.yield
    }) : () -> ()
    %dma_start3A_68 = arith.constant 2 : i32
    %dma_start3A_69 = arith.constant 0 : i32
    %dma_start3A_70 = tpu.memref_slice %arg5[%dma_start3A_68, %dma_start3A_69] : memref<8x16xi32, #tpu.memory_space<vmem>> -> memref<1x16xi32, #tpu.memory_space<vmem>>
    %dma_start3A_71 = tpu.memref_squeeze %dma_start3A_70 : memref<1x16xi32, #tpu.memory_space<vmem>> -> memref<16xi32, #tpu.memory_space<vmem>>
    %dma_start3A_72 = arith.constant 0 : i32
    %dma_start3A_73 = arith.constant 0 : i32
    %dma_start3A_74 = tpu.memref_slice %arg4[%dma_start3A_72, %dma_start3A_73] : memref<12288x1024xf32, #tpu.memory_space<hbm>> -> memref<12288x1024xf32, #tpu.memory_space<hbm>>
    tpu.enqueue_indirect_dma source(%arg7 : memref<16x1024xf32, #tpu.memory_space<vmem>>) target(%dma_start3A_74 : memref<12288x1024xf32, #tpu.memory_space<hbm>>) offsets(%dma_start3A_71 : memref<16xi32, #tpu.memory_space<vmem>>) semaphore(%arg8 : memref<!tpu.dma_semaphore, #tpu.memory_space<semaphore_mem>>)
    %dma_start3A_75 = arith.constant 2 : i32
    %dma_start3A_76 = arith.constant 0 : i32
    %dma_start3A_77 = tpu.memref_slice %arg6[%dma_start3A_75, %dma_start3A_76] : memref<8x16xi32, #tpu.memory_space<vmem>> -> memref<1x16xi32, #tpu.memory_space<vmem>>
    %dma_start3A_78 = tpu.memref_squeeze %dma_start3A_77 : memref<1x16xi32, #tpu.memory_space<vmem>> -> memref<16xi32, #tpu.memory_space<vmem>>
    %dma_start3A_79 = arith.constant 0 : i32
    %dma_start3A_80 = arith.constant 0 : i32
    %dma_start3A_81 = tpu.memref_slice %arg4[%dma_start3A_79, %dma_start3A_80] : memref<12288x1024xf32, #tpu.memory_space<hbm>> -> memref<12288x1024xf32, #tpu.memory_space<hbm>>
    tpu.enqueue_indirect_dma source(%arg7 : memref<16x1024xf32, #tpu.memory_space<vmem>>) target(%dma_start3A_81 : memref<12288x1024xf32, #tpu.memory_space<hbm>>) offsets(%dma_start3A_78 : memref<16xi32, #tpu.memory_space<vmem>>) semaphore(%arg8 : memref<!tpu.dma_semaphore, #tpu.memory_space<semaphore_mem>>)
    %dma_wait3A_82 = arith.constant 2 : i32
    %dma_wait3A_83 = arith.constant 0 : i32
    %dma_wait3A_84 = tpu.memref_slice %arg5[%dma_wait3A_82, %dma_wait3A_83] : memref<8x16xi32, #tpu.memory_space<vmem>> -> memref<1x16xi32, #tpu.memory_space<vmem>>
    %dma_wait3A_85 = tpu.memref_squeeze %dma_wait3A_84 : memref<1x16xi32, #tpu.memory_space<vmem>> -> memref<16xi32, #tpu.memory_space<vmem>>
    %dma_wait3A_86 = arith.constant 0 : i32
    %dma_wait3A_87 = arith.constant 0 : i32
    %dma_wait3A_88 = tpu.memref_slice %arg4[%dma_wait3A_86, %dma_wait3A_87] : memref<12288x1024xf32, #tpu.memory_space<hbm>> -> memref<12288x1024xf32, #tpu.memory_space<hbm>>
    tpu.wait_indirect_dma semaphore(%arg8 : memref<!tpu.dma_semaphore, #tpu.memory_space<semaphore_mem>>) src(%arg7 : memref<16x1024xf32, #tpu.memory_space<vmem>>) dst(%dma_wait3A_88 : memref<12288x1024xf32, #tpu.memory_space<hbm>>)
    %dma_wait3A_89 = arith.constant 2 : i32
    %dma_wait3A_90 = arith.constant 0 : i32
    %dma_wait3A_91 = tpu.memref_slice %arg6[%dma_wait3A_89, %dma_wait3A_90] : memref<8x16xi32, #tpu.memory_space<vmem>> -> memref<1x16xi32, #tpu.memory_space<vmem>>
    %dma_wait3A_92 = tpu.memref_squeeze %dma_wait3A_91 : memref<1x16xi32, #tpu.memory_space<vmem>> -> memref<16xi32, #tpu.memory_space<vmem>>
    %dma_wait3A_93 = arith.constant 0 : i32
    %dma_wait3A_94 = arith.constant 0 : i32
    %dma_wait3A_95 = tpu.memref_slice %arg4[%dma_wait3A_93, %dma_wait3A_94] : memref<12288x1024xf32, #tpu.memory_space<hbm>> -> memref<12288x1024xf32, #tpu.memory_space<hbm>>
    tpu.wait_indirect_dma semaphore(%arg8 : memref<!tpu.dma_semaphore, #tpu.memory_space<semaphore_mem>>) src(%arg7 : memref<16x1024xf32, #tpu.memory_space<vmem>>) dst(%dma_wait3A_95 : memref<12288x1024xf32, #tpu.memory_space<hbm>>)
    %mul3A_96 = arith.constant 128 : i32
    %mul3A_97 = arith.muli %add3A, %mul3A_96 : i32
    %add3A_98 = arith.constant 48 : i32
    %add3A_99 = arith.addi %mul3A_97, %add3A_98 : i32
    "tpu.region"() ({
      %run_scoped3A_256 = tpu.sem_alloc : memref<!tpu.dma_semaphore, #tpu.memory_space<semaphore_mem>>
      %dma_start3A_257 = arith.constant 0 : i32
      %dma_start3A_258 = tpu.memref_slice %arg2[%add3A_99, %dma_start3A_257] : memref<4096x1024xf32, #tpu.memory_space<hbm>> -> memref<16x1024xf32, #tpu.memory_space<hbm>>
      %dma_start3A_259 = arith.constant 0 : i32
      %dma_start3A_260 = tpu.memref_slice %arg2[%add3A_99, %dma_start3A_259] : memref<4096x1024xf32, #tpu.memory_space<hbm>> -> memref<16x1024xf32, #tpu.memory_space<hbm>>
      tpu.enqueue_dma source(%dma_start3A_260 : memref<16x1024xf32, #tpu.memory_space<hbm>>) target(%arg7 : memref<16x1024xf32, #tpu.memory_space<vmem>>) target_semaphore(%run_scoped3A_256 : memref<!tpu.dma_semaphore, #tpu.memory_space<semaphore_mem>>)
      %dma_wait3A_261 = arith.constant 0 : i32
      %dma_wait3A_262 = tpu.memref_slice %arg2[%add3A_99, %dma_wait3A_261] : memref<4096x1024xf32, #tpu.memory_space<hbm>> -> memref<16x1024xf32, #tpu.memory_space<hbm>>
      %dma_wait3A_263 = arith.constant 0 : i32
      %dma_wait3A_264 = tpu.memref_slice %arg2[%add3A_99, %dma_wait3A_263] : memref<4096x1024xf32, #tpu.memory_space<hbm>> -> memref<16x1024xf32, #tpu.memory_space<hbm>>
      tpu.wait_dma2 semaphore(%run_scoped3A_256 : memref<!tpu.dma_semaphore, #tpu.memory_space<semaphore_mem>>) src(%dma_wait3A_264 : memref<16x1024xf32, #tpu.memory_space<hbm>>) dst(%arg7 : memref<16x1024xf32, #tpu.memory_space<vmem>>)
      tpu.yield
    }) : () -> ()
    %dma_start3A_100 = arith.constant 3 : i32
    %dma_start3A_101 = arith.constant 0 : i32
    %dma_start3A_102 = tpu.memref_slice %arg5[%dma_start3A_100, %dma_start3A_101] : memref<8x16xi32, #tpu.memory_space<vmem>> -> memref<1x16xi32, #tpu.memory_space<vmem>>
    %dma_start3A_103 = tpu.memref_squeeze %dma_start3A_102 : memref<1x16xi32, #tpu.memory_space<vmem>> -> memref<16xi32, #tpu.memory_space<vmem>>
    %dma_start3A_104 = arith.constant 0 : i32
    %dma_start3A_105 = arith.constant 0 : i32
    %dma_start3A_106 = tpu.memref_slice %arg4[%dma_start3A_104, %dma_start3A_105] : memref<12288x1024xf32, #tpu.memory_space<hbm>> -> memref<12288x1024xf32, #tpu.memory_space<hbm>>
    tpu.enqueue_indirect_dma source(%arg7 : memref<16x1024xf32, #tpu.memory_space<vmem>>) target(%dma_start3A_106 : memref<12288x1024xf32, #tpu.memory_space<hbm>>) offsets(%dma_start3A_103 : memref<16xi32, #tpu.memory_space<vmem>>) semaphore(%arg8 : memref<!tpu.dma_semaphore, #tpu.memory_space<semaphore_mem>>)
    %dma_start3A_107 = arith.constant 3 : i32
    %dma_start3A_108 = arith.constant 0 : i32
    %dma_start3A_109 = tpu.memref_slice %arg6[%dma_start3A_107, %dma_start3A_108] : memref<8x16xi32, #tpu.memory_space<vmem>> -> memref<1x16xi32, #tpu.memory_space<vmem>>
    %dma_start3A_110 = tpu.memref_squeeze %dma_start3A_109 : memref<1x16xi32, #tpu.memory_space<vmem>> -> memref<16xi32, #tpu.memory_space<vmem>>
    %dma_start3A_111 = arith.constant 0 : i32
    %dma_start3A_112 = arith.constant 0 : i32
    %dma_start3A_113 = tpu.memref_slice %arg4[%dma_start3A_111, %dma_start3A_112] : memref<12288x1024xf32, #tpu.memory_space<hbm>> -> memref<12288x1024xf32, #tpu.memory_space<hbm>>
    tpu.enqueue_indirect_dma source(%arg7 : memref<16x1024xf32, #tpu.memory_space<vmem>>) target(%dma_start3A_113 : memref<12288x1024xf32, #tpu.memory_space<hbm>>) offsets(%dma_start3A_110 : memref<16xi32, #tpu.memory_space<vmem>>) semaphore(%arg8 : memref<!tpu.dma_semaphore, #tpu.memory_space<semaphore_mem>>)
    %dma_wait3A_114 = arith.constant 3 : i32
    %dma_wait3A_115 = arith.constant 0 : i32
    %dma_wait3A_116 = tpu.memref_slice %arg5[%dma_wait3A_114, %dma_wait3A_115] : memref<8x16xi32, #tpu.memory_space<vmem>> -> memref<1x16xi32, #tpu.memory_space<vmem>>
    %dma_wait3A_117 = tpu.memref_squeeze %dma_wait3A_116 : memref<1x16xi32, #tpu.memory_space<vmem>> -> memref<16xi32, #tpu.memory_space<vmem>>
    %dma_wait3A_118 = arith.constant 0 : i32
    %dma_wait3A_119 = arith.constant 0 : i32
    %dma_wait3A_120 = tpu.memref_slice %arg4[%dma_wait3A_118, %dma_wait3A_119] : memref<12288x1024xf32, #tpu.memory_space<hbm>> -> memref<12288x1024xf32, #tpu.memory_space<hbm>>
    tpu.wait_indirect_dma semaphore(%arg8 : memref<!tpu.dma_semaphore, #tpu.memory_space<semaphore_mem>>) src(%arg7 : memref<16x1024xf32, #tpu.memory_space<vmem>>) dst(%dma_wait3A_120 : memref<12288x1024xf32, #tpu.memory_space<hbm>>)
    %dma_wait3A_121 = arith.constant 3 : i32
    %dma_wait3A_122 = arith.constant 0 : i32
    %dma_wait3A_123 = tpu.memref_slice %arg6[%dma_wait3A_121, %dma_wait3A_122] : memref<8x16xi32, #tpu.memory_space<vmem>> -> memref<1x16xi32, #tpu.memory_space<vmem>>
    %dma_wait3A_124 = tpu.memref_squeeze %dma_wait3A_123 : memref<1x16xi32, #tpu.memory_space<vmem>> -> memref<16xi32, #tpu.memory_space<vmem>>
    %dma_wait3A_125 = arith.constant 0 : i32
    %dma_wait3A_126 = arith.constant 0 : i32
    %dma_wait3A_127 = tpu.memref_slice %arg4[%dma_wait3A_125, %dma_wait3A_126] : memref<12288x1024xf32, #tpu.memory_space<hbm>> -> memref<12288x1024xf32, #tpu.memory_space<hbm>>
    tpu.wait_indirect_dma semaphore(%arg8 : memref<!tpu.dma_semaphore, #tpu.memory_space<semaphore_mem>>) src(%arg7 : memref<16x1024xf32, #tpu.memory_space<vmem>>) dst(%dma_wait3A_127 : memref<12288x1024xf32, #tpu.memory_space<hbm>>)
    %mul3A_128 = arith.constant 128 : i32
    %mul3A_129 = arith.muli %add3A, %mul3A_128 : i32
    %add3A_130 = arith.constant 64 : i32
    %add3A_131 = arith.addi %mul3A_129, %add3A_130 : i32
    "tpu.region"() ({
      %run_scoped3A_256 = tpu.sem_alloc : memref<!tpu.dma_semaphore, #tpu.memory_space<semaphore_mem>>
      %dma_start3A_257 = arith.constant 0 : i32
      %dma_start3A_258 = tpu.memref_slice %arg2[%add3A_131, %dma_start3A_257] : memref<4096x1024xf32, #tpu.memory_space<hbm>> -> memref<16x1024xf32, #tpu.memory_space<hbm>>
      %dma_start3A_259 = arith.constant 0 : i32
      %dma_start3A_260 = tpu.memref_slice %arg2[%add3A_131, %dma_start3A_259] : memref<4096x1024xf32, #tpu.memory_space<hbm>> -> memref<16x1024xf32, #tpu.memory_space<hbm>>
      tpu.enqueue_dma source(%dma_start3A_260 : memref<16x1024xf32, #tpu.memory_space<hbm>>) target(%arg7 : memref<16x1024xf32, #tpu.memory_space<vmem>>) target_semaphore(%run_scoped3A_256 : memref<!tpu.dma_semaphore, #tpu.memory_space<semaphore_mem>>)
      %dma_wait3A_261 = arith.constant 0 : i32
      %dma_wait3A_262 = tpu.memref_slice %arg2[%add3A_131, %dma_wait3A_261] : memref<4096x1024xf32, #tpu.memory_space<hbm>> -> memref<16x1024xf32, #tpu.memory_space<hbm>>
      %dma_wait3A_263 = arith.constant 0 : i32
      %dma_wait3A_264 = tpu.memref_slice %arg2[%add3A_131, %dma_wait3A_263] : memref<4096x1024xf32, #tpu.memory_space<hbm>> -> memref<16x1024xf32, #tpu.memory_space<hbm>>
      tpu.wait_dma2 semaphore(%run_scoped3A_256 : memref<!tpu.dma_semaphore, #tpu.memory_space<semaphore_mem>>) src(%dma_wait3A_264 : memref<16x1024xf32, #tpu.memory_space<hbm>>) dst(%arg7 : memref<16x1024xf32, #tpu.memory_space<vmem>>)
      tpu.yield
    }) : () -> ()
    %dma_start3A_132 = arith.constant 4 : i32
    %dma_start3A_133 = arith.constant 0 : i32
    %dma_start3A_134 = tpu.memref_slice %arg5[%dma_start3A_132, %dma_start3A_133] : memref<8x16xi32, #tpu.memory_space<vmem>> -> memref<1x16xi32, #tpu.memory_space<vmem>>
    %dma_start3A_135 = tpu.memref_squeeze %dma_start3A_134 : memref<1x16xi32, #tpu.memory_space<vmem>> -> memref<16xi32, #tpu.memory_space<vmem>>
    %dma_start3A_136 = arith.constant 0 : i32
    %dma_start3A_137 = arith.constant 0 : i32
    %dma_start3A_138 = tpu.memref_slice %arg4[%dma_start3A_136, %dma_start3A_137] : memref<12288x1024xf32, #tpu.memory_space<hbm>> -> memref<12288x1024xf32, #tpu.memory_space<hbm>>
    tpu.enqueue_indirect_dma source(%arg7 : memref<16x1024xf32, #tpu.memory_space<vmem>>) target(%dma_start3A_138 : memref<12288x1024xf32, #tpu.memory_space<hbm>>) offsets(%dma_start3A_135 : memref<16xi32, #tpu.memory_space<vmem>>) semaphore(%arg8 : memref<!tpu.dma_semaphore, #tpu.memory_space<semaphore_mem>>)
    %dma_start3A_139 = arith.constant 4 : i32
    %dma_start3A_140 = arith.constant 0 : i32
    %dma_start3A_141 = tpu.memref_slice %arg6[%dma_start3A_139, %dma_start3A_140] : memref<8x16xi32, #tpu.memory_space<vmem>> -> memref<1x16xi32, #tpu.memory_space<vmem>>
    %dma_start3A_142 = tpu.memref_squeeze %dma_start3A_141 : memref<1x16xi32, #tpu.memory_space<vmem>> -> memref<16xi32, #tpu.memory_space<vmem>>
    %dma_start3A_143 = arith.constant 0 : i32
    %dma_start3A_144 = arith.constant 0 : i32
    %dma_start3A_145 = tpu.memref_slice %arg4[%dma_start3A_143, %dma_start3A_144] : memref<12288x1024xf32, #tpu.memory_space<hbm>> -> memref<12288x1024xf32, #tpu.memory_space<hbm>>
    tpu.enqueue_indirect_dma source(%arg7 : memref<16x1024xf32, #tpu.memory_space<vmem>>) target(%dma_start3A_145 : memref<12288x1024xf32, #tpu.memory_space<hbm>>) offsets(%dma_start3A_142 : memref<16xi32, #tpu.memory_space<vmem>>) semaphore(%arg8 : memref<!tpu.dma_semaphore, #tpu.memory_space<semaphore_mem>>)
    %dma_wait3A_146 = arith.constant 4 : i32
    %dma_wait3A_147 = arith.constant 0 : i32
    %dma_wait3A_148 = tpu.memref_slice %arg5[%dma_wait3A_146, %dma_wait3A_147] : memref<8x16xi32, #tpu.memory_space<vmem>> -> memref<1x16xi32, #tpu.memory_space<vmem>>
    %dma_wait3A_149 = tpu.memref_squeeze %dma_wait3A_148 : memref<1x16xi32, #tpu.memory_space<vmem>> -> memref<16xi32, #tpu.memory_space<vmem>>
    %dma_wait3A_150 = arith.constant 0 : i32
    %dma_wait3A_151 = arith.constant 0 : i32
    %dma_wait3A_152 = tpu.memref_slice %arg4[%dma_wait3A_150, %dma_wait3A_151] : memref<12288x1024xf32, #tpu.memory_space<hbm>> -> memref<12288x1024xf32, #tpu.memory_space<hbm>>
    tpu.wait_indirect_dma semaphore(%arg8 : memref<!tpu.dma_semaphore, #tpu.memory_space<semaphore_mem>>) src(%arg7 : memref<16x1024xf32, #tpu.memory_space<vmem>>) dst(%dma_wait3A_152 : memref<12288x1024xf32, #tpu.memory_space<hbm>>)
    %dma_wait3A_153 = arith.constant 4 : i32
    %dma_wait3A_154 = arith.constant 0 : i32
    %dma_wait3A_155 = tpu.memref_slice %arg6[%dma_wait3A_153, %dma_wait3A_154] : memref<8x16xi32, #tpu.memory_space<vmem>> -> memref<1x16xi32, #tpu.memory_space<vmem>>
    %dma_wait3A_156 = tpu.memref_squeeze %dma_wait3A_155 : memref<1x16xi32, #tpu.memory_space<vmem>> -> memref<16xi32, #tpu.memory_space<vmem>>
    %dma_wait3A_157 = arith.constant 0 : i32
    %dma_wait3A_158 = arith.constant 0 : i32
    %dma_wait3A_159 = tpu.memref_slice %arg4[%dma_wait3A_157, %dma_wait3A_158] : memref<12288x1024xf32, #tpu.memory_space<hbm>> -> memref<12288x1024xf32, #tpu.memory_space<hbm>>
    tpu.wait_indirect_dma semaphore(%arg8 : memref<!tpu.dma_semaphore, #tpu.memory_space<semaphore_mem>>) src(%arg7 : memref<16x1024xf32, #tpu.memory_space<vmem>>) dst(%dma_wait3A_159 : memref<12288x1024xf32, #tpu.memory_space<hbm>>)
    %mul3A_160 = arith.constant 128 : i32
    %mul3A_161 = arith.muli %add3A, %mul3A_160 : i32
    %add3A_162 = arith.constant 80 : i32
    %add3A_163 = arith.addi %mul3A_161, %add3A_162 : i32
    "tpu.region"() ({
      %run_scoped3A_256 = tpu.sem_alloc : memref<!tpu.dma_semaphore, #tpu.memory_space<semaphore_mem>>
      %dma_start3A_257 = arith.constant 0 : i32
      %dma_start3A_258 = tpu.memref_slice %arg2[%add3A_163, %dma_start3A_257] : memref<4096x1024xf32, #tpu.memory_space<hbm>> -> memref<16x1024xf32, #tpu.memory_space<hbm>>
      %dma_start3A_259 = arith.constant 0 : i32
      %dma_start3A_260 = tpu.memref_slice %arg2[%add3A_163, %dma_start3A_259] : memref<4096x1024xf32, #tpu.memory_space<hbm>> -> memref<16x1024xf32, #tpu.memory_space<hbm>>
      tpu.enqueue_dma source(%dma_start3A_260 : memref<16x1024xf32, #tpu.memory_space<hbm>>) target(%arg7 : memref<16x1024xf32, #tpu.memory_space<vmem>>) target_semaphore(%run_scoped3A_256 : memref<!tpu.dma_semaphore, #tpu.memory_space<semaphore_mem>>)
      %dma_wait3A_261 = arith.constant 0 : i32
      %dma_wait3A_262 = tpu.memref_slice %arg2[%add3A_163, %dma_wait3A_261] : memref<4096x1024xf32, #tpu.memory_space<hbm>> -> memref<16x1024xf32, #tpu.memory_space<hbm>>
      %dma_wait3A_263 = arith.constant 0 : i32
      %dma_wait3A_264 = tpu.memref_slice %arg2[%add3A_163, %dma_wait3A_263] : memref<4096x1024xf32, #tpu.memory_space<hbm>> -> memref<16x1024xf32, #tpu.memory_space<hbm>>
      tpu.wait_dma2 semaphore(%run_scoped3A_256 : memref<!tpu.dma_semaphore, #tpu.memory_space<semaphore_mem>>) src(%dma_wait3A_264 : memref<16x1024xf32, #tpu.memory_space<hbm>>) dst(%arg7 : memref<16x1024xf32, #tpu.memory_space<vmem>>)
      tpu.yield
    }) : () -> ()
    %dma_start3A_164 = arith.constant 5 : i32
    %dma_start3A_165 = arith.constant 0 : i32
    %dma_start3A_166 = tpu.memref_slice %arg5[%dma_start3A_164, %dma_start3A_165] : memref<8x16xi32, #tpu.memory_space<vmem>> -> memref<1x16xi32, #tpu.memory_space<vmem>>
    %dma_start3A_167 = tpu.memref_squeeze %dma_start3A_166 : memref<1x16xi32, #tpu.memory_space<vmem>> -> memref<16xi32, #tpu.memory_space<vmem>>
    %dma_start3A_168 = arith.constant 0 : i32
    %dma_start3A_169 = arith.constant 0 : i32
    %dma_start3A_170 = tpu.memref_slice %arg4[%dma_start3A_168, %dma_start3A_169] : memref<12288x1024xf32, #tpu.memory_space<hbm>> -> memref<12288x1024xf32, #tpu.memory_space<hbm>>
    tpu.enqueue_indirect_dma source(%arg7 : memref<16x1024xf32, #tpu.memory_space<vmem>>) target(%dma_start3A_170 : memref<12288x1024xf32, #tpu.memory_space<hbm>>) offsets(%dma_start3A_167 : memref<16xi32, #tpu.memory_space<vmem>>) semaphore(%arg8 : memref<!tpu.dma_semaphore, #tpu.memory_space<semaphore_mem>>)
    %dma_start3A_171 = arith.constant 5 : i32
    %dma_start3A_172 = arith.constant 0 : i32
    %dma_start3A_173 = tpu.memref_slice %arg6[%dma_start3A_171, %dma_start3A_172] : memref<8x16xi32, #tpu.memory_space<vmem>> -> memref<1x16xi32, #tpu.memory_space<vmem>>
    %dma_start3A_174 = tpu.memref_squeeze %dma_start3A_173 : memref<1x16xi32, #tpu.memory_space<vmem>> -> memref<16xi32, #tpu.memory_space<vmem>>
    %dma_start3A_175 = arith.constant 0 : i32
    %dma_start3A_176 = arith.constant 0 : i32
    %dma_start3A_177 = tpu.memref_slice %arg4[%dma_start3A_175, %dma_start3A_176] : memref<12288x1024xf32, #tpu.memory_space<hbm>> -> memref<12288x1024xf32, #tpu.memory_space<hbm>>
    tpu.enqueue_indirect_dma source(%arg7 : memref<16x1024xf32, #tpu.memory_space<vmem>>) target(%dma_start3A_177 : memref<12288x1024xf32, #tpu.memory_space<hbm>>) offsets(%dma_start3A_174 : memref<16xi32, #tpu.memory_space<vmem>>) semaphore(%arg8 : memref<!tpu.dma_semaphore, #tpu.memory_space<semaphore_mem>>)
    %dma_wait3A_178 = arith.constant 5 : i32
    %dma_wait3A_179 = arith.constant 0 : i32
    %dma_wait3A_180 = tpu.memref_slice %arg5[%dma_wait3A_178, %dma_wait3A_179] : memref<8x16xi32, #tpu.memory_space<vmem>> -> memref<1x16xi32, #tpu.memory_space<vmem>>
    %dma_wait3A_181 = tpu.memref_squeeze %dma_wait3A_180 : memref<1x16xi32, #tpu.memory_space<vmem>> -> memref<16xi32, #tpu.memory_space<vmem>>
    %dma_wait3A_182 = arith.constant 0 : i32
    %dma_wait3A_183 = arith.constant 0 : i32
    %dma_wait3A_184 = tpu.memref_slice %arg4[%dma_wait3A_182, %dma_wait3A_183] : memref<12288x1024xf32, #tpu.memory_space<hbm>> -> memref<12288x1024xf32, #tpu.memory_space<hbm>>
    tpu.wait_indirect_dma semaphore(%arg8 : memref<!tpu.dma_semaphore, #tpu.memory_space<semaphore_mem>>) src(%arg7 : memref<16x1024xf32, #tpu.memory_space<vmem>>) dst(%dma_wait3A_184 : memref<12288x1024xf32, #tpu.memory_space<hbm>>)
    %dma_wait3A_185 = arith.constant 5 : i32
    %dma_wait3A_186 = arith.constant 0 : i32
    %dma_wait3A_187 = tpu.memref_slice %arg6[%dma_wait3A_185, %dma_wait3A_186] : memref<8x16xi32, #tpu.memory_space<vmem>> -> memref<1x16xi32, #tpu.memory_space<vmem>>
    %dma_wait3A_188 = tpu.memref_squeeze %dma_wait3A_187 : memref<1x16xi32, #tpu.memory_space<vmem>> -> memref<16xi32, #tpu.memory_space<vmem>>
    %dma_wait3A_189 = arith.constant 0 : i32
    %dma_wait3A_190 = arith.constant 0 : i32
    %dma_wait3A_191 = tpu.memref_slice %arg4[%dma_wait3A_189, %dma_wait3A_190] : memref<12288x1024xf32, #tpu.memory_space<hbm>> -> memref<12288x1024xf32, #tpu.memory_space<hbm>>
    tpu.wait_indirect_dma semaphore(%arg8 : memref<!tpu.dma_semaphore, #tpu.memory_space<semaphore_mem>>) src(%arg7 : memref<16x1024xf32, #tpu.memory_space<vmem>>) dst(%dma_wait3A_191 : memref<12288x1024xf32, #tpu.memory_space<hbm>>)
    %mul3A_192 = arith.constant 128 : i32
    %mul3A_193 = arith.muli %add3A, %mul3A_192 : i32
    %add3A_194 = arith.constant 96 : i32
    %add3A_195 = arith.addi %mul3A_193, %add3A_194 : i32
    "tpu.region"() ({
      %run_scoped3A_256 = tpu.sem_alloc : memref<!tpu.dma_semaphore, #tpu.memory_space<semaphore_mem>>
      %dma_start3A_257 = arith.constant 0 : i32
      %dma_start3A_258 = tpu.memref_slice %arg2[%add3A_195, %dma_start3A_257] : memref<4096x1024xf32, #tpu.memory_space<hbm>> -> memref<16x1024xf32, #tpu.memory_space<hbm>>
      %dma_start3A_259 = arith.constant 0 : i32
      %dma_start3A_260 = tpu.memref_slice %arg2[%add3A_195, %dma_start3A_259] : memref<4096x1024xf32, #tpu.memory_space<hbm>> -> memref<16x1024xf32, #tpu.memory_space<hbm>>
      tpu.enqueue_dma source(%dma_start3A_260 : memref<16x1024xf32, #tpu.memory_space<hbm>>) target(%arg7 : memref<16x1024xf32, #tpu.memory_space<vmem>>) target_semaphore(%run_scoped3A_256 : memref<!tpu.dma_semaphore, #tpu.memory_space<semaphore_mem>>)
      %dma_wait3A_261 = arith.constant 0 : i32
      %dma_wait3A_262 = tpu.memref_slice %arg2[%add3A_195, %dma_wait3A_261] : memref<4096x1024xf32, #tpu.memory_space<hbm>> -> memref<16x1024xf32, #tpu.memory_space<hbm>>
      %dma_wait3A_263 = arith.constant 0 : i32
      %dma_wait3A_264 = tpu.memref_slice %arg2[%add3A_195, %dma_wait3A_263] : memref<4096x1024xf32, #tpu.memory_space<hbm>> -> memref<16x1024xf32, #tpu.memory_space<hbm>>
      tpu.wait_dma2 semaphore(%run_scoped3A_256 : memref<!tpu.dma_semaphore, #tpu.memory_space<semaphore_mem>>) src(%dma_wait3A_264 : memref<16x1024xf32, #tpu.memory_space<hbm>>) dst(%arg7 : memref<16x1024xf32, #tpu.memory_space<vmem>>)
      tpu.yield
    }) : () -> ()
    %dma_start3A_196 = arith.constant 6 : i32
    %dma_start3A_197 = arith.constant 0 : i32
    %dma_start3A_198 = tpu.memref_slice %arg5[%dma_start3A_196, %dma_start3A_197] : memref<8x16xi32, #tpu.memory_space<vmem>> -> memref<1x16xi32, #tpu.memory_space<vmem>>
    %dma_start3A_199 = tpu.memref_squeeze %dma_start3A_198 : memref<1x16xi32, #tpu.memory_space<vmem>> -> memref<16xi32, #tpu.memory_space<vmem>>
    %dma_start3A_200 = arith.constant 0 : i32
    %dma_start3A_201 = arith.constant 0 : i32
    %dma_start3A_202 = tpu.memref_slice %arg4[%dma_start3A_200, %dma_start3A_201] : memref<12288x1024xf32, #tpu.memory_space<hbm>> -> memref<12288x1024xf32, #tpu.memory_space<hbm>>
    tpu.enqueue_indirect_dma source(%arg7 : memref<16x1024xf32, #tpu.memory_space<vmem>>) target(%dma_start3A_202 : memref<12288x1024xf32, #tpu.memory_space<hbm>>) offsets(%dma_start3A_199 : memref<16xi32, #tpu.memory_space<vmem>>) semaphore(%arg8 : memref<!tpu.dma_semaphore, #tpu.memory_space<semaphore_mem>>)
    %dma_start3A_203 = arith.constant 6 : i32
    %dma_start3A_204 = arith.constant 0 : i32
    %dma_start3A_205 = tpu.memref_slice %arg6[%dma_start3A_203, %dma_start3A_204] : memref<8x16xi32, #tpu.memory_space<vmem>> -> memref<1x16xi32, #tpu.memory_space<vmem>>
    %dma_start3A_206 = tpu.memref_squeeze %dma_start3A_205 : memref<1x16xi32, #tpu.memory_space<vmem>> -> memref<16xi32, #tpu.memory_space<vmem>>
    %dma_start3A_207 = arith.constant 0 : i32
    %dma_start3A_208 = arith.constant 0 : i32
    %dma_start3A_209 = tpu.memref_slice %arg4[%dma_start3A_207, %dma_start3A_208] : memref<12288x1024xf32, #tpu.memory_space<hbm>> -> memref<12288x1024xf32, #tpu.memory_space<hbm>>
    tpu.enqueue_indirect_dma source(%arg7 : memref<16x1024xf32, #tpu.memory_space<vmem>>) target(%dma_start3A_209 : memref<12288x1024xf32, #tpu.memory_space<hbm>>) offsets(%dma_start3A_206 : memref<16xi32, #tpu.memory_space<vmem>>) semaphore(%arg8 : memref<!tpu.dma_semaphore, #tpu.memory_space<semaphore_mem>>)
    %dma_wait3A_210 = arith.constant 6 : i32
    %dma_wait3A_211 = arith.constant 0 : i32
    %dma_wait3A_212 = tpu.memref_slice %arg5[%dma_wait3A_210, %dma_wait3A_211] : memref<8x16xi32, #tpu.memory_space<vmem>> -> memref<1x16xi32, #tpu.memory_space<vmem>>
    %dma_wait3A_213 = tpu.memref_squeeze %dma_wait3A_212 : memref<1x16xi32, #tpu.memory_space<vmem>> -> memref<16xi32, #tpu.memory_space<vmem>>
    %dma_wait3A_214 = arith.constant 0 : i32
    %dma_wait3A_215 = arith.constant 0 : i32
    %dma_wait3A_216 = tpu.memref_slice %arg4[%dma_wait3A_214, %dma_wait3A_215] : memref<12288x1024xf32, #tpu.memory_space<hbm>> -> memref<12288x1024xf32, #tpu.memory_space<hbm>>
    tpu.wait_indirect_dma semaphore(%arg8 : memref<!tpu.dma_semaphore, #tpu.memory_space<semaphore_mem>>) src(%arg7 : memref<16x1024xf32, #tpu.memory_space<vmem>>) dst(%dma_wait3A_216 : memref<12288x1024xf32, #tpu.memory_space<hbm>>)
    %dma_wait3A_217 = arith.constant 6 : i32
    %dma_wait3A_218 = arith.constant 0 : i32
    %dma_wait3A_219 = tpu.memref_slice %arg6[%dma_wait3A_217, %dma_wait3A_218] : memref<8x16xi32, #tpu.memory_space<vmem>> -> memref<1x16xi32, #tpu.memory_space<vmem>>
    %dma_wait3A_220 = tpu.memref_squeeze %dma_wait3A_219 : memref<1x16xi32, #tpu.memory_space<vmem>> -> memref<16xi32, #tpu.memory_space<vmem>>
    %dma_wait3A_221 = arith.constant 0 : i32
    %dma_wait3A_222 = arith.constant 0 : i32
    %dma_wait3A_223 = tpu.memref_slice %arg4[%dma_wait3A_221, %dma_wait3A_222] : memref<12288x1024xf32, #tpu.memory_space<hbm>> -> memref<12288x1024xf32, #tpu.memory_space<hbm>>
    tpu.wait_indirect_dma semaphore(%arg8 : memref<!tpu.dma_semaphore, #tpu.memory_space<semaphore_mem>>) src(%arg7 : memref<16x1024xf32, #tpu.memory_space<vmem>>) dst(%dma_wait3A_223 : memref<12288x1024xf32, #tpu.memory_space<hbm>>)
    %mul3A_224 = arith.constant 128 : i32
    %mul3A_225 = arith.muli %add3A, %mul3A_224 : i32
    %add3A_226 = arith.constant 112 : i32
    %add3A_227 = arith.addi %mul3A_225, %add3A_226 : i32
    "tpu.region"() ({
      %run_scoped3A_256 = tpu.sem_alloc : memref<!tpu.dma_semaphore, #tpu.memory_space<semaphore_mem>>
      %dma_start3A_257 = arith.constant 0 : i32
      %dma_start3A_258 = tpu.memref_slice %arg2[%add3A_227, %dma_start3A_257] : memref<4096x1024xf32, #tpu.memory_space<hbm>> -> memref<16x1024xf32, #tpu.memory_space<hbm>>
      %dma_start3A_259 = arith.constant 0 : i32
      %dma_start3A_260 = tpu.memref_slice %arg2[%add3A_227, %dma_start3A_259] : memref<4096x1024xf32, #tpu.memory_space<hbm>> -> memref<16x1024xf32, #tpu.memory_space<hbm>>
      tpu.enqueue_dma source(%dma_start3A_260 : memref<16x1024xf32, #tpu.memory_space<hbm>>) target(%arg7 : memref<16x1024xf32, #tpu.memory_space<vmem>>) target_semaphore(%run_scoped3A_256 : memref<!tpu.dma_semaphore, #tpu.memory_space<semaphore_mem>>)
      %dma_wait3A_261 = arith.constant 0 : i32
      %dma_wait3A_262 = tpu.memref_slice %arg2[%add3A_227, %dma_wait3A_261] : memref<4096x1024xf32, #tpu.memory_space<hbm>> -> memref<16x1024xf32, #tpu.memory_space<hbm>>
      %dma_wait3A_263 = arith.constant 0 : i32
      %dma_wait3A_264 = tpu.memref_slice %arg2[%add3A_227, %dma_wait3A_263] : memref<4096x1024xf32, #tpu.memory_space<hbm>> -> memref<16x1024xf32, #tpu.memory_space<hbm>>
      tpu.wait_dma2 semaphore(%run_scoped3A_256 : memref<!tpu.dma_semaphore, #tpu.memory_space<semaphore_mem>>) src(%dma_wait3A_264 : memref<16x1024xf32, #tpu.memory_space<hbm>>) dst(%arg7 : memref<16x1024xf32, #tpu.memory_space<vmem>>)
      tpu.yield
    }) : () -> ()
    %dma_start3A_228 = arith.constant 7 : i32
    %dma_start3A_229 = arith.constant 0 : i32
    %dma_start3A_230 = tpu.memref_slice %arg5[%dma_start3A_228, %dma_start3A_229] : memref<8x16xi32, #tpu.memory_space<vmem>> -> memref<1x16xi32, #tpu.memory_space<vmem>>
    %dma_start3A_231 = tpu.memref_squeeze %dma_start3A_230 : memref<1x16xi32, #tpu.memory_space<vmem>> -> memref<16xi32, #tpu.memory_space<vmem>>
    %dma_start3A_232 = arith.constant 0 : i32
    %dma_start3A_233 = arith.constant 0 : i32
    %dma_start3A_234 = tpu.memref_slice %arg4[%dma_start3A_232, %dma_start3A_233] : memref<12288x1024xf32, #tpu.memory_space<hbm>> -> memref<12288x1024xf32, #tpu.memory_space<hbm>>
    tpu.enqueue_indirect_dma source(%arg7 : memref<16x1024xf32, #tpu.memory_space<vmem>>) target(%dma_start3A_234 : memref<12288x1024xf32, #tpu.memory_space<hbm>>) offsets(%dma_start3A_231 : memref<16xi32, #tpu.memory_space<vmem>>) semaphore(%arg8 : memref<!tpu.dma_semaphore, #tpu.memory_space<semaphore_mem>>)
    %dma_start3A_235 = arith.constant 7 : i32
    %dma_start3A_236 = arith.constant 0 : i32
    %dma_start3A_237 = tpu.memref_slice %arg6[%dma_start3A_235, %dma_start3A_236] : memref<8x16xi32, #tpu.memory_space<vmem>> -> memref<1x16xi32, #tpu.memory_space<vmem>>
    %dma_start3A_238 = tpu.memref_squeeze %dma_start3A_237 : memref<1x16xi32, #tpu.memory_space<vmem>> -> memref<16xi32, #tpu.memory_space<vmem>>
    %dma_start3A_239 = arith.constant 0 : i32
    %dma_start3A_240 = arith.constant 0 : i32
    %dma_start3A_241 = tpu.memref_slice %arg4[%dma_start3A_239, %dma_start3A_240] : memref<12288x1024xf32, #tpu.memory_space<hbm>> -> memref<12288x1024xf32, #tpu.memory_space<hbm>>
    tpu.enqueue_indirect_dma source(%arg7 : memref<16x1024xf32, #tpu.memory_space<vmem>>) target(%dma_start3A_241 : memref<12288x1024xf32, #tpu.memory_space<hbm>>) offsets(%dma_start3A_238 : memref<16xi32, #tpu.memory_space<vmem>>) semaphore(%arg8 : memref<!tpu.dma_semaphore, #tpu.memory_space<semaphore_mem>>)
    %dma_wait3A_242 = arith.constant 7 : i32
    %dma_wait3A_243 = arith.constant 0 : i32
    %dma_wait3A_244 = tpu.memref_slice %arg5[%dma_wait3A_242, %dma_wait3A_243] : memref<8x16xi32, #tpu.memory_space<vmem>> -> memref<1x16xi32, #tpu.memory_space<vmem>>
    %dma_wait3A_245 = tpu.memref_squeeze %dma_wait3A_244 : memref<1x16xi32, #tpu.memory_space<vmem>> -> memref<16xi32, #tpu.memory_space<vmem>>
    %dma_wait3A_246 = arith.constant 0 : i32
    %dma_wait3A_247 = arith.constant 0 : i32
    %dma_wait3A_248 = tpu.memref_slice %arg4[%dma_wait3A_246, %dma_wait3A_247] : memref<12288x1024xf32, #tpu.memory_space<hbm>> -> memref<12288x1024xf32, #tpu.memory_space<hbm>>
    tpu.wait_indirect_dma semaphore(%arg8 : memref<!tpu.dma_semaphore, #tpu.memory_space<semaphore_mem>>) src(%arg7 : memref<16x1024xf32, #tpu.memory_space<vmem>>) dst(%dma_wait3A_248 : memref<12288x1024xf32, #tpu.memory_space<hbm>>)
    %dma_wait3A_249 = arith.constant 7 : i32
    %dma_wait3A_250 = arith.constant 0 : i32
    %dma_wait3A_251 = tpu.memref_slice %arg6[%dma_wait3A_249, %dma_wait3A_250] : memref<8x16xi32, #tpu.memory_space<vmem>> -> memref<1x16xi32, #tpu.memory_space<vmem>>
    %dma_wait3A_252 = tpu.memref_squeeze %dma_wait3A_251 : memref<1x16xi32, #tpu.memory_space<vmem>> -> memref<16xi32, #tpu.memory_space<vmem>>
    %dma_wait3A_253 = arith.constant 0 : i32
    %dma_wait3A_254 = arith.constant 0 : i32
    %dma_wait3A_255 = tpu.memref_slice %arg4[%dma_wait3A_253, %dma_wait3A_254] : memref<12288x1024xf32, #tpu.memory_space<hbm>> -> memref<12288x1024xf32, #tpu.memory_space<hbm>>
    tpu.wait_indirect_dma semaphore(%arg8 : memref<!tpu.dma_semaphore, #tpu.memory_space<semaphore_mem>>) src(%arg7 : memref<16x1024xf32, #tpu.memory_space<vmem>>) dst(%dma_wait3A_255 : memref<12288x1024xf32, #tpu.memory_space<hbm>>)
    return
  }
}

module attributes {stable_mosaic.version = 14 : i64} {
  func.func @_route_rank_body(%arg0: i32, %arg1: i32, %arg2: memref<512x1024xf32, #tpu.memory_space<vmem>>, %arg3: memref<1024x16xf32, #tpu.memory_space<vmem>>, %arg4: memref<1x1x512xi32, #tpu.memory_space<vmem>>, %arg5: memref<1x1x512xi32, #tpu.memory_space<vmem>>, %arg6: memref<1x1x512xf32, #tpu.memory_space<vmem>>, %arg7: memref<1x1x512xf32, #tpu.memory_space<vmem>>, %arg8: memref<8x128xi32, #tpu.memory_space<vmem>>, %arg9: memref<1x16xf32, #tpu.memory_space<vmem>>, %arg10: memref<1x16xf32, #tpu.memory_space<vmem>>) attributes {dimension_semantics = [#tpu.dimension_semantics<arbitrary>, #tpu.dimension_semantics<arbitrary>], iteration_bounds = array<i64: 2, 8>, scalar_prefetch = 0 : i64, scratch_operands = 2 : i64, tpu.core_type = #tpu.core_type<tc>, window_params = [{transform_indices = @transform_0, window_bounds = array<i64: 512, 1024>}, {pipeline_mode = #tpu.pipeline_mode<synchronous>, transform_indices = @transform_1, window_bounds = array<i64: 1024, 16>}, {transform_indices = @transform_2, window_bounds = array<i64: 1, 1, 512>}, {transform_indices = @transform_3, window_bounds = array<i64: 1, 1, 512>}, {transform_indices = @transform_4, window_bounds = array<i64: 1, 1, 512>}, {transform_indices = @transform_5, window_bounds = array<i64: 1, 1, 512>}, {pipeline_mode = #tpu.pipeline_mode<synchronous>, transform_indices = @transform_6, window_bounds = array<i64: 8, 128>}]} {
    %eq3A = arith.constant 0 : i32
    %eq3A_0 = arith.cmpi eq, %arg1, %eq3A : i32
    %convert_element_type3A = arith.extui %eq3A_0 : i1 to i32
    %cond3A = arith.constant 0 : i32
    %cond3A_1 = arith.cmpi ne, %convert_element_type3A, %cond3A : i32
    scf.if %cond3A_1 {
      %broadcast_in_dim3A_70 = arith.constant 0.000000e+00 : f32
      %broadcast_in_dim3A_71 = vector.broadcast %broadcast_in_dim3A_70 : f32 to vector<1x16xf32>
      %swap3A_72 = arith.constant 0 : index
      %swap3A_73 = arith.constant 0 : index
      %swap3A_74 = vector.load %arg9[%swap3A_72, %swap3A_73] : memref<1x16xf32, #tpu.memory_space<vmem>>, vector<1x16xf32>
      tpu.vector_store %arg9[%swap3A_72, %swap3A_73], %broadcast_in_dim3A_71 {strides = array<i32>} : memref<1x16xf32, #tpu.memory_space<vmem>>, vector<1x16xf32>,
    } else {
    }
    %get3A = arith.constant 0 : index
    %get3A_2 = arith.constant 0 : index
    %get3A_3 = vector.load %arg2[%get3A, %get3A_2] : memref<512x1024xf32, #tpu.memory_space<vmem>>, vector<512x1024xf32>
    %get3A_4 = arith.constant 0 : index
    %get3A_5 = arith.constant 0 : index
    %get3A_6 = vector.load %arg3[%get3A_4, %get3A_5] : memref<1024x16xf32, #tpu.memory_space<vmem>>, vector<1024x16xf32>
    %dot_general3A = arith.constant dense<0.000000e+00> : vector<512x16xf32>
    %dot_general3A_7 = tpu.matmul %get3A_3, %get3A_6, %dot_general3A {dimension_numbers = #tpu.dot_dimension_numbers<[1], [0], [0], [1], [0, 0, 1, 1], [], []>, transpose_lhs_hint = false} : vector<512x1024xf32>, vector<1024x16xf32>, vector<512x16xf32> -> vector<512x16xf32>
    %reduce_max3A = arith.constant dense<0xFF800000> : vector<512xf32>
    %reduce_max3A_8 = vector.multi_reduction <maximumf>, %dot_general3A_7, %reduce_max3A [1] : vector<512x16xf32> to vector<512xf32>
    %broadcast_in_dim3A = vector.shape_cast %reduce_max3A_8 : vector<512xf32> to vector<512x1xf32>
    %sub3A = vector.broadcast %broadcast_in_dim3A : vector<512x1xf32> to vector<512x16xf32>
    %sub3A_9 = arith.subf %dot_general3A_7, %sub3A : vector<512x16xf32>
    %exp3A = math.exp %sub3A_9 : vector<512x16xf32>
    %reduce_sum3A = arith.constant dense<0.000000e+00> : vector<512xf32>
    %reduce_sum3A_10 = vector.multi_reduction <add>, %exp3A, %reduce_sum3A [1] : vector<512x16xf32> to vector<512xf32>
    %broadcast_in_dim3A_11 = vector.shape_cast %reduce_sum3A_10 : vector<512xf32> to vector<512x1xf32>
    %div3A = vector.broadcast %broadcast_in_dim3A_11 : vector<512x1xf32> to vector<512x16xf32>
    %div3A_12 = arith.divf %exp3A, %div3A : vector<512x16xf32>
    %iota3A = tpu.iota {dimensions = array<i32: 1>} : vector<512x16xi32>
    %reduce_max3A_13 = arith.constant dense<0xFF800000> : vector<512xf32>
    %reduce_max3A_14 = vector.multi_reduction <maximumf>, %div3A_12, %reduce_max3A_13 [1] : vector<512x16xf32> to vector<512xf32>
    %broadcast_in_dim3A_15 = vector.shape_cast %reduce_max3A_14 : vector<512xf32> to vector<512x1xf32>
    %eq3A_16 = vector.broadcast %broadcast_in_dim3A_15 : vector<512x1xf32> to vector<512x16xf32>
    %eq3A_17 = arith.cmpf oeq, %div3A_12, %eq3A_16 : vector<512x16xf32>
    %jit3A = arith.constant 16 : i32
    %broadcast_in_dim3A_18 = vector.broadcast %jit3A : i32 to vector<512x16xi32>
    %select_n3A = arith.select %eq3A_17, %iota3A, %broadcast_in_dim3A_18 : vector<512x16xi1>, vector<512x16xi32>
    %reduce_min3A = arith.constant dense<2147483647> : vector<512xi32>
    %reduce_min3A_19 = vector.multi_reduction <minsi>, %select_n3A, %reduce_min3A [1] : vector<512x16xi32> to vector<512xi32>
    %broadcast_in_dim3A_20 = vector.shape_cast %reduce_min3A_19 : vector<512xi32> to vector<512x1xi32>
    %eq3A_21 = vector.broadcast %broadcast_in_dim3A_20 : vector<512x1xi32> to vector<512x16xi32>
    %eq3A_22 = arith.cmpi eq, %iota3A, %eq3A_21 : vector<512x16xi32>
    %jit3A_23 = arith.constant -1.000000e+00 : f32
    %broadcast_in_dim3A_24 = vector.broadcast %jit3A_23 : f32 to vector<512x16xf32>
    %select_n3A_25 = arith.select %eq3A_22, %broadcast_in_dim3A_24, %div3A_12 : vector<512x16xi1>, vector<512x16xf32>
    %reduce_max3A_26 = arith.constant dense<0xFF800000> : vector<512xf32>
    %reduce_max3A_27 = vector.multi_reduction <maximumf>, %select_n3A_25, %reduce_max3A_26 [1] : vector<512x16xf32> to vector<512xf32>
    %broadcast_in_dim3A_28 = vector.shape_cast %reduce_max3A_27 : vector<512xf32> to vector<512x1xf32>
    %eq3A_29 = vector.broadcast %broadcast_in_dim3A_28 : vector<512x1xf32> to vector<512x16xf32>
    %eq3A_30 = arith.cmpf oeq, %select_n3A_25, %eq3A_29 : vector<512x16xf32>
    %jit3A_31 = arith.constant 16 : i32
    %broadcast_in_dim3A_32 = vector.broadcast %jit3A_31 : i32 to vector<512x16xi32>
    %select_n3A_33 = arith.select %eq3A_30, %iota3A, %broadcast_in_dim3A_32 : vector<512x16xi1>, vector<512x16xi32>
    %reduce_min3A_34 = arith.constant dense<2147483647> : vector<512xi32>
    %reduce_min3A_35 = vector.multi_reduction <minsi>, %select_n3A_33, %reduce_min3A_34 [1] : vector<512x16xi32> to vector<512xi32>
    %broadcast_in_dim3A_36 = vector.shape_cast %reduce_min3A_35 : vector<512xi32> to vector<512x1xi32>
    %add3A = arith.addf %broadcast_in_dim3A_15, %broadcast_in_dim3A_28 : vector<512x1xf32>
    %div3A_37 = arith.divf %broadcast_in_dim3A_15, %add3A : vector<512x1xf32>
    %div3A_38 = arith.divf %broadcast_in_dim3A_28, %add3A : vector<512x1xf32>
    %iota3A_39 = tpu.iota {dimensions = array<i32: 1>} : vector<512x16xi32>
    %eq3A_40 = vector.broadcast %broadcast_in_dim3A_20 : vector<512x1xi32> to vector<512x16xi32>
    %eq3A_41 = arith.cmpi eq, %eq3A_40, %iota3A_39 : vector<512x16xi32>
    %convert_element_type3A_42 = arith.extui %eq3A_41 : vector<512x16xi1> to vector<512x16xi32>
    %convert_element_type3A_43 = arith.sitofp %convert_element_type3A_42 : vector<512x16xi32> to vector<512x16xf32>
    %eq3A_44 = vector.broadcast %broadcast_in_dim3A_36 : vector<512x1xi32> to vector<512x16xi32>
    %eq3A_45 = arith.cmpi eq, %eq3A_44, %iota3A_39 : vector<512x16xi32>
    %convert_element_type3A_46 = arith.extui %eq3A_45 : vector<512x16xi1> to vector<512x16xi32>
    %convert_element_type3A_47 = arith.sitofp %convert_element_type3A_46 : vector<512x16xi32> to vector<512x16xf32>
    %add3A_48 = arith.addf %convert_element_type3A_43, %convert_element_type3A_47 : vector<512x16xf32>
    %get3A_49 = arith.constant 0 : index
    %get3A_50 = arith.constant 0 : index
    %get3A_51 = vector.load %arg9[%get3A_49, %get3A_50] : memref<1x16xf32, #tpu.memory_space<vmem>>, vector<1x16xf32>
    %reduce_sum3A_52 = arith.constant dense<0.000000e+00> : vector<16xf32>
    %reduce_sum3A_53 = vector.multi_reduction <add>, %add3A_48, %reduce_sum3A_52 [0] : vector<512x16xf32> to vector<16xf32>
    %broadcast_in_dim3A_54 = vector.shape_cast %reduce_sum3A_53 : vector<16xf32> to vector<1x16xf32>
    %add3A_55 = arith.addf %get3A_51, %broadcast_in_dim3A_54 : vector<1x16xf32>
    %swap3A = arith.constant 0 : index
    %swap3A_56 = arith.constant 0 : index
    %swap3A_57 = vector.load %arg9[%swap3A, %swap3A_56] : memref<1x16xf32, #tpu.memory_space<vmem>>, vector<1x16xf32>
    tpu.vector_store %arg9[%swap3A, %swap3A_56], %add3A_55 {strides = array<i32>} : memref<1x16xf32, #tpu.memory_space<vmem>>, vector<1x16xf32>,
    %eq3A_58 = arith.constant 0 : i32
    %eq3A_59 = arith.cmpi eq, %arg0, %eq3A_58 : i32
    %eq3A_60 = arith.constant 7 : i32
    %eq3A_61 = arith.cmpi eq, %arg1, %eq3A_60 : i32
    %and3A = arith.andi %eq3A_59, %eq3A_61 : i1
    %convert_element_type3A_62 = arith.extui %and3A : i1 to i32
    %cond3A_63 = arith.constant 0 : i32
    %cond3A_64 = arith.cmpi ne, %convert_element_type3A_62, %cond3A_63 : i32
    scf.if %cond3A_64 {
      %get3A_70 = arith.constant 0 : index
      %get3A_71 = arith.constant 0 : index
      %get3A_72 = vector.load %arg9[%get3A_70, %get3A_71] : memref<1x16xf32, #tpu.memory_space<vmem>>, vector<1x16xf32>
      %div3A_73 = arith.constant 2.560000e+02 : f32
      %div3A_74 = vector.broadcast %div3A_73 : f32 to vector<1x16xf32>
      %div3A_75 = arith.divf %get3A_72, %div3A_74 : vector<1x16xf32>
      %ceil3A = math.ceil %div3A_75 : vector<1x16xf32>
      %iota3A_76 = tpu.iota {dimensions = array<i32: 0>} : vector<16x16xi32>
      %iota3A_77 = tpu.iota {dimensions = array<i32: 1>} : vector<16x16xi32>
      %lt3A = arith.cmpi slt, %iota3A_76, %iota3A_77 : vector<16x16xi32>
      %convert_element_type3A_78 = arith.extui %lt3A : vector<16x16xi1> to vector<16x16xi32>
      %convert_element_type3A_79 = arith.sitofp %convert_element_type3A_78 : vector<16x16xi32> to vector<16x16xf32>
      %dot_general3A_80 = arith.constant dense<0.000000e+00> : vector<1x16xf32>
      %dot_general3A_81 = tpu.matmul %ceil3A, %convert_element_type3A_79, %dot_general3A_80 {dimension_numbers = #tpu.dot_dimension_numbers<[1], [0], [0], [1], [0, 0, 1, 1], [], []>, transpose_lhs_hint = false} : vector<1x16xf32>, vector<16x16xf32>, vector<1x16xf32> -> vector<1x16xf32>
      %mul3A = arith.constant 2.560000e+02 : f32
      %mul3A_82 = vector.broadcast %mul3A : f32 to vector<1x16xf32>
      %mul3A_83 = arith.mulf %dot_general3A_81, %mul3A_82 : vector<1x16xf32>
      %swap3A_84 = arith.constant 0 : index
      %swap3A_85 = arith.constant 0 : index
      %swap3A_86 = vector.load %arg10[%swap3A_84, %swap3A_85] : memref<1x16xf32, #tpu.memory_space<vmem>>, vector<1x16xf32>
      tpu.vector_store %arg10[%swap3A_84, %swap3A_85], %mul3A_83 {strides = array<i32>} : memref<1x16xf32, #tpu.memory_space<vmem>>, vector<1x16xf32>,
    } else {
    }
    %eq3A_65 = arith.constant 1 : i32
    %eq3A_66 = arith.cmpi eq, %arg0, %eq3A_65 : i32
    %convert_element_type3A_67 = arith.extui %eq3A_66 : i1 to i32
    %cond3A_68 = arith.constant 0 : i32
    %cond3A_69 = arith.cmpi ne, %convert_element_type3A_67, %cond3A_68 : i32
    scf.if %cond3A_69 {
      %iota3A_70 = tpu.iota {dimensions = array<i32: 0>} : vector<512x512xi32>
      %iota3A_71 = tpu.iota {dimensions = array<i32: 1>} : vector<512x512xi32>
      %lt3A = arith.cmpi slt, %iota3A_71, %iota3A_70 : vector<512x512xi32>
      %convert_element_type3A_72 = arith.extui %lt3A : vector<512x512xi1> to vector<512x512xi32>
      %convert_element_type3A_73 = arith.sitofp %convert_element_type3A_72 : vector<512x512xi32> to vector<512x512xf32>
      %dot_general3A_74 = arith.constant dense<0.000000e+00> : vector<512x16xf32>
      %dot_general3A_75 = tpu.matmul %convert_element_type3A_73, %add3A_48, %dot_general3A_74 {dimension_numbers = #tpu.dot_dimension_numbers<[1], [0], [0], [1], [0, 0, 1, 1], [], []>, transpose_lhs_hint = false} : vector<512x512xf32>, vector<512x16xf32>, vector<512x16xf32> -> vector<512x16xf32>
      %add3A_76 = vector.broadcast %get3A_51 : vector<1x16xf32> to vector<512x16xf32>
      %add3A_77 = arith.addf %dot_general3A_75, %add3A_76 : vector<512x16xf32>
      %get3A_78 = arith.constant 0 : index
      %get3A_79 = arith.constant 0 : index
      %get3A_80 = vector.load %arg10[%get3A_78, %get3A_79] : memref<1x16xf32, #tpu.memory_space<vmem>>, vector<1x16xf32>
      %add3A_81 = vector.broadcast %get3A_80 : vector<1x16xf32> to vector<512x16xf32>
      %add3A_82 = arith.addf %add3A_77, %add3A_81 : vector<512x16xf32>
      %mul3A = arith.mulf %add3A_82, %convert_element_type3A_43 : vector<512x16xf32>
      %reduce_sum3A_83 = arith.constant dense<0.000000e+00> : vector<512xf32>
      %reduce_sum3A_84 = vector.multi_reduction <add>, %mul3A, %reduce_sum3A_83 [1] : vector<512x16xf32> to vector<512xf32>
      %convert_element_type3A_85 = arith.fptosi %reduce_sum3A_84 : vector<512xf32> to vector<512xi32>
      %swap3A_86 = arith.constant 0 : index
      %swap3A_87 = arith.constant 0 : index
      %swap3A_88 = arith.constant 0 : index
      %swap3A_89 = vector.load %arg4[%swap3A_86, %swap3A_87, %swap3A_88] : memref<1x1x512xi32, #tpu.memory_space<vmem>>, vector<1x1x512xi32>
      %swap3A_90 = vector.shape_cast %swap3A_89 : vector<1x1x512xi32> to vector<512xi32>
      %swap3A_91 = vector.shape_cast %convert_element_type3A_85 : vector<512xi32> to vector<1x1x512xi32>
      tpu.vector_store %arg4[%swap3A_86, %swap3A_87, %swap3A_88], %swap3A_91 {strides = array<i32>} : memref<1x1x512xi32, #tpu.memory_space<vmem>>, vector<1x1x512xi32>,
      %add3A_92 = arith.addf %add3A_82, %convert_element_type3A_43 : vector<512x16xf32>
      %mul3A_93 = arith.mulf %add3A_92, %convert_element_type3A_47 : vector<512x16xf32>
      %reduce_sum3A_94 = arith.constant dense<0.000000e+00> : vector<512xf32>
      %reduce_sum3A_95 = vector.multi_reduction <add>, %mul3A_93, %reduce_sum3A_94 [1] : vector<512x16xf32> to vector<512xf32>
      %convert_element_type3A_96 = arith.fptosi %reduce_sum3A_95 : vector<512xf32> to vector<512xi32>
      %swap3A_97 = arith.constant 0 : index
      %swap3A_98 = arith.constant 0 : index
      %swap3A_99 = arith.constant 0 : index
      %swap3A_100 = vector.load %arg5[%swap3A_97, %swap3A_98, %swap3A_99] : memref<1x1x512xi32, #tpu.memory_space<vmem>>, vector<1x1x512xi32>
      %swap3A_101 = vector.shape_cast %swap3A_100 : vector<1x1x512xi32> to vector<512xi32>
      %swap3A_102 = vector.shape_cast %convert_element_type3A_96 : vector<512xi32> to vector<1x1x512xi32>
      tpu.vector_store %arg5[%swap3A_97, %swap3A_98, %swap3A_99], %swap3A_102 {strides = array<i32>} : memref<1x1x512xi32, #tpu.memory_space<vmem>>, vector<1x1x512xi32>,
      %squeeze3A = vector.shape_cast %div3A_37 : vector<512x1xf32> to vector<512xf32>
      %swap3A_103 = arith.constant 0 : index
      %swap3A_104 = arith.constant 0 : index
      %swap3A_105 = arith.constant 0 : index
      %swap3A_106 = vector.load %arg6[%swap3A_103, %swap3A_104, %swap3A_105] : memref<1x1x512xf32, #tpu.memory_space<vmem>>, vector<1x1x512xf32>
      %swap3A_107 = vector.shape_cast %swap3A_106 : vector<1x1x512xf32> to vector<512xf32>
      %swap3A_108 = vector.shape_cast %squeeze3A : vector<512xf32> to vector<1x1x512xf32>
      tpu.vector_store %arg6[%swap3A_103, %swap3A_104, %swap3A_105], %swap3A_108 {strides = array<i32>} : memref<1x1x512xf32, #tpu.memory_space<vmem>>, vector<1x1x512xf32>,
      %squeeze3A_109 = vector.shape_cast %div3A_38 : vector<512x1xf32> to vector<512xf32>
      %swap3A_110 = arith.constant 0 : index
      %swap3A_111 = arith.constant 0 : index
      %swap3A_112 = arith.constant 0 : index
      %swap3A_113 = vector.load %arg7[%swap3A_110, %swap3A_111, %swap3A_112] : memref<1x1x512xf32, #tpu.memory_space<vmem>>, vector<1x1x512xf32>
      %swap3A_114 = vector.shape_cast %swap3A_113 : vector<1x1x512xf32> to vector<512xf32>
      %swap3A_115 = vector.shape_cast %squeeze3A_109 : vector<512xf32> to vector<1x1x512xf32>
      tpu.vector_store %arg7[%swap3A_110, %swap3A_111, %swap3A_112], %swap3A_115 {strides = array<i32>} : memref<1x1x512xf32, #tpu.memory_space<vmem>>, vector<1x1x512xf32>,
      %eq3A_116 = arith.constant 7 : i32
      %eq3A_117 = arith.cmpi eq, %arg1, %eq3A_116 : i32
      %convert_element_type3A_118 = arith.extui %eq3A_117 : i1 to i32
      %cond3A_119 = arith.constant 0 : i32
      %cond3A_120 = arith.cmpi ne, %convert_element_type3A_118, %cond3A_119 : i32
      scf.if %cond3A_120 {
        %get3A_121 = arith.constant 0 : index
        %get3A_122 = arith.constant 0 : index
        %get3A_123 = vector.load %arg10[%get3A_121, %get3A_122] : memref<1x16xf32, #tpu.memory_space<vmem>>, vector<1x16xf32>
        %div3A_124 = arith.constant 2.560000e+02 : f32
        %div3A_125 = vector.broadcast %div3A_124 : f32 to vector<1x16xf32>
        %div3A_126 = arith.divf %get3A_123, %div3A_125 : vector<1x16xf32>
        %get3A_127 = arith.constant 0 : index
        %get3A_128 = arith.constant 0 : index
        %get3A_129 = vector.load %arg9[%get3A_127, %get3A_128] : memref<1x16xf32, #tpu.memory_space<vmem>>, vector<1x16xf32>
        %div3A_130 = arith.constant 2.560000e+02 : f32
        %div3A_131 = vector.broadcast %div3A_130 : f32 to vector<1x16xf32>
        %div3A_132 = arith.divf %get3A_129, %div3A_131 : vector<1x16xf32>
        %ceil3A = math.ceil %div3A_132 : vector<1x16xf32>
        %reduce_sum3A_133 = vector.shape_cast %ceil3A : vector<1x16xf32> to vector<1x1x16xf32>
        %reduce_sum3A_134 = arith.constant dense<0.000000e+00> : vector<1xf32>
        %reduce_sum3A_135 = vector.multi_reduction <add>, %reduce_sum3A_133, %reduce_sum3A_134 [1, 2] : vector<1x1x16xf32> to vector<1xf32>
        %reduce_sum3A_136 = vector.shape_cast %reduce_sum3A_135 : vector<1xf32> to vector<1x1x1xf32>
        %reduce_sum3A_137 = vector.extract %reduce_sum3A_136[0, 0, 0] : f32 from vector<1x1x1xf32>
        %iota3A_138 = tpu.iota {dimensions = array<i32: 0>} : vector<128x16xi32>
        %convert_element_type3A_139 = arith.sitofp %iota3A_138 : vector<128x16xi32> to vector<128x16xf32>
        %broadcast_in_dim3A_140 = vector.shape_cast %div3A_126 : vector<1x16xf32> to vector<1x16xf32>
        %broadcast_in_dim3A_141 = vector.broadcast %broadcast_in_dim3A_140 : vector<1x16xf32> to vector<128x16xf32>
        %le3A = arith.cmpf ole, %broadcast_in_dim3A_141, %convert_element_type3A_139 : vector<128x16xf32>
        %convert_element_type3A_142 = arith.extui %le3A : vector<128x16xi1> to vector<128x16xi32>
        %convert_element_type3A_143 = arith.sitofp %convert_element_type3A_142 : vector<128x16xi32> to vector<128x16xf32>
        %reduce_sum3A_144 = arith.constant dense<0.000000e+00> : vector<128xf32>
        %reduce_sum3A_145 = vector.multi_reduction <add>, %convert_element_type3A_143, %reduce_sum3A_144 [1] : vector<128x16xf32> to vector<128xf32>
        %sub3A_146 = arith.constant 1.000000e+00 : f32
        %sub3A_147 = vector.broadcast %sub3A_146 : f32 to vector<128xf32>
        %sub3A_148 = arith.subf %reduce_sum3A_145, %sub3A_147 : vector<128xf32>
        %iota3A_149 = tpu.iota {dimensions = array<i32: 1>} : vector<1x128xi32>
        %convert_element_type3A_150 = arith.sitofp %iota3A_149 : vector<1x128xi32> to vector<1x128xf32>
        %reshape3A = vector.shape_cast %sub3A_148 : vector<128xf32> to vector<1x128xf32>
        %convert_element_type3A_151 = arith.fptosi %reshape3A : vector<1x128xf32> to vector<1x128xi32>
        %swap3A_152 = arith.constant 0 : index
        %swap3A_153 = arith.constant 0 : index
        %swap3A_154 = vector.load %arg8[%swap3A_152, %swap3A_153] : memref<8x128xi32, #tpu.memory_space<vmem>>, vector<1x128xi32>
        tpu.vector_store %arg8[%swap3A_152, %swap3A_153], %convert_element_type3A_151 {strides = array<i32>} : memref<8x128xi32, #tpu.memory_space<vmem>>, vector<1x128xi32>,
        %lt3A_155 = vector.broadcast %reduce_sum3A_137 : f32 to vector<1x128xf32>
        %lt3A_156 = arith.cmpf olt, %convert_element_type3A_150, %lt3A_155 : vector<1x128xf32>
        %convert_element_type3A_157 = arith.extui %lt3A_156 : vector<1x128xi1> to vector<1x128xi32>
        %swap3A_158 = arith.constant 1 : index
        %swap3A_159 = arith.constant 0 : index
        %swap3A_160 = vector.load %arg8[%swap3A_158, %swap3A_159] : memref<8x128xi32, #tpu.memory_space<vmem>>, vector<1x128xi32>
        tpu.vector_store %arg8[%swap3A_158, %swap3A_159], %convert_element_type3A_157 {strides = array<i32>} : memref<8x128xi32, #tpu.memory_space<vmem>>, vector<1x128xi32>,
      } else {
      }
    } else {
    }
    return
  }
  func.func @transform_0(%arg0: i32, %arg1: i32) -> (i32, i32) {
    %c0_i32 = arith.constant 0 : i32
    %c0_i32_0 = arith.constant 0 : i32
    return %arg1, %c0_i32 : i32, i32
  }
  func.func @transform_1(%arg0: i32, %arg1: i32) -> (i32, i32) {
    %c0_i32 = arith.constant 0 : i32
    %c0_i32_0 = arith.constant 0 : i32
    %c0_i32_1 = arith.constant 0 : i32
    return %c0_i32, %c0_i32_0 : i32, i32
  }
  func.func @transform_2(%arg0: i32, %arg1: i32) -> (i32, i32, i32) {
    %c0_i32 = arith.constant 0 : i32
    %c0_i32_0 = arith.constant 0 : i32
    %c0_i32_1 = arith.constant 0 : i32
    return %arg1, %c0_i32, %c0_i32_0 : i32, i32, i32
  }
  func.func @transform_3(%arg0: i32, %arg1: i32) -> (i32, i32, i32) {
    %c0_i32 = arith.constant 0 : i32
    %c0_i32_0 = arith.constant 0 : i32
    %c0_i32_1 = arith.constant 0 : i32
    return %arg1, %c0_i32, %c0_i32_0 : i32, i32, i32
  }
  func.func @transform_4(%arg0: i32, %arg1: i32) -> (i32, i32, i32) {
    %c0_i32 = arith.constant 0 : i32
    %c0_i32_0 = arith.constant 0 : i32
    %c0_i32_1 = arith.constant 0 : i32
    return %arg1, %c0_i32, %c0_i32_0 : i32, i32, i32
  }
  func.func @transform_5(%arg0: i32, %arg1: i32) -> (i32, i32, i32) {
    %c0_i32 = arith.constant 0 : i32
    %c0_i32_0 = arith.constant 0 : i32
    %c0_i32_1 = arith.constant 0 : i32
    return %arg1, %c0_i32, %c0_i32_0 : i32, i32, i32
  }
  func.func @transform_6(%arg0: i32, %arg1: i32) -> (i32, i32) {
    %c0_i32 = arith.constant 0 : i32
    %c0_i32_0 = arith.constant 0 : i32
    %c0_i32_1 = arith.constant 0 : i32
    return %c0_i32, %c0_i32_0 : i32, i32
  }
}

module attributes {stable_mosaic.version = 14 : i64} {
  func.func @_ffn_body(%arg0: i32, %arg1: memref<48xi32, #tpu.memory_space<smem>>, %arg2: memref<48xi32, #tpu.memory_space<smem>>, %arg3: memref<256x1024xf32, #tpu.memory_space<vmem>>, %arg4: memref<1x1024x512xf32, #tpu.memory_space<vmem>>, %arg5: memref<1x1024x512xf32, #tpu.memory_space<vmem>>, %arg6: memref<1x512x1024xf32, #tpu.memory_space<vmem>>, %arg7: memref<256x1024xf32, #tpu.memory_space<vmem>>) attributes {dimension_semantics = [#tpu.dimension_semantics<arbitrary>], iteration_bounds = array<i64: 48>, scalar_prefetch = 2 : i64, scratch_operands = 0 : i64, tpu.core_type = #tpu.core_type<tc>, window_params = [{transform_indices = @transform_0, window_bounds = array<i64: 256, 1024>}, {transform_indices = @transform_1, window_bounds = array<i64: 1, 1024, 512>}, {transform_indices = @transform_2, window_bounds = array<i64: 1, 1024, 512>}, {transform_indices = @transform_3, window_bounds = array<i64: 1, 512, 1024>}, {transform_indices = @transform_4, window_bounds = array<i64: 256, 1024>}]} {
    %get3A = arith.index_cast %arg0 : i32 to index
    %get3A_0 = memref.load %arg2[%get3A] : memref<48xi32, #tpu.memory_space<smem>>
    %eq3A = arith.constant 1 : i32
    %eq3A_1 = arith.cmpi eq, %get3A_0, %eq3A : i32
    %convert_element_type3A = arith.extui %eq3A_1 : i1 to i32
    %cond3A = arith.constant 0 : i32
    %cond3A_2 = arith.cmpi ne, %convert_element_type3A, %cond3A : i32
    scf.if %cond3A_2 {
      %get3A_3 = arith.constant 0 : index
      %get3A_4 = arith.constant 0 : index
      %get3A_5 = vector.load %arg3[%get3A_3, %get3A_4] : memref<256x1024xf32, #tpu.memory_space<vmem>>, vector<256x1024xf32>
      %convert_element_type3A_6 = arith.truncf %get3A_5 : vector<256x1024xf32> to vector<256x1024xbf16>
      %get3A_7 = arith.constant 0 : index
      %get3A_8 = arith.constant 0 : index
      %get3A_9 = arith.constant 0 : index
      %get3A_10 = vector.load %arg4[%get3A_7, %get3A_8, %get3A_9] : memref<1x1024x512xf32, #tpu.memory_space<vmem>>, vector<1x1024x512xf32>
      %get3A_11 = vector.shape_cast %get3A_10 : vector<1x1024x512xf32> to vector<1024x512xf32>
      %convert_element_type3A_12 = arith.truncf %get3A_11 : vector<1024x512xf32> to vector<1024x512xbf16>
      %dot_general3A = arith.constant dense<0.000000e+00> : vector<256x512xf32>
      %dot_general3A_13 = tpu.matmul %convert_element_type3A_6, %convert_element_type3A_12, %dot_general3A {dimension_numbers = #tpu.dot_dimension_numbers<[1], [0], [0], [1], [0, 0, 1, 1], [], []>, transpose_lhs_hint = false} : vector<256x1024xbf16>, vector<1024x512xbf16>, vector<256x512xf32> -> vector<256x512xf32>
      %get3A_14 = arith.constant 0 : index
      %get3A_15 = arith.constant 0 : index
      %get3A_16 = arith.constant 0 : index
      %get3A_17 = vector.load %arg5[%get3A_14, %get3A_15, %get3A_16] : memref<1x1024x512xf32, #tpu.memory_space<vmem>>, vector<1x1024x512xf32>
      %get3A_18 = vector.shape_cast %get3A_17 : vector<1x1024x512xf32> to vector<1024x512xf32>
      %convert_element_type3A_19 = arith.truncf %get3A_18 : vector<1024x512xf32> to vector<1024x512xbf16>
      %dot_general3A_20 = arith.constant dense<0.000000e+00> : vector<256x512xf32>
      %dot_general3A_21 = tpu.matmul %convert_element_type3A_6, %convert_element_type3A_19, %dot_general3A_20 {dimension_numbers = #tpu.dot_dimension_numbers<[1], [0], [0], [1], [0, 0, 1, 1], [], []>, transpose_lhs_hint = false} : vector<256x1024xbf16>, vector<1024x512xbf16>, vector<256x512xf32> -> vector<256x512xf32>
      %neg3A = arith.constant 0.000000e+00 : f32
      %neg3A_22 = vector.broadcast %neg3A : f32 to vector<256x512xf32>
      %neg3A_23 = arith.subf %neg3A_22, %dot_general3A_13 : vector<256x512xf32>
      %exp3A = math.exp %neg3A_23 : vector<256x512xf32>
      %add3A = arith.constant 1.000000e+00 : f32
      %add3A_24 = vector.broadcast %add3A : f32 to vector<256x512xf32>
      %add3A_25 = arith.addf %add3A_24, %exp3A : vector<256x512xf32>
      %div3A = arith.constant 1.000000e+00 : f32
      %div3A_26 = vector.broadcast %div3A : f32 to vector<256x512xf32>
      %div3A_27 = arith.divf %div3A_26, %add3A_25 : vector<256x512xf32>
      %mul3A = arith.mulf %dot_general3A_13, %div3A_27 : vector<256x512xf32>
      %mul3A_28 = arith.mulf %mul3A, %dot_general3A_21 : vector<256x512xf32>
      %convert_element_type3A_29 = arith.truncf %mul3A_28 : vector<256x512xf32> to vector<256x512xbf16>
      %get3A_30 = arith.constant 0 : index
      %get3A_31 = arith.constant 0 : index
      %get3A_32 = arith.constant 0 : index
      %get3A_33 = vector.load %arg6[%get3A_30, %get3A_31, %get3A_32] : memref<1x512x1024xf32, #tpu.memory_space<vmem>>, vector<1x512x1024xf32>
      %get3A_34 = vector.shape_cast %get3A_33 : vector<1x512x1024xf32> to vector<512x1024xf32>
      %convert_element_type3A_35 = arith.truncf %get3A_34 : vector<512x1024xf32> to vector<512x1024xbf16>
      %dot_general3A_36 = arith.constant dense<0.000000e+00> : vector<256x1024xf32>
      %dot_general3A_37 = tpu.matmul %convert_element_type3A_29, %convert_element_type3A_35, %dot_general3A_36 {dimension_numbers = #tpu.dot_dimension_numbers<[1], [0], [0], [1], [0, 0, 1, 1], [], []>, transpose_lhs_hint = false} : vector<256x512xbf16>, vector<512x1024xbf16>, vector<256x1024xf32> -> vector<256x1024xf32>
      %swap3A = arith.constant 0 : index
      %swap3A_38 = arith.constant 0 : index
      %swap3A_39 = vector.load %arg7[%swap3A, %swap3A_38] : memref<256x1024xf32, #tpu.memory_space<vmem>>, vector<256x1024xf32>
      tpu.vector_store %arg7[%swap3A, %swap3A_38], %dot_general3A_37 {strides = array<i32>} : memref<256x1024xf32, #tpu.memory_space<vmem>>, vector<256x1024xf32>,
    } else {
    }
    return
  }
  func.func @transform_0(%arg0: i32, %arg1: memref<48xi32, #tpu.memory_space<smem>>, %arg2: memref<48xi32, #tpu.memory_space<smem>>) -> (i32, i32) {
    %c0_i32 = arith.constant 0 : i32
    %c0_i32_0 = arith.constant 0 : i32
    return %arg0, %c0_i32 : i32, i32
  }
  func.func @transform_1(%arg0: i32, %arg1: memref<48xi32, #tpu.memory_space<smem>>, %arg2: memref<48xi32, #tpu.memory_space<smem>>) -> (i32, i32, i32) {
    %get3A = arith.index_cast %arg0 : i32 to index
    %get3A_0 = memref.load %arg1[%get3A] : memref<48xi32, #tpu.memory_space<smem>>
    %c0_i32 = arith.constant 0 : i32
    %c0_i32_1 = arith.constant 0 : i32
    %c0_i32_2 = arith.constant 0 : i32
    return %get3A_0, %c0_i32, %c0_i32_1 : i32, i32, i32
  }
  func.func @transform_2(%arg0: i32, %arg1: memref<48xi32, #tpu.memory_space<smem>>, %arg2: memref<48xi32, #tpu.memory_space<smem>>) -> (i32, i32, i32) {
    %get3A = arith.index_cast %arg0 : i32 to index
    %get3A_0 = memref.load %arg1[%get3A] : memref<48xi32, #tpu.memory_space<smem>>
    %c0_i32 = arith.constant 0 : i32
    %c0_i32_1 = arith.constant 0 : i32
    %c0_i32_2 = arith.constant 0 : i32
    return %get3A_0, %c0_i32, %c0_i32_1 : i32, i32, i32
  }
  func.func @transform_3(%arg0: i32, %arg1: memref<48xi32, #tpu.memory_space<smem>>, %arg2: memref<48xi32, #tpu.memory_space<smem>>) -> (i32, i32, i32) {
    %get3A = arith.index_cast %arg0 : i32 to index
    %get3A_0 = memref.load %arg1[%get3A] : memref<48xi32, #tpu.memory_space<smem>>
    %c0_i32 = arith.constant 0 : i32
    %c0_i32_1 = arith.constant 0 : i32
    %c0_i32_2 = arith.constant 0 : i32
    return %get3A_0, %c0_i32, %c0_i32_1 : i32, i32, i32
  }
  func.func @transform_4(%arg0: i32, %arg1: memref<48xi32, #tpu.memory_space<smem>>, %arg2: memref<48xi32, #tpu.memory_space<smem>>) -> (i32, i32) {
    %c0_i32 = arith.constant 0 : i32
    %c0_i32_0 = arith.constant 0 : i32
    return %arg0, %c0_i32 : i32, i32
  }
}

module attributes {stable_mosaic.version = 14 : i64} {
  func.func @_shared_body(%arg0: i32, %arg1: memref<512x1024xf32, #tpu.memory_space<vmem>>, %arg2: memref<1024x512xf32, #tpu.memory_space<vmem>>, %arg3: memref<1024x512xf32, #tpu.memory_space<vmem>>, %arg4: memref<512x1024xf32, #tpu.memory_space<vmem>>, %arg5: memref<1x512x1024xf32, #tpu.memory_space<vmem>>, %arg6: memref<1x512x1024xf32, #tpu.memory_space<vmem>>, %arg7: memref<1x1x512xf32, #tpu.memory_space<vmem>>, %arg8: memref<1x1x512xf32, #tpu.memory_space<vmem>>, %arg9: memref<512x1024xf32, #tpu.memory_space<vmem>>) attributes {dimension_semantics = [#tpu.dimension_semantics<arbitrary>], iteration_bounds = array<i64: 8>, scalar_prefetch = 0 : i64, scratch_operands = 0 : i64, tpu.core_type = #tpu.core_type<tc>, window_params = [{transform_indices = @transform_0, window_bounds = array<i64: 512, 1024>}, {pipeline_mode = #tpu.pipeline_mode<synchronous>, transform_indices = @transform_1, window_bounds = array<i64: 1024, 512>}, {pipeline_mode = #tpu.pipeline_mode<synchronous>, transform_indices = @transform_2, window_bounds = array<i64: 1024, 512>}, {pipeline_mode = #tpu.pipeline_mode<synchronous>, transform_indices = @transform_3, window_bounds = array<i64: 512, 1024>}, {transform_indices = @transform_4, window_bounds = array<i64: 1, 512, 1024>}, {transform_indices = @transform_5, window_bounds = array<i64: 1, 512, 1024>}, {transform_indices = @transform_6, window_bounds = array<i64: 1, 1, 512>}, {transform_indices = @transform_7, window_bounds = array<i64: 1, 1, 512>}, {transform_indices = @transform_8, window_bounds = array<i64: 512, 1024>}]} {
    %get3A = arith.constant 0 : index
    %get3A_0 = arith.constant 0 : index
    %get3A_1 = vector.load %arg1[%get3A, %get3A_0] : memref<512x1024xf32, #tpu.memory_space<vmem>>, vector<512x1024xf32>
    %convert_element_type3A = arith.truncf %get3A_1 : vector<512x1024xf32> to vector<512x1024xbf16>
    %get3A_2 = arith.constant 0 : index
    %get3A_3 = arith.constant 0 : index
    %get3A_4 = vector.load %arg2[%get3A_2, %get3A_3] : memref<1024x512xf32, #tpu.memory_space<vmem>>, vector<1024x512xf32>
    %convert_element_type3A_5 = arith.truncf %get3A_4 : vector<1024x512xf32> to vector<1024x512xbf16>
    %dot_general3A = arith.constant dense<0.000000e+00> : vector<512x512xf32>
    %dot_general3A_6 = tpu.matmul %convert_element_type3A, %convert_element_type3A_5, %dot_general3A {dimension_numbers = #tpu.dot_dimension_numbers<[1], [0], [0], [1], [0, 0, 1, 1], [], []>, transpose_lhs_hint = false} : vector<512x1024xbf16>, vector<1024x512xbf16>, vector<512x512xf32> -> vector<512x512xf32>
    %get3A_7 = arith.constant 0 : index
    %get3A_8 = arith.constant 0 : index
    %get3A_9 = vector.load %arg3[%get3A_7, %get3A_8] : memref<1024x512xf32, #tpu.memory_space<vmem>>, vector<1024x512xf32>
    %convert_element_type3A_10 = arith.truncf %get3A_9 : vector<1024x512xf32> to vector<1024x512xbf16>
    %dot_general3A_11 = arith.constant dense<0.000000e+00> : vector<512x512xf32>
    %dot_general3A_12 = tpu.matmul %convert_element_type3A, %convert_element_type3A_10, %dot_general3A_11 {dimension_numbers = #tpu.dot_dimension_numbers<[1], [0], [0], [1], [0, 0, 1, 1], [], []>, transpose_lhs_hint = false} : vector<512x1024xbf16>, vector<1024x512xbf16>, vector<512x512xf32> -> vector<512x512xf32>
    %neg3A = arith.constant 0.000000e+00 : f32
    %neg3A_13 = vector.broadcast %neg3A : f32 to vector<512x512xf32>
    %neg3A_14 = arith.subf %neg3A_13, %dot_general3A_6 : vector<512x512xf32>
    %exp3A = math.exp %neg3A_14 : vector<512x512xf32>
    %add3A = arith.constant 1.000000e+00 : f32
    %add3A_15 = vector.broadcast %add3A : f32 to vector<512x512xf32>
    %add3A_16 = arith.addf %add3A_15, %exp3A : vector<512x512xf32>
    %div3A = arith.constant 1.000000e+00 : f32
    %div3A_17 = vector.broadcast %div3A : f32 to vector<512x512xf32>
    %div3A_18 = arith.divf %div3A_17, %add3A_16 : vector<512x512xf32>
    %mul3A = arith.mulf %dot_general3A_6, %div3A_18 : vector<512x512xf32>
    %mul3A_19 = arith.mulf %mul3A, %dot_general3A_12 : vector<512x512xf32>
    %convert_element_type3A_20 = arith.truncf %mul3A_19 : vector<512x512xf32> to vector<512x512xbf16>
    %get3A_21 = arith.constant 0 : index
    %get3A_22 = arith.constant 0 : index
    %get3A_23 = vector.load %arg4[%get3A_21, %get3A_22] : memref<512x1024xf32, #tpu.memory_space<vmem>>, vector<512x1024xf32>
    %convert_element_type3A_24 = arith.truncf %get3A_23 : vector<512x1024xf32> to vector<512x1024xbf16>
    %dot_general3A_25 = arith.constant dense<0.000000e+00> : vector<512x1024xf32>
    %dot_general3A_26 = tpu.matmul %convert_element_type3A_20, %convert_element_type3A_24, %dot_general3A_25 {dimension_numbers = #tpu.dot_dimension_numbers<[1], [0], [0], [1], [0, 0, 1, 1], [], []>, transpose_lhs_hint = false} : vector<512x512xbf16>, vector<512x1024xbf16>, vector<512x1024xf32> -> vector<512x1024xf32>
    %get3A_27 = arith.constant 0 : index
    %get3A_28 = arith.constant 0 : index
    %get3A_29 = arith.constant 0 : index
    %get3A_30 = vector.load %arg7[%get3A_27, %get3A_28, %get3A_29] : memref<1x1x512xf32, #tpu.memory_space<vmem>>, vector<1x1x512xf32>
    %get3A_31 = vector.shape_cast %get3A_30 : vector<1x1x512xf32> to vector<1x512xf32>
    %reshape3A = vector.shape_cast %get3A_31 : vector<1x512xf32> to vector<512x1xf32>
    %get3A_32 = arith.constant 0 : index
    %get3A_33 = arith.constant 0 : index
    %get3A_34 = arith.constant 0 : index
    %get3A_35 = vector.load %arg8[%get3A_32, %get3A_33, %get3A_34] : memref<1x1x512xf32, #tpu.memory_space<vmem>>, vector<1x1x512xf32>
    %get3A_36 = vector.shape_cast %get3A_35 : vector<1x1x512xf32> to vector<1x512xf32>
    %reshape3A_37 = vector.shape_cast %get3A_36 : vector<1x512xf32> to vector<512x1xf32>
    %get3A_38 = arith.constant 0 : index
    %get3A_39 = arith.constant 0 : index
    %get3A_40 = arith.constant 0 : index
    %get3A_41 = vector.load %arg5[%get3A_38, %get3A_39, %get3A_40] : memref<1x512x1024xf32, #tpu.memory_space<vmem>>, vector<1x512x1024xf32>
    %get3A_42 = vector.shape_cast %get3A_41 : vector<1x512x1024xf32> to vector<512x1024xf32>
    %mul3A_43 = vector.broadcast %reshape3A : vector<512x1xf32> to vector<512x1024xf32>
    %mul3A_44 = arith.mulf %mul3A_43, %get3A_42 : vector<512x1024xf32>
    %add3A_45 = arith.addf %dot_general3A_26, %mul3A_44 : vector<512x1024xf32>
    %get3A_46 = arith.constant 0 : index
    %get3A_47 = arith.constant 0 : index
    %get3A_48 = arith.constant 0 : index
    %get3A_49 = vector.load %arg6[%get3A_46, %get3A_47, %get3A_48] : memref<1x512x1024xf32, #tpu.memory_space<vmem>>, vector<1x512x1024xf32>
    %get3A_50 = vector.shape_cast %get3A_49 : vector<1x512x1024xf32> to vector<512x1024xf32>
    %mul3A_51 = vector.broadcast %reshape3A_37 : vector<512x1xf32> to vector<512x1024xf32>
    %mul3A_52 = arith.mulf %mul3A_51, %get3A_50 : vector<512x1024xf32>
    %add3A_53 = arith.addf %add3A_45, %mul3A_52 : vector<512x1024xf32>
    %swap3A = arith.constant 0 : index
    %swap3A_54 = arith.constant 0 : index
    %swap3A_55 = vector.load %arg9[%swap3A, %swap3A_54] : memref<512x1024xf32, #tpu.memory_space<vmem>>, vector<512x1024xf32>
    tpu.vector_store %arg9[%swap3A, %swap3A_54], %add3A_53 {strides = array<i32>} : memref<512x1024xf32, #tpu.memory_space<vmem>>, vector<512x1024xf32>,
    return
  }
  func.func @transform_0(%arg0: i32) -> (i32, i32) {
    %c0_i32 = arith.constant 0 : i32
    %c0_i32_0 = arith.constant 0 : i32
    return %arg0, %c0_i32 : i32, i32
  }
  func.func @transform_1(%arg0: i32) -> (i32, i32) {
    %c0_i32 = arith.constant 0 : i32
    %c0_i32_0 = arith.constant 0 : i32
    %c0_i32_1 = arith.constant 0 : i32
    return %c0_i32, %c0_i32_0 : i32, i32
  }
  func.func @transform_2(%arg0: i32) -> (i32, i32) {
    %c0_i32 = arith.constant 0 : i32
    %c0_i32_0 = arith.constant 0 : i32
    %c0_i32_1 = arith.constant 0 : i32
    return %c0_i32, %c0_i32_0 : i32, i32
  }
  func.func @transform_3(%arg0: i32) -> (i32, i32) {
    %c0_i32 = arith.constant 0 : i32
    %c0_i32_0 = arith.constant 0 : i32
    %c0_i32_1 = arith.constant 0 : i32
    return %c0_i32, %c0_i32_0 : i32, i32
  }
  func.func @transform_4(%arg0: i32) -> (i32, i32, i32) {
    %c0_i32 = arith.constant 0 : i32
    %c0_i32_0 = arith.constant 0 : i32
    %c0_i32_1 = arith.constant 0 : i32
    return %c0_i32, %arg0, %c0_i32_0 : i32, i32, i32
  }
  func.func @transform_5(%arg0: i32) -> (i32, i32, i32) {
    %c1_i32 = arith.constant 1 : i32
    %c0_i32 = arith.constant 0 : i32
    %c0_i32_0 = arith.constant 0 : i32
    return %c1_i32, %arg0, %c0_i32 : i32, i32, i32
  }
  func.func @transform_6(%arg0: i32) -> (i32, i32, i32) {
    %c0_i32 = arith.constant 0 : i32
    %c0_i32_0 = arith.constant 0 : i32
    %c0_i32_1 = arith.constant 0 : i32
    return %arg0, %c0_i32, %c0_i32_0 : i32, i32, i32
  }
  func.func @transform_7(%arg0: i32) -> (i32, i32, i32) {
    %add3A = arith.constant 8 : i32
    %add3A_0 = arith.addi %arg0, %add3A : i32
    %c0_i32 = arith.constant 0 : i32
    %c0_i32_1 = arith.constant 0 : i32
    %c0_i32_2 = arith.constant 0 : i32
    return %add3A_0, %c0_i32, %c0_i32_1 : i32, i32, i32
  }
  func.func @transform_8(%arg0: i32) -> (i32, i32) {
    %c0_i32 = arith.constant 0 : i32
    %c0_i32_0 = arith.constant 0 : i32
    return %arg0, %c0_i32 : i32, i32
  }
}

</mosaic_0001>

<sc_bundles>
// kernel: kernel.10.cloned.1.call-start
scs
__scs_entry_jumppad:
0x0: {  	(pc) =	sbr.rel $0x88, $3  }
0x1: {  	(tag) =	ssettag $0x0;
	lr =	simm.s32 $0x1  }
0x2: {  	[smem:$0x3F99] =	sst lr;
	_ =	strace $0xD0000000  }
0x3: {  	_ = 	snop  }
0x4: {  	_ = 	snop  }
0x5: {  	_ = 	snop  }
0x6: {  	_ = 	snop  }
0x7: {  	_ = 	snop  }
__scs_overlays_trampoline_lowered:
0x8: {  	[smem:$0x3FA8] =	sst s0  }
0x9: {  	[smem:$0x3FA9] =	sst s1  }
0xa: {  	[smem:$0x3FAA] =	sst s2  }
0xb: {  	[smem:$0x3FAB] =	sst s3  }
0xc: {  	[smem:$0x3FAC] =	sst s4  }
0xd: {  	[smem:$0x3FAD] =	sst s5  }
0xe: {  	[smem:$0x3FAE] =	sst s6  }
0xf: {  	[smem:$0x3FAF] =	sst s7  }
0x10: {  	[smem:$0x3FB0] =	sst s8  }
0x11: {  	[smem:$0x3FB1] =	sst s9;
	s0 =	simm.s32 @!p0 $0x0  }
0x12: {  	s1 =	sld [smem:$0x3F97];
	s0 =	simm.s32 @p0 $0x1  }
0x13: {  	[smem:$0x3FB2] =	sst s0;
	s0 =	simm.s32 @!p1 $0x0  }
0x14: {  	s2 =	sld [smem:$0x3F96];
	s0 =	simm.s32 @p1 $0x1  }
0x15: {  	[smem:$0x3FB3] =	sst s0;
	s0 =	simm.s32 @!p2 $0x0  }
0x16: {  	s3 =	sld [smem:$0x3FDB];
	s0 =	simm.s32 @p2 $0x1  }
0x17: {  	s4 =	simm.s32 $0x1BF5;
	[smem:$0x3FB5] =	sst s0  }
0x18: {  	s0 =	sld [smem:$0x3F98];
	_ =	swait.ge [sflag:s4], $0x0  }
0x19: {  	s7 =	sld [smem:$0x3F99]  }
0x1a: {  	s8 =	sadd.s32 $0xFFFFE003, lr  }
0x1b: {  	s9 =	sadd.s32 $0xFFFFFEF7, lr;
	s5 =	simm.s32 $0xFFFFFFFF;
	p2 =	slt.u32 s8, $0xFFFFF086  }
0x1c: {  	p1 =	slt.u32 s9, $0xF7A;
	s5 =	simm.s32 @!p2 $0x0  }
0x1d: {  	s5 =	simm.s32 @p1 $0x1;
	p0 =	seq.s32 s7, s2  }
0x1e: {  	s7 =	smul.u32 @!p0 $0xF7A, s2;
	p2 =	seq.s32 @!p0 s5, $0x0  }
0x1f: {  	s9 =	smul.u32 $0xF7A, s1;
	s8 =	simm.s32 @!p0 $0x1BF5;
	p2 =	por !p2, p0  }
0x20: {  	[sflag:s8] =	ssyncset.s32 @!p0 $0xFFFFF086;
	s6 =	sadd.s32 @!p0 s3, s7;
	s7 =	simm.s32 @!p0 $0x108  }
0x21: {  	s3 =	sadd.s32 s3, s9;
	s6 =	sadd.s32 @!p0 $0x88, s6;
	s7 =	simm.s32 @p2 $0x1082  }
0x22: {  	[simem:s7], [sflag:s8] =	dma.local @!p0 [hbm:s6], $0xF7A  }
0x23: {  	s9 =	sor.u32 $0xD0000000, s2;
	s6 =	simm.s32 $0x108;
	_ =	swait.ge @!p0 [sflag:s8], $0x0  }
0x24: {  	s3 =	sadd.s32 $0x88, s3;
	s6 =	simm.s32 @!p1 $0x1082;
	[sflag:s4] =	ssyncset.s32 $0xFFFFF086  }
0x25: {  	[simem:s6], [sflag:s4] =	dma.local [hbm:s3], $0xF7A  }
0x26: {  	[smem:$0x3F99] =	sst s1;
	(tag) =	ssettag s2;
	_ =	strace s9  }
0x27: {  	s1 =	sld [smem:$0x3FA9]  }
0x28: {  	s2 =	sld [smem:$0x3FAA]  }
0x29: {  	s4 =	sld [smem:$0x3FAC]  }
0x2a: {  	p0 =	seq.s32 s5, $0x0;
	s5 =	sld [smem:$0x3FAD]  }
0x2b: {  	s6 =	sld [smem:$0x3FAE]  }
0x2c: {  	s7 =	sld [smem:$0x3FAF]  }
0x2d: {  	s3 =	simm.s32 $0x108;
	s8 =	sld [smem:$0x3FB0]  }
0x2e: {  	s3 =	simm.s32 @!p0 $0x1082;
	s9 =	sld [smem:$0x3FB1]  }
0x2f: {  	lr =	sadd.s32 s0, s3;
	s0 =	sld [smem:$0x3FA8]  }
0x30: {  	s3 =	sld [smem:$0x3FAB]  }
0x31: {  	[smem:$0x3FB4] =	sst s10  }
0x32: {  	s10 =	sld [smem:$0x3FB2];
	_ =	sdelay $0x3  }
0x33: {  	p0 =	seq.s32 s10, $0x1;
	s10 =	sld [smem:$0x3FB4];
	_ =	sdelay $0x3  }
0x34: {  	[smem:$0x3FB4] =	sst s10  }
0x35: {  	s10 =	sld [smem:$0x3FB3];
	_ =	sdelay $0x3  }
0x36: {  	p1 =	seq.s32 s10, $0x1;
	s10 =	sld [smem:$0x3FB4];
	_ =	sdelay $0x3  }
0x37: {  	[smem:$0x3FB4] =	sst s10  }
0x38: {  	s10 =	sld [smem:$0x3FB5]  }
0x39: {  	_ = 	snop;
	(pc) =	sbr.ind lr, $3  }
0x3a: {  	_ = 	snop  }
0x3b: {  	_ = 	snop  }
0x3c: {  	p2 =	seq.s32 s10, $0x1;
	s10 =	sld [smem:$0x3FB4]  }
0x3d: {  	_ =	shalt  }
0x3e: {  	_ =	shalt  }
0x3f: {  	_ =	shalt  }
0x40: {  	_ =	shalt  }
0x41: {  	_ =	shalt  }
0x42: {  	_ =	shalt  }
0x43: {  	_ =	shalt  }
0x44: {  	_ =	shalt  }
0x45: {  	_ =	shalt  }
0x46: {  	_ =	shalt  }
0x47: {  	_ =	shalt  }
0x48: {  	_ =	shalt  }
0x49: {  	_ =	shalt  }
0x4a: {  	_ =	shalt  }
0x4b: {  	_ =	shalt  }
0x4c: {  	_ =	shalt  }
0x4d: {  	_ =	shalt  }
0x4e: {  	_ =	shalt  }
0x4f: {  	_ =	shalt  }
0x50: {  	_ =	shalt  }
0x51: {  	_ =	shalt  }
0x52: {  	_ =	shalt  }
0x53: {  	_ =	shalt  }
0x54: {  	_ =	shalt  }
0x55: {  	_ =	shalt  }
0x56: {  	_ =	shalt  }
0x57: {  	_ =	shalt  }
0x58: {  	_ =	shalt  }
0x59: {  	_ =	shalt  }
0x5a: {  	_ =	shalt  }
0x5b: {  	_ =	shalt  }
0x5c: {  	_ =	shalt  }
0x5d: {  	_ =	shalt  }
0x5e: {  	_ =	shalt  }
0x5f: {  	_ =	shalt  }
0x60: {  	_ =	shalt  }
0x61: {  	_ =	shalt  }
0x62: {  	_ =	shalt  }
0x63: {  	_ =	shalt  }
0x64: {  	_ =	shalt  }
0x65: {  	_ =	shalt  }
0x66: {  	_ =	shalt  }
0x67: {  	_ =	shalt  }
0x68: {  	_ =	shalt  }
0x69: {  	_ =	shalt  }
0x6a: {  	_ =	shalt  }
0x6b: {  	_ =	shalt  }
0x6c: {  	_ =	shalt  }
0x6d: {  	_ =	shalt  }
0x6e: {  	_ =	shalt  }
0x6f: {  	_ =	shalt  }
0x70: {  	_ =	shalt  }
0x71: {  	_ =	shalt  }
0x72: {  	_ =	shalt  }
0x73: {  	_ =	shalt  }
0x74: {  	_ =	shalt  }
0x75: {  	_ =	shalt  }
0x76: {  	_ =	shalt  }
0x77: {  	_ =	shalt  }
0x78: {  	_ =	shalt  }
0x79: {  	_ =	shalt  }
0x7a: {  	_ =	shalt  }
0x7b: {  	_ =	shalt  }
0x7c: {  	_ =	shalt  }
0x7d: {  	_ =	shalt  }
0x7e: {  	_ =	shalt  }
0x7f: {  	_ =	shalt  }
0x80: {  	_ =	shalt  }
0x81: {  	_ =	shalt  }
0x82: {  	_ =	shalt  }
0x83: {  	_ =	shalt  }
0x84: {  	_ =	shalt  }
0x85: {  	_ =	shalt  }
0x86: {  	_ =	shalt  }
0x87: {  	_ =	shalt  }
.Lfunc_end0:
.L_simem_size_0:
called_computation.1_lowered:
.L_overlay_start_0:
0x88: {  	s2 =	sld [smem:$0x3FD9]  }
0x89: {  	s3 =	sld [smem:$0x3FFE];
	_ =	sdelay $0x1  }
0x8a: {  	s1 =	srdreg.scid  }
0x8b: {  	s0 =	sand.u32 $0x1, s1  }
0x8c: {  	s17 =	sshll.u32 s0, $0xA;
	s2 =	sadd.s32 s3, s2  }
0x8d: {  	s2 =	sadd.s32 s2, s17  }
0x8e: {  	[smem:$0x3FC0] =	sst s2  }
0x8f: {  	_ = 	snop  }
0x90: {  	s2 =	sld [smem:$0x3FD0];
	(tm) =	ssettm $0x1  }
0x91: {  	s18 =	sld [smem:$0x3FFB];
	_ =	sdelay $0x3  }
0x92: {  	_ =	strace s18  }
0x93: {  	s3 =	sld [smem:$0x3FFC];
	_ =	sdelay $0x3  }
0x94: {  	_ =	strace s3  }
0x95: {  	s3 =	sld [smem:$0x3FFD];
	_ =	sdelay $0x3  }
0x96: {  	_ =	strace s3  }
0x97: {  	_ =	strace $0x8FFFFFFF  }
0x98: {  	s19 =	sld [smem:$0x3FDB];
	_ =	sdelay $0x1  }
0x99: {  	s4 =	simm.s32 $_scs_section_size  }
0x9a: {  	s5 =	simm.s32 $_size__tile_overlayer_lowered;
	s6 =	simm.s32 $_tile_overlayer_lowered  }
0x9b: {  	s22 =	simm.s32 $0x1BFF;
	s21 =	sshll.u32 s6, $0x1;
	s3 =	sadd.s32 s4, s19  }
0x9c: {  	s7 =	simm.s32 $0x0;
	s20 =	sshll.u32 s5, $0x1;
	s5 =	sadd.s32 s21, s3  }
0x9d: {  	[timem:s7], [sflag:s22] =	dma.local [hbm:s5], s20  }
0x9e: {  	_ =	swait.ge [sflag:s22], s20  }
0x9f: {  	s4 =	ssub.s32 $0x0, s20;
	[sflag:s22] =	ssyncset.done $0x0  }
0xa0: {  	[sflag:s22] =	ssyncadd.s32 s4;
	_ =	sdelay $0x1  }
0xa1: {  	s23 =	simm.s32 $0x1B8B  }
0xa2: {  	_ =	swait.ge [sflag:s23], $0x1  }
0xa3: {  	[sflag:s23] =	ssyncset.done $0x0  }
0xa4: {  	s25 =	simm.s32 $0x1B8E;
	s24 =	sld [smem:$0x3FFE];
	[sflag:s23] =	ssyncadd.s32 $0xFFFFFFFF  }
0xa5: {  	s26 =	simm.s32 $execute0_lowered;
	[smem:$0x3FD2] =	sst s25  }
0xa6: {  	s5 =	sshll.u32 s26, $0x1;
	_ =	strace $0x80000049;
	[dreg:$0x1] =	wrdreg $0xFFFFFFFF  }
0xa7: {  	s28 =	simm.s32 $_size_execute0_lowered;
	s3 =	sadd.s32 s3, s5;
	[dreg:$0x0] =	wrdreg $0x0  }
0xa8: {  	s5 =	sshll.u32 s28, $0x1;
	[dreg:$0x2] =	wrdreg s3  }
0xa9: {  	[dreg:$0x3] =	wrdreg s5  }
0xaa: {  	[dreg:$0x4] =	wrdreg $0xC0  }
0xab: {  	_ =	task [dreg:s7], $0x5FFFF  }
0xac: {  	[dreg:$0x1] =	wrdreg $0xFFFFFFFF  }
0xad: {  	[dreg:$0x0] =	wrdreg $0x60  }
0xae: {  	[dreg:$0x2] =	wrdreg s24  }
0xaf: {  	[dreg:$0x3] =	wrdreg s2  }
0xb0: {  	[dreg:$0x4] =	wrdreg $0x9  }
0xb1: {  	_ =	task.clear_ibuf [dreg:s7], $0x5FFFF;
	_ =	strace $0x90000049  }
0xb2: {  	s29 =	simm.s32 $0x9;
	_ =	strace $0x8000004B  }
0xb3: {  	_ =	swait.ge [sflag:s29], $0x1  }
0xb4: {  	[sflag:s29] =	ssyncadd.s32 $0xFFFFFFFF  }
0xb5: {  	_ =	strace $0x9000004B  }
0xb6: {  	_ =	sfence  }
0xb7: {  	s30 =	sld [smem:$0x0];
	_ =	sdelay $0x2  }
0xb8: {  	s31 =	sshll.u32 s1, $0xD;
	s1 =	sshrl.u32 s1, $0x2  }
0xb9: {  	s3 =	sand.u32 $0x4000, s31;
	s1 =	sadd.s32 s1, s30  }
0xba: {  	s0 =	sor.u32 s3, s0;
	s1 =	sshll.u32 s1, $0x11  }
0xbb: {  	s0 =	sor.u32 s1, s0  }
0xbc: {  	s0 =	sadd.s32 $0x8F2B, s0  }
0xbd: {  	[sflag:s0] =	ssyncadd.remote.s32 $0x1  }
0xbe: {  	_ =	sfence.sel $0xFFFF  }
0xbf: {  	[dreg:$0x0] =	wrdreg $0xFFFFFFFF;
	(pc) =	sbr.abs _section_cstart, $3  }
0xc0: {  	[dreg:$0x1] =	wrdreg $0xFFFFFFFF  }
0xc1: {  	_ =	task.clear_ibuf [dreg:s7], $0x2FFFF;
	_ =	strace $0x9FFFFFFF  }
0xc2: {  	(tm) =	ssettm $0x7FFFFFFF  }
0xc3: {  	_ =	shalt  }
tec
execute0_lowered:
.L_overlay_start_1:
0x0: {  	(tag) =	ssettag $0x1  }
0x1: {  	s1 =	rddreg [dreg:$0x0];
	s2 =	srdreg.scid  }
0x2: {  	s0 =	stileid.u32;
	s4 =	rddreg [dreg:$0x1];
	s22 =	simm.s32 $0x2  }
0x3: {  	s28 =	simm.s32 $0x2400;
	s29 =	simm.s32 $0x2C00;
	s30 =	simm.s32 $0x3400  }
0x4: {  	s3 =	sand.u32 $0x1, s2;
	s5 =	sshll.u32 s0, $0x1;
	s2 =	simm.s32 $0x0  }
0x5: {  	s31 =	simm.s32 $0x3C00;
	s5 =	sor.u32 s3, s5;
	[smem:$0x7FF] =	sst s2  }
0x6: {  	s7 =	ssub.s32 $0x2, s3;
	s3 =	sadd.s32 $0x181800, s1;
	s6 =	sshll.u32 s5, $0xE  }
0x7: {  	_ =	strace $0x8000004A;
	s23 =	sshrl.u32 s7, $0x1;
	s5 =	sshll.u32 s5, $0x7  }
0x8: {  	s20 =	sadd.s32 s6, s1;
	s4 =	sadd.s32 s4, s5;
	s5 =	sadd.s32 $0x181900, s1  }
0x9: {  	s21 =	ssub.s32 s7, s23;
	s6 =	sadd.s32 $0x181A00, s1;
	s7 =	sadd.s32 $0x181B00, s1  }
0xa: {  	s23 =	simm.s32 $0x400;
	s1 =	simm.s32 $0x1;
	s24 =	sadd.s32 $0x1800, s20  }
0xb: {  	s25 =	sadd.s32 $0x2000, s20;
	s26 =	sadd.s32 $0x2800, s20;
	s8 =	sadd.s32 $0x3000, s20  }
0xc: {  	s9 =	sadd.s32 $0x4000, s20;
	s10 =	sadd.s32 $0x4800, s20;
	s11 =	sadd.s32 $0x5000, s20  }
0xd: {  	s12 =	sadd.s32 $0x1000, s4;
	s13 =	sadd.s32 $0x81800, s20;
	s14 =	sadd.s32 $0x82000, s20  }
0xe: {  	s15 =	sadd.s32 $0x82800, s20;
	s16 =	sadd.s32 $0x83000, s20;
	[dreg:$0x3] =	wrdreg s24  }
0xf: {  	s17 =	sadd.s32 $0x83800, s20;
	s18 =	sadd.s32 $0x84000, s20;
	[dreg:$0x4] =	wrdreg s25  }
0x10: {  	v2 =	vlaneseq.u32;
	s19 =	sadd.s32 $0x84800, s20;
	s21 =	smax.u32 s21, $0x1;
	[dreg:$0x5] =	wrdreg s26  }
0x11: {  	vm0 =	vmmov $0xffff;
	v1 =	vshrl.u32 v2, $0x3;
	[dreg:$0x6] =	wrdreg s8;
	s8 =	sadd.s32 $0x3800, s20;
	s20 =	sadd.s32 $0x85000, s20  }
0x12: {  	v0 =	vand.u32 $0x7, v2;
	v2 =	vor.u32 $0x8, v2;
	v1 =	vmul.u32 $0x8, v1;
	s24 =	simm.s32 $0xC00;
	s25 =	simm.s32 $0x1400;
	s26 =	simm.s32 $0x1C00  }
.LBB2_1:
0x13: {  	[tilespmem:s2], [sflag:$0x2] =	stream.linear.gather [hbm4b:s4+s2], $0x400, $0x38;
	[tilespmem:$0x4400] =	vst v63  }
0x14: {  	_ =	swait.ge [sflag:s22], $0x400  }
0x15: {  	[sflag:s22] =	ssyncset.done $0x0  }
0x16: {  	[sflag:s22] =	ssyncadd.s32 $0xFFFFFC00  }
0x17: {  	v3 =	vld [tilespmem:$0x0];
	_ =	sdelay $0x4  }
0x18: {  	v4 =	vshll.u32 v3, $0x3  }
0x19: {  	v3 =	vand.u32 $0x7, v3;
	v4 =	vand.u32 $0xFFFFFFC0, v4  }
0x1a: {  	v3 =	vor.u32 v3, v4  }
0x1b: {  	v4 =	vperm.xlane v3, v0;
	_ =	sdelay $0x1  }
0x1c: {  	v4 =	vadd.s32 v1, v4;
	_ =	sdelay $0x4  }
0x1d: {  	[tilespmem:s23], [sflag:$0x1] =	stream.indirect_vreg.gather [hbm4b:s3+s2], $0x80, v4, vm0, $0xb8;
	[tilespmem:$0x4400] =	vst v63  }
0x1e: {  	v3 =	vperm.xlane v3, v2  }
0x1f: {  	[tilespmem:s24], [sflag:$0x1] =	stream.indirect_vreg.gather [hbm4b:s5+s2], $0x80, v4, vm0, $0xb8;
	[tilespmem:$0x4400] =	vst v63  }
0x20: {  	v3 =	vadd.s32 v1, v3  }
0x21: {  	[tilespmem:s25], [sflag:$0x1] =	stream.indirect_vreg.gather [hbm4b:s6+s2], $0x80, v4, vm0, $0xb8;
	[tilespmem:$0x4400] =	vst v63  }
0x22: {  	_ = 	snop  }
0x23: {  	[tilespmem:s26], [sflag:$0x1] =	stream.indirect_vreg.gather [hbm4b:s7+s2], $0x80, v4, vm0, $0xb8;
	[tilespmem:$0x4400] =	vst v63  }
0x24: {  	_ = 	snop  }
0x25: {  	[tilespmem:s28], [sflag:$0x1] =	stream.indirect_vreg.gather [hbm4b:s3+s2], $0x80, v3, vm0, $0xb8;
	[tilespmem:$0x4400] =	vst v63  }
0x26: {  	_ = 	snop  }
0x27: {  	[tilespmem:s29], [sflag:$0x1] =	stream.indirect_vreg.gather [hbm4b:s5+s2], $0x80, v3, vm0, $0xb8;
	[tilespmem:$0x4400] =	vst v63  }
0x28: {  	_ = 	snop  }
0x29: {  	[tilespmem:s30], [sflag:$0x1] =	stream.indirect_vreg.gather [hbm4b:s6+s2], $0x80, v3, vm0, $0xb8;
	[tilespmem:$0x4400] =	vst v63  }
0x2a: {  	_ = 	snop  }
0x2b: {  	[tilespmem:s31], [sflag:$0x1] =	stream.indirect_vreg.gather [hbm4b:s7+s2], $0x80, v3, vm0, $0xb8;
	[tilespmem:$0x4400] =	vst v63  }
0x2c: {  	_ =	swait.ge [sflag:s1], $0x4000  }
0x2d: {  	[sflag:s1] =	ssyncset.done $0x0  }
0x2e: {  	s0 =	rddreg [dreg:$0x3];
	[sflag:s1] =	ssyncadd.s32 $0xFFFFC000  }
0x2f: {  	[hbm4b:s0+s2] =	stream.linear.scatter [tilespmem:s23], [sflag:$0x2], $0x4000, $0x38;
	[tilespmem:$0x4400] =	vst v63  }
0x30: {  	_ =	swait.ge [sflag:s22], $0x4000  }
0x31: {  	[sflag:s22] =	ssyncset.done $0x0  }
0x32: {  	[sflag:s22] =	ssyncadd.s32 $0xFFFFC000  }
0x33: {  	v3 =	vld [tilespmem:$0x80];
	_ =	sdelay $0x4  }
0x34: {  	v49 =	vshll.u32 v3, $0x3  }
0x35: {  	v3 =	vand.u32 $0x7, v3;
	v4 =	vand.u32 $0xFFFFFFC0, v49  }
0x36: {  	v3 =	vor.u32 v3, v4  }
0x37: {  	v4 =	vperm.xlane v3, v0;
	_ =	sdelay $0x1  }
0x38: {  	v4 =	vadd.s32 v1, v4;
	_ =	sdelay $0x4  }
0x39: {  	[tilespmem:s23], [sflag:$0x1] =	stream.indirect_vreg.gather [hbm4b:s3+s2], $0x80, v4, vm0, $0xb8;
	[tilespmem:$0x4400] =	vst v63  }
0x3a: {  	v3 =	vperm.xlane v3, v2  }
0x3b: {  	[tilespmem:s24], [sflag:$0x1] =	stream.indirect_vreg.gather [hbm4b:s5+s2], $0x80, v4, vm0, $0xb8;
	[tilespmem:$0x4400] =	vst v63  }
0x3c: {  	v3 =	vadd.s32 v1, v3  }
0x3d: {  	[tilespmem:s25], [sflag:$0x1] =	stream.indirect_vreg.gather [hbm4b:s6+s2], $0x80, v4, vm0, $0xb8;
	[tilespmem:$0x4400] =	vst v63  }
0x3e: {  	_ = 	snop  }
0x3f: {  	[tilespmem:s26], [sflag:$0x1] =	stream.indirect_vreg.gather [hbm4b:s7+s2], $0x80, v4, vm0, $0xb8;
	[tilespmem:$0x4400] =	vst v63  }
0x40: {  	_ = 	snop  }
0x41: {  	[tilespmem:s28], [sflag:$0x1] =	stream.indirect_vreg.gather [hbm4b:s3+s2], $0x80, v3, vm0, $0xb8;
	[tilespmem:$0x4400] =	vst v63  }
0x42: {  	_ = 	snop  }
0x43: {  	[tilespmem:s29], [sflag:$0x1] =	stream.indirect_vreg.gather [hbm4b:s5+s2], $0x80, v3, vm0, $0xb8;
	[tilespmem:$0x4400] =	vst v63  }
0x44: {  	_ = 	snop  }
0x45: {  	[tilespmem:s30], [sflag:$0x1] =	stream.indirect_vreg.gather [hbm4b:s6+s2], $0x80, v3, vm0, $0xb8;
	[tilespmem:$0x4400] =	vst v63  }
0x46: {  	_ = 	snop  }
0x47: {  	[tilespmem:s31], [sflag:$0x1] =	stream.indirect_vreg.gather [hbm4b:s7+s2], $0x80, v3, vm0, $0xb8;
	[tilespmem:$0x4400] =	vst v63  }
0x48: {  	_ =	swait.ge [sflag:s1], $0x4000  }
0x49: {  	[sflag:s1] =	ssyncset.done $0x0  }
0x4a: {  	s0 =	rddreg [dreg:$0x4];
	[sflag:s1] =	ssyncadd.s32 $0xFFFFC000  }
0x4b: {  	[hbm4b:s0+s2] =	stream.linear.scatter [tilespmem:s23], [sflag:$0x2], $0x4000, $0x38;
	[tilespmem:$0x4400] =	vst v63  }
0x4c: {  	_ =	swait.ge [sflag:s22], $0x4000  }
0x4d: {  	[sflag:s22] =	ssyncset.done $0x0  }
0x4e: {  	[sflag:s22] =	ssyncadd.s32 $0xFFFFC000  }
0x4f: {  	v3 =	vld [tilespmem:$0x100];
	_ =	sdelay $0x4  }
0x50: {  	v50 =	vshll.u32 v3, $0x3  }
0x51: {  	v3 =	vand.u32 $0x7, v3;
	v4 =	vand.u32 $0xFFFFFFC0, v50  }
0x52: {  	v3 =	vor.u32 v3, v4  }
0x53: {  	v4 =	vperm.xlane v3, v0;
	_ =	sdelay $0x1  }
0x54: {  	v4 =	vadd.s32 v1, v4;
	_ =	sdelay $0x4  }
0x55: {  	[tilespmem:s23], [sflag:$0x1] =	stream.indirect_vreg.gather [hbm4b:s3+s2], $0x80, v4, vm0, $0xb8;
	[tilespmem:$0x4400] =	vst v63  }
0x56: {  	v3 =	vperm.xlane v3, v2  }
0x57: {  	[tilespmem:s24], [sflag:$0x1] =	stream.indirect_vreg.gather [hbm4b:s5+s2], $0x80, v4, vm0, $0xb8;
	[tilespmem:$0x4400] =	vst v63  }
0x58: {  	v3 =	vadd.s32 v1, v3  }
0x59: {  	[tilespmem:s25], [sflag:$0x1] =	stream.indirect_vreg.gather [hbm4b:s6+s2], $0x80, v4, vm0, $0xb8;
	[tilespmem:$0x4400] =	vst v63  }
0x5a: {  	_ = 	snop  }
0x5b: {  	[tilespmem:s26], [sflag:$0x1] =	stream.indirect_vreg.gather [hbm4b:s7+s2], $0x80, v4, vm0, $0xb8;
	[tilespmem:$0x4400] =	vst v63  }
0x5c: {  	_ = 	snop  }
0x5d: {  	[tilespmem:s28], [sflag:$0x1] =	stream.indirect_vreg.gather [hbm4b:s3+s2], $0x80, v3, vm0, $0xb8;
	[tilespmem:$0x4400] =	vst v63  }
0x5e: {  	_ = 	snop  }
0x5f: {  	[tilespmem:s29], [sflag:$0x1] =	stream.indirect_vreg.gather [hbm4b:s5+s2], $0x80, v3, vm0, $0xb8;
	[tilespmem:$0x4400] =	vst v63  }
0x60: {  	_ = 	snop  }
0x61: {  	[tilespmem:s30], [sflag:$0x1] =	stream.indirect_vreg.gather [hbm4b:s6+s2], $0x80, v3, vm0, $0xb8;
	[tilespmem:$0x4400] =	vst v63  }
0x62: {  	_ = 	snop  }
0x63: {  	[tilespmem:s31], [sflag:$0x1] =	stream.indirect_vreg.gather [hbm4b:s7+s2], $0x80, v3, vm0, $0xb8;
	[tilespmem:$0x4400] =	vst v63  }
0x64: {  	_ =	swait.ge [sflag:s1], $0x4000  }
0x65: {  	[sflag:s1] =	ssyncset.done $0x0  }
0x66: {  	s0 =	rddreg [dreg:$0x5];
	[sflag:s1] =	ssyncadd.s32 $0xFFFFC000  }
0x67: {  	[hbm4b:s0+s2] =	stream.linear.scatter [tilespmem:s23], [sflag:$0x2], $0x4000, $0x38;
	[tilespmem:$0x4400] =	vst v63  }
0x68: {  	_ =	swait.ge [sflag:s22], $0x4000  }
0x69: {  	[sflag:s22] =	ssyncset.done $0x0  }
0x6a: {  	[sflag:s22] =	ssyncadd.s32 $0xFFFFC000  }
0x6b: {  	v3 =	vld [tilespmem:$0x180];
	_ =	sdelay $0x4  }
0x6c: {  	v51 =	vshll.u32 v3, $0x3  }
0x6d: {  	v3 =	vand.u32 $0x7, v3;
	v4 =	vand.u32 $0xFFFFFFC0, v51  }
0x6e: {  	v3 =	vor.u32 v3, v4  }
0x6f: {  	v4 =	vperm.xlane v3, v0;
	_ =	sdelay $0x1  }
0x70: {  	v4 =	vadd.s32 v1, v4;
	_ =	sdelay $0x4  }
0x71: {  	[tilespmem:s23], [sflag:$0x1] =	stream.indirect_vreg.gather [hbm4b:s3+s2], $0x80, v4, vm0, $0xb8;
	[tilespmem:$0x4400] =	vst v63  }
0x72: {  	v3 =	vperm.xlane v3, v2  }
0x73: {  	[tilespmem:s24], [sflag:$0x1] =	stream.indirect_vreg.gather [hbm4b:s5+s2], $0x80, v4, vm0, $0xb8;
	[tilespmem:$0x4400] =	vst v63  }
0x74: {  	v3 =	vadd.s32 v1, v3  }
0x75: {  	[tilespmem:s25], [sflag:$0x1] =	stream.indirect_vreg.gather [hbm4b:s6+s2], $0x80, v4, vm0, $0xb8;
	[tilespmem:$0x4400] =	vst v63  }
0x76: {  	_ = 	snop  }
0x77: {  	[tilespmem:s26], [sflag:$0x1] =	stream.indirect_vreg.gather [hbm4b:s7+s2], $0x80, v4, vm0, $0xb8;
	[tilespmem:$0x4400] =	vst v63  }
0x78: {  	_ = 	snop  }
0x79: {  	[tilespmem:s28], [sflag:$0x1] =	stream.indirect_vreg.gather [hbm4b:s3+s2], $0x80, v3, vm0, $0xb8;
	[tilespmem:$0x4400] =	vst v63  }
0x7a: {  	_ = 	snop  }
0x7b: {  	[tilespmem:s29], [sflag:$0x1] =	stream.indirect_vreg.gather [hbm4b:s5+s2], $0x80, v3, vm0, $0xb8;
	[tilespmem:$0x4400] =	vst v63  }
0x7c: {  	_ = 	snop  }
0x7d: {  	[tilespmem:s30], [sflag:$0x1] =	stream.indirect_vreg.gather [hbm4b:s6+s2], $0x80, v3, vm0, $0xb8;
	[tilespmem:$0x4400] =	vst v63  }
0x7e: {  	_ = 	snop  }
0x7f: {  	[tilespmem:s31], [sflag:$0x1] =	stream.indirect_vreg.gather [hbm4b:s7+s2], $0x80, v3, vm0, $0xb8;
	[tilespmem:$0x4400] =	vst v63  }
0x80: {  	_ =	swait.ge [sflag:s1], $0x4000  }
0x81: {  	[sflag:s1] =	ssyncset.done $0x0  }
0x82: {  	s0 =	rddreg [dreg:$0x6];
	[sflag:s1] =	ssyncadd.s32 $0xFFFFC000  }
0x83: {  	[hbm4b:s0+s2] =	stream.linear.scatter [tilespmem:s23], [sflag:$0x2], $0x4000, $0x38;
	[tilespmem:$0x4400] =	vst v63  }
0x84: {  	_ =	swait.ge [sflag:s22], $0x4000  }
0x85: {  	[sflag:s22] =	ssyncset.done $0x0  }
0x86: {  	[sflag:s22] =	ssyncadd.s32 $0xFFFFC000  }
0x87: {  	v3 =	vld [tilespmem:$0x200];
	_ =	sdelay $0x4  }
0x88: {  	v52 =	vshll.u32 v3, $0x3  }
0x89: {  	v3 =	vand.u32 $0x7, v3;
	v4 =	vand.u32 $0xFFFFFFC0, v52  }
0x8a: {  	v3 =	vor.u32 v3, v4  }
0x8b: {  	v4 =	vperm.xlane v3, v0;
	_ =	sdelay $0x1  }
0x8c: {  	v4 =	vadd.s32 v1, v4;
	_ =	sdelay $0x4  }
0x8d: {  	[tilespmem:s23], [sflag:$0x1] =	stream.indirect_vreg.gather [hbm4b:s3+s2], $0x80, v4, vm0, $0xb8;
	[tilespmem:$0x4400] =	vst v63  }
0x8e: {  	v3 =	vperm.xlane v3, v2  }
0x8f: {  	[tilespmem:s24], [sflag:$0x1] =	stream.indirect_vreg.gather [hbm4b:s5+s2], $0x80, v4, vm0, $0xb8;
	[tilespmem:$0x4400] =	vst v63  }
0x90: {  	v3 =	vadd.s32 v1, v3  }
0x91: {  	[tilespmem:s25], [sflag:$0x1] =	stream.indirect_vreg.gather [hbm4b:s6+s2], $0x80, v4, vm0, $0xb8;
	[tilespmem:$0x4400] =	vst v63  }
0x92: {  	_ = 	snop  }
0x93: {  	[tilespmem:s26], [sflag:$0x1] =	stream.indirect_vreg.gather [hbm4b:s7+s2], $0x80, v4, vm0, $0xb8;
	[tilespmem:$0x4400] =	vst v63  }
0x94: {  	_ = 	snop  }
0x95: {  	[tilespmem:s28], [sflag:$0x1] =	stream.indirect_vreg.gather [hbm4b:s3+s2], $0x80, v3, vm0, $0xb8;
	[tilespmem:$0x4400] =	vst v63  }
0x96: {  	_ = 	snop  }
0x97: {  	[tilespmem:s29], [sflag:$0x1] =	stream.indirect_vreg.gather [hbm4b:s5+s2], $0x80, v3, vm0, $0xb8;
	[tilespmem:$0x4400] =	vst v63  }
0x98: {  	_ = 	snop  }
0x99: {  	[tilespmem:s30], [sflag:$0x1] =	stream.indirect_vreg.gather [hbm4b:s6+s2], $0x80, v3, vm0, $0xb8;
	[tilespmem:$0x4400] =	vst v63  }
0x9a: {  	_ = 	snop  }
0x9b: {  	[tilespmem:s31], [sflag:$0x1] =	stream.indirect_vreg.gather [hbm4b:s7+s2], $0x80, v3, vm0, $0xb8;
	[tilespmem:$0x4400] =	vst v63  }
0x9c: {  	_ =	swait.ge [sflag:s1], $0x4000  }
0x9d: {  	[sflag:s1] =	ssyncset.done $0x0  }
0x9e: {  	[sflag:s1] =	ssyncadd.s32 $0xFFFFC000  }
0x9f: {  	[hbm4b:s8+s2] =	stream.linear.scatter [tilespmem:s23], [sflag:$0x2], $0x4000, $0x38;
	[tilespmem:$0x4400] =	vst v63  }
0xa0: {  	_ =	swait.ge [sflag:s22], $0x4000  }
0xa1: {  	[sflag:s22] =	ssyncset.done $0x0  }
0xa2: {  	[sflag:s22] =	ssyncadd.s32 $0xFFFFC000  }
0xa3: {  	v3 =	vld [tilespmem:$0x280];
	_ =	sdelay $0x4  }
0xa4: {  	v53 =	vshll.u32 v3, $0x3  }
0xa5: {  	v3 =	vand.u32 $0x7, v3;
	v4 =	vand.u32 $0xFFFFFFC0, v53  }
0xa6: {  	v3 =	vor.u32 v3, v4  }
0xa7: {  	v4 =	vperm.xlane v3, v0;
	_ =	sdelay $0x1  }
0xa8: {  	v4 =	vadd.s32 v1, v4;
	_ =	sdelay $0x4  }
0xa9: {  	[tilespmem:s23], [sflag:$0x1] =	stream.indirect_vreg.gather [hbm4b:s3+s2], $0x80, v4, vm0, $0xb8;
	[tilespmem:$0x4400] =	vst v63  }
0xaa: {  	v3 =	vperm.xlane v3, v2  }
0xab: {  	[tilespmem:s24], [sflag:$0x1] =	stream.indirect_vreg.gather [hbm4b:s5+s2], $0x80, v4, vm0, $0xb8;
	[tilespmem:$0x4400] =	vst v63  }
0xac: {  	v3 =	vadd.s32 v1, v3  }
0xad: {  	[tilespmem:s25], [sflag:$0x1] =	stream.indirect_vreg.gather [hbm4b:s6+s2], $0x80, v4, vm0, $0xb8;
	[tilespmem:$0x4400] =	vst v63  }
0xae: {  	_ = 	snop  }
0xaf: {  	[tilespmem:s26], [sflag:$0x1] =	stream.indirect_vreg.gather [hbm4b:s7+s2], $0x80, v4, vm0, $0xb8;
	[tilespmem:$0x4400] =	vst v63  }
0xb0: {  	_ = 	snop  }
0xb1: {  	[tilespmem:s28], [sflag:$0x1] =	stream.indirect_vreg.gather [hbm4b:s3+s2], $0x80, v3, vm0, $0xb8;
	[tilespmem:$0x4400] =	vst v63  }
0xb2: {  	_ = 	snop  }
0xb3: {  	[tilespmem:s29], [sflag:$0x1] =	stream.indirect_vreg.gather [hbm4b:s5+s2], $0x80, v3, vm0, $0xb8;
	[tilespmem:$0x4400] =	vst v63  }
0xb4: {  	_ = 	snop  }
0xb5: {  	[tilespmem:s30], [sflag:$0x1] =	stream.indirect_vreg.gather [hbm4b:s6+s2], $0x80, v3, vm0, $0xb8;
	[tilespmem:$0x4400] =	vst v63  }
0xb6: {  	_ = 	snop  }
0xb7: {  	[tilespmem:s31], [sflag:$0x1] =	stream.indirect_vreg.gather [hbm4b:s7+s2], $0x80, v3, vm0, $0xb8;
	[tilespmem:$0x4400] =	vst v63  }
0xb8: {  	_ =	swait.ge [sflag:s1], $0x4000  }
0xb9: {  	[sflag:s1] =	ssyncset.done $0x0  }
0xba: {  	[sflag:s1] =	ssyncadd.s32 $0xFFFFC000  }
0xbb: {  	[hbm4b:s9+s2] =	stream.linear.scatter [tilespmem:s23], [sflag:$0x2], $0x4000, $0x38;
	[tilespmem:$0x4400] =	vst v63  }
0xbc: {  	_ =	swait.ge [sflag:s22], $0x4000  }
0xbd: {  	[sflag:s22] =	ssyncset.done $0x0  }
0xbe: {  	[sflag:s22] =	ssyncadd.s32 $0xFFFFC000  }
0xbf: {  	v3 =	vld [tilespmem:$0x300];
	_ =	sdelay $0x4  }
0xc0: {  	v54 =	vshll.u32 v3, $0x3  }
0xc1: {  	v3 =	vand.u32 $0x7, v3;
	v4 =	vand.u32 $0xFFFFFFC0, v54  }
0xc2: {  	v3 =	vor.u32 v3, v4  }
0xc3: {  	v4 =	vperm.xlane v3, v0;
	_ =	sdelay $0x1  }
0xc4: {  	v4 =	vadd.s32 v1, v4;
	_ =	sdelay $0x4  }
0xc5: {  	[tilespmem:s23], [sflag:$0x1] =	stream.indirect_vreg.gather [hbm4b:s3+s2], $0x80, v4, vm0, $0xb8;
	[tilespmem:$0x4400] =	vst v63  }
0xc6: {  	v3 =	vperm.xlane v3, v2  }
0xc7: {  	[tilespmem:s24], [sflag:$0x1] =	stream.indirect_vreg.gather [hbm4b:s5+s2], $0x80, v4, vm0, $0xb8;
	[tilespmem:$0x4400] =	vst v63  }
0xc8: {  	v3 =	vadd.s32 v1, v3  }
0xc9: {  	[tilespmem:s25], [sflag:$0x1] =	stream.indirect_vreg.gather [hbm4b:s6+s2], $0x80, v4, vm0, $0xb8;
	[tilespmem:$0x4400] =	vst v63  }
0xca: {  	_ = 	snop  }
0xcb: {  	[tilespmem:s26], [sflag:$0x1] =	stream.indirect_vreg.gather [hbm4b:s7+s2], $0x80, v4, vm0, $0xb8;
	[tilespmem:$0x4400] =	vst v63  }
0xcc: {  	_ = 	snop  }
0xcd: {  	[tilespmem:s28], [sflag:$0x1] =	stream.indirect_vreg.gather [hbm4b:s3+s2], $0x80, v3, vm0, $0xb8;
	[tilespmem:$0x4400] =	vst v63  }
0xce: {  	_ = 	snop  }
0xcf: {  	[tilespmem:s29], [sflag:$0x1] =	stream.indirect_vreg.gather [hbm4b:s5+s2], $0x80, v3, vm0, $0xb8;
	[tilespmem:$0x4400] =	vst v63  }
0xd0: {  	_ = 	snop  }
0xd1: {  	[tilespmem:s30], [sflag:$0x1] =	stream.indirect_vreg.gather [hbm4b:s6+s2], $0x80, v3, vm0, $0xb8;
	[tilespmem:$0x4400] =	vst v63  }
0xd2: {  	_ = 	snop  }
0xd3: {  	[tilespmem:s31], [sflag:$0x1] =	stream.indirect_vreg.gather [hbm4b:s7+s2], $0x80, v3, vm0, $0xb8;
	[tilespmem:$0x4400] =	vst v63  }
0xd4: {  	_ =	swait.ge [sflag:s1], $0x4000  }
0xd5: {  	[sflag:s1] =	ssyncset.done $0x0  }
0xd6: {  	[sflag:s1] =	ssyncadd.s32 $0xFFFFC000  }
0xd7: {  	[hbm4b:s10+s2] =	stream.linear.scatter [tilespmem:s23], [sflag:$0x2], $0x4000, $0x38;
	[tilespmem:$0x4400] =	vst v63  }
0xd8: {  	_ =	swait.ge [sflag:s22], $0x4000  }
0xd9: {  	[sflag:s22] =	ssyncset.done $0x0  }
0xda: {  	[sflag:s22] =	ssyncadd.s32 $0xFFFFC000  }
0xdb: {  	v3 =	vld [tilespmem:$0x380];
	_ =	sdelay $0x4  }
0xdc: {  	v55 =	vshll.u32 v3, $0x3  }
0xdd: {  	v3 =	vand.u32 $0x7, v3;
	v4 =	vand.u32 $0xFFFFFFC0, v55  }
0xde: {  	v3 =	vor.u32 v3, v4  }
0xdf: {  	v4 =	vperm.xlane v3, v0;
	_ =	sdelay $0x1  }
0xe0: {  	v4 =	vadd.s32 v1, v4;
	_ =	sdelay $0x4  }
0xe1: {  	[tilespmem:s23], [sflag:$0x1] =	stream.indirect_vreg.gather [hbm4b:s3+s2], $0x80, v4, vm0, $0xb8;
	[tilespmem:$0x4400] =	vst v63  }
0xe2: {  	v3 =	vperm.xlane v3, v2  }
0xe3: {  	[tilespmem:s24], [sflag:$0x1] =	stream.indirect_vreg.gather [hbm4b:s5+s2], $0x80, v4, vm0, $0xb8;
	[tilespmem:$0x4400] =	vst v63  }
0xe4: {  	v3 =	vadd.s32 v1, v3  }
0xe5: {  	[tilespmem:s25], [sflag:$0x1] =	stream.indirect_vreg.gather [hbm4b:s6+s2], $0x80, v4, vm0, $0xb8;
	[tilespmem:$0x4400] =	vst v63  }
0xe6: {  	_ = 	snop  }
0xe7: {  	[tilespmem:s26], [sflag:$0x1] =	stream.indirect_vreg.gather [hbm4b:s7+s2], $0x80, v4, vm0, $0xb8;
	[tilespmem:$0x4400] =	vst v63  }
0xe8: {  	_ = 	snop  }
0xe9: {  	[tilespmem:s28], [sflag:$0x1] =	stream.indirect_vreg.gather [hbm4b:s3+s2], $0x80, v3, vm0, $0xb8;
	[tilespmem:$0x4400] =	vst v63  }
0xea: {  	_ = 	snop  }
0xeb: {  	[tilespmem:s29], [sflag:$0x1] =	stream.indirect_vreg.gather [hbm4b:s5+s2], $0x80, v3, vm0, $0xb8;
	[tilespmem:$0x4400] =	vst v63  }
0xec: {  	_ = 	snop  }
0xed: {  	[tilespmem:s30], [sflag:$0x1] =	stream.indirect_vreg.gather [hbm4b:s6+s2], $0x80, v3, vm0, $0xb8;
	[tilespmem:$0x4400] =	vst v63  }
0xee: {  	_ = 	snop  }
0xef: {  	[tilespmem:s31], [sflag:$0x1] =	stream.indirect_vreg.gather [hbm4b:s7+s2], $0x80, v3, vm0, $0xb8;
	[tilespmem:$0x4400] =	vst v63  }
0xf0: {  	_ =	swait.ge [sflag:s1], $0x4000  }
0xf1: {  	[sflag:s1] =	ssyncset.done $0x0  }
0xf2: {  	[sflag:s1] =	ssyncadd.s32 $0xFFFFC000  }
0xf3: {  	[hbm4b:s11+s2] =	stream.linear.scatter [tilespmem:s23], [sflag:$0x2], $0x4000, $0x38;
	[tilespmem:$0x4400] =	vst v63  }
0xf4: {  	_ =	swait.ge [sflag:s22], $0x4000  }
0xf5: {  	[sflag:s22] =	ssyncset.done $0x0  }
0xf6: {  	[sflag:s22] =	ssyncadd.s32 $0xFFFFC000  }
0xf7: {  	[tilespmem:s2], [sflag:$0x2] =	stream.linear.gather [hbm4b:s12+s2], $0x400, $0x38;
	[tilespmem:$0x4400] =	vst v63  }
0xf8: {  	_ =	swait.ge [sflag:s22], $0x400  }
0xf9: {  	[sflag:s22] =	ssyncset.done $0x0  }
0xfa: {  	[sflag:s22] =	ssyncadd.s32 $0xFFFFFC00  }
0xfb: {  	v3 =	vld [tilespmem:$0x0];
	_ =	sdelay $0x4  }
0xfc: {  	v56 =	vshll.u32 v3, $0x3  }
0xfd: {  	v3 =	vand.u32 $0x7, v3;
	v4 =	vand.u32 $0xFFFFFFC0, v56  }
0xfe: {  	v3 =	vor.u32 v3, v4  }
0xff: {  	v4 =	vperm.xlane v3, v0;
	_ =	sdelay $0x1  }
0x100: {  	v4 =	vadd.s32 v1, v4;
	_ =	sdelay $0x4  }
0x101: {  	[tilespmem:s23], [sflag:$0x1] =	stream.indirect_vreg.gather [hbm4b:s3+s2], $0x80, v4, vm0, $0xb8;
	[tilespmem:$0x4400] =	vst v63  }
0x102: {  	v3 =	vperm.xlane v3, v2  }
0x103: {  	[tilespmem:s24], [sflag:$0x1] =	stream.indirect_vreg.gather [hbm4b:s5+s2], $0x80, v4, vm0, $0xb8;
	[tilespmem:$0x4400] =	vst v63  }
0x104: {  	v3 =	vadd.s32 v1, v3  }
0x105: {  	[tilespmem:s25], [sflag:$0x1] =	stream.indirect_vreg.gather [hbm4b:s6+s2], $0x80, v4, vm0, $0xb8;
	[tilespmem:$0x4400] =	vst v63  }
0x106: {  	_ = 	snop  }
0x107: {  	[tilespmem:s26], [sflag:$0x1] =	stream.indirect_vreg.gather [hbm4b:s7+s2], $0x80, v4, vm0, $0xb8;
	[tilespmem:$0x4400] =	vst v63  }
0x108: {  	_ = 	snop  }
0x109: {  	[tilespmem:s28], [sflag:$0x1] =	stream.indirect_vreg.gather [hbm4b:s3+s2], $0x80, v3, vm0, $0xb8;
	[tilespmem:$0x4400] =	vst v63  }
0x10a: {  	_ = 	snop  }
0x10b: {  	[tilespmem:s29], [sflag:$0x1] =	stream.indirect_vreg.gather [hbm4b:s5+s2], $0x80, v3, vm0, $0xb8;
	[tilespmem:$0x4400] =	vst v63  }
0x10c: {  	_ = 	snop  }
0x10d: {  	[tilespmem:s30], [sflag:$0x1] =	stream.indirect_vreg.gather [hbm4b:s6+s2], $0x80, v3, vm0, $0xb8;
	[tilespmem:$0x4400] =	vst v63  }
0x10e: {  	_ = 	snop  }
0x10f: {  	[tilespmem:s31], [sflag:$0x1] =	stream.indirect_vreg.gather [hbm4b:s7+s2], $0x80, v3, vm0, $0xb8;
	[tilespmem:$0x4400] =	vst v63  }
0x110: {  	_ =	swait.ge [sflag:s1], $0x4000  }
0x111: {  	[sflag:s1] =	ssyncset.done $0x0  }
0x112: {  	[sflag:s1] =	ssyncadd.s32 $0xFFFFC000  }
0x113: {  	[hbm4b:s13+s2] =	stream.linear.scatter [tilespmem:s23], [sflag:$0x2], $0x4000, $0x38;
	[tilespmem:$0x4400] =	vst v63  }
0x114: {  	_ =	swait.ge [sflag:s22], $0x4000  }
0x115: {  	[sflag:s22] =	ssyncset.done $0x0  }
0x116: {  	[sflag:s22] =	ssyncadd.s32 $0xFFFFC000  }
0x117: {  	v3 =	vld [tilespmem:$0x80];
	_ =	sdelay $0x4  }
0x118: {  	v57 =	vshll.u32 v3, $0x3  }
0x119: {  	v3 =	vand.u32 $0x7, v3;
	v4 =	vand.u32 $0xFFFFFFC0, v57  }
0x11a: {  	v3 =	vor.u32 v3, v4  }
0x11b: {  	v4 =	vperm.xlane v3, v0;
	_ =	sdelay $0x1  }
0x11c: {  	v4 =	vadd.s32 v1, v4;
	_ =	sdelay $0x4  }
0x11d: {  	[tilespmem:s23], [sflag:$0x1] =	stream.indirect_vreg.gather [hbm4b:s3+s2], $0x80, v4, vm0, $0xb8;
	[tilespmem:$0x4400] =	vst v63  }
0x11e: {  	v3 =	vperm.xlane v3, v2  }
0x11f: {  	[tilespmem:s24], [sflag:$0x1] =	stream.indirect_vreg.gather [hbm4b:s5+s2], $0x80, v4, vm0, $0xb8;
	[tilespmem:$0x4400] =	vst v63  }
0x120: {  	v3 =	vadd.s32 v1, v3  }
0x121: {  	[tilespmem:s25], [sflag:$0x1] =	stream.indirect_vreg.gather [hbm4b:s6+s2], $0x80, v4, vm0, $0xb8;
	[tilespmem:$0x4400] =	vst v63  }
0x122: {  	_ = 	snop  }
0x123: {  	[tilespmem:s26], [sflag:$0x1] =	stream.indirect_vreg.gather [hbm4b:s7+s2], $0x80, v4, vm0, $0xb8;
	[tilespmem:$0x4400] =	vst v63  }
0x124: {  	_ = 	snop  }
0x125: {  	[tilespmem:s28], [sflag:$0x1] =	stream.indirect_vreg.gather [hbm4b:s3+s2], $0x80, v3, vm0, $0xb8;
	[tilespmem:$0x4400] =	vst v63  }
0x126: {  	_ = 	snop  }
0x127: {  	[tilespmem:s29], [sflag:$0x1] =	stream.indirect_vreg.gather [hbm4b:s5+s2], $0x80, v3, vm0, $0xb8;
	[tilespmem:$0x4400] =	vst v63  }
0x128: {  	_ = 	snop  }
0x129: {  	[tilespmem:s30], [sflag:$0x1] =	stream.indirect_vreg.gather [hbm4b:s6+s2], $0x80, v3, vm0, $0xb8;
	[tilespmem:$0x4400] =	vst v63  }
0x12a: {  	_ = 	snop  }
0x12b: {  	[tilespmem:s31], [sflag:$0x1] =	stream.indirect_vreg.gather [hbm4b:s7+s2], $0x80, v3, vm0, $0xb8;
	[tilespmem:$0x4400] =	vst v63  }
0x12c: {  	_ =	swait.ge [sflag:s1], $0x4000  }
0x12d: {  	[sflag:s1] =	ssyncset.done $0x0  }
0x12e: {  	[sflag:s1] =	ssyncadd.s32 $0xFFFFC000  }
0x12f: {  	[hbm4b:s14+s2] =	stream.linear.scatter [tilespmem:s23], [sflag:$0x2], $0x4000, $0x38;
	[tilespmem:$0x4400] =	vst v63  }
0x130: {  	_ =	swait.ge [sflag:s22], $0x4000  }
0x131: {  	[sflag:s22] =	ssyncset.done $0x0  }
0x132: {  	[sflag:s22] =	ssyncadd.s32 $0xFFFFC000  }
0x133: {  	v3 =	vld [tilespmem:$0x100];
	_ =	sdelay $0x4  }
0x134: {  	v58 =	vshll.u32 v3, $0x3  }
0x135: {  	v3 =	vand.u32 $0x7, v3;
	v4 =	vand.u32 $0xFFFFFFC0, v58  }
0x136: {  	v3 =	vor.u32 v3, v4  }
0x137: {  	v4 =	vperm.xlane v3, v0;
	_ =	sdelay $0x1  }
0x138: {  	v4 =	vadd.s32 v1, v4;
	_ =	sdelay $0x4  }
0x139: {  	[tilespmem:s23], [sflag:$0x1] =	stream.indirect_vreg.gather [hbm4b:s3+s2], $0x80, v4, vm0, $0xb8;
	[tilespmem:$0x4400] =	vst v63  }
0x13a: {  	v3 =	vperm.xlane v3, v2  }
0x13b: {  	[tilespmem:s24], [sflag:$0x1] =	stream.indirect_vreg.gather [hbm4b:s5+s2], $0x80, v4, vm0, $0xb8;
	[tilespmem:$0x4400] =	vst v63  }
0x13c: {  	v3 =	vadd.s32 v1, v3  }
0x13d: {  	[tilespmem:s25], [sflag:$0x1] =	stream.indirect_vreg.gather [hbm4b:s6+s2], $0x80, v4, vm0, $0xb8;
	[tilespmem:$0x4400] =	vst v63  }
0x13e: {  	_ = 	snop  }
0x13f: {  	[tilespmem:s26], [sflag:$0x1] =	stream.indirect_vreg.gather [hbm4b:s7+s2], $0x80, v4, vm0, $0xb8;
	[tilespmem:$0x4400] =	vst v63  }
0x140: {  	_ = 	snop  }
0x141: {  	[tilespmem:s28], [sflag:$0x1] =	stream.indirect_vreg.gather [hbm4b:s3+s2], $0x80, v3, vm0, $0xb8;
	[tilespmem:$0x4400] =	vst v63  }
0x142: {  	_ = 	snop  }
0x143: {  	[tilespmem:s29], [sflag:$0x1] =	stream.indirect_vreg.gather [hbm4b:s5+s2], $0x80, v3, vm0, $0xb8;
	[tilespmem:$0x4400] =	vst v63  }
0x144: {  	_ = 	snop  }
0x145: {  	[tilespmem:s30], [sflag:$0x1] =	stream.indirect_vreg.gather [hbm4b:s6+s2], $0x80, v3, vm0, $0xb8;
	[tilespmem:$0x4400] =	vst v63  }
0x146: {  	_ = 	snop  }
0x147: {  	[tilespmem:s31], [sflag:$0x1] =	stream.indirect_vreg.gather [hbm4b:s7+s2], $0x80, v3, vm0, $0xb8;
	[tilespmem:$0x4400] =	vst v63  }
0x148: {  	_ =	swait.ge [sflag:s1], $0x4000  }
0x149: {  	[sflag:s1] =	ssyncset.done $0x0  }
0x14a: {  	[sflag:s1] =	ssyncadd.s32 $0xFFFFC000  }
0x14b: {  	[hbm4b:s15+s2] =	stream.linear.scatter [tilespmem:s23], [sflag:$0x2], $0x4000, $0x38;
	[tilespmem:$0x4400] =	vst v63  }
0x14c: {  	_ =	swait.ge [sflag:s22], $0x4000  }
0x14d: {  	[sflag:s22] =	ssyncset.done $0x0  }
0x14e: {  	[sflag:s22] =	ssyncadd.s32 $0xFFFFC000  }
0x14f: {  	v3 =	vld [tilespmem:$0x180];
	_ =	sdelay $0x4  }
0x150: {  	v59 =	vshll.u32 v3, $0x3  }
0x151: {  	v3 =	vand.u32 $0x7, v3;
	v4 =	vand.u32 $0xFFFFFFC0, v59  }
0x152: {  	v3 =	vor.u32 v3, v4  }
0x153: {  	v4 =	vperm.xlane v3, v0;
	_ =	sdelay $0x1  }
0x154: {  	v4 =	vadd.s32 v1, v4;
	_ =	sdelay $0x4  }
0x155: {  	[tilespmem:s23], [sflag:$0x1] =	stream.indirect_vreg.gather [hbm4b:s3+s2], $0x80, v4, vm0, $0xb8;
	[tilespmem:$0x4400] =	vst v63  }
0x156: {  	v3 =	vperm.xlane v3, v2  }
0x157: {  	[tilespmem:s24], [sflag:$0x1] =	stream.indirect_vreg.gather [hbm4b:s5+s2], $0x80, v4, vm0, $0xb8;
	[tilespmem:$0x4400] =	vst v63  }
0x158: {  	v3 =	vadd.s32 v1, v3  }
0x159: {  	[tilespmem:s25], [sflag:$0x1] =	stream.indirect_vreg.gather [hbm4b:s6+s2], $0x80, v4, vm0, $0xb8;
	[tilespmem:$0x4400] =	vst v63  }
0x15a: {  	_ = 	snop  }
0x15b: {  	[tilespmem:s26], [sflag:$0x1] =	stream.indirect_vreg.gather [hbm4b:s7+s2], $0x80, v4, vm0, $0xb8;
	[tilespmem:$0x4400] =	vst v63  }
0x15c: {  	_ = 	snop  }
0x15d: {  	[tilespmem:s28], [sflag:$0x1] =	stream.indirect_vreg.gather [hbm4b:s3+s2], $0x80, v3, vm0, $0xb8;
	[tilespmem:$0x4400] =	vst v63  }
0x15e: {  	_ = 	snop  }
0x15f: {  	[tilespmem:s29], [sflag:$0x1] =	stream.indirect_vreg.gather [hbm4b:s5+s2], $0x80, v3, vm0, $0xb8;
	[tilespmem:$0x4400] =	vst v63  }
0x160: {  	_ = 	snop  }
0x161: {  	[tilespmem:s30], [sflag:$0x1] =	stream.indirect_vreg.gather [hbm4b:s6+s2], $0x80, v3, vm0, $0xb8;
	[tilespmem:$0x4400] =	vst v63  }
0x162: {  	_ = 	snop  }
0x163: {  	[tilespmem:s31], [sflag:$0x1] =	stream.indirect_vreg.gather [hbm4b:s7+s2], $0x80, v3, vm0, $0xb8;
	[tilespmem:$0x4400] =	vst v63  }
0x164: {  	_ =	swait.ge [sflag:s1], $0x4000  }
0x165: {  	[sflag:s1] =	ssyncset.done $0x0  }
0x166: {  	[sflag:s1] =	ssyncadd.s32 $0xFFFFC000  }
0x167: {  	[hbm4b:s16+s2] =	stream.linear.scatter [tilespmem:s23], [sflag:$0x2], $0x4000, $0x38;
	[tilespmem:$0x4400] =	vst v63  }
0x168: {  	_ =	swait.ge [sflag:s22], $0x4000  }
0x169: {  	[sflag:s22] =	ssyncset.done $0x0  }
0x16a: {  	[sflag:s22] =	ssyncadd.s32 $0xFFFFC000  }
0x16b: {  	v3 =	vld [tilespmem:$0x200];
	_ =	sdelay $0x4  }
0x16c: {  	v60 =	vshll.u32 v3, $0x3  }
0x16d: {  	v3 =	vand.u32 $0x7, v3;
	v4 =	vand.u32 $0xFFFFFFC0, v60  }
0x16e: {  	v3 =	vor.u32 v3, v4  }
0x16f: {  	v4 =	vperm.xlane v3, v0;
	_ =	sdelay $0x1  }
0x170: {  	v4 =	vadd.s32 v1, v4;
	_ =	sdelay $0x4  }
0x171: {  	[tilespmem:s23], [sflag:$0x1] =	stream.indirect_vreg.gather [hbm4b:s3+s2], $0x80, v4, vm0, $0xb8;
	[tilespmem:$0x4400] =	vst v63  }
0x172: {  	v3 =	vperm.xlane v3, v2  }
0x173: {  	[tilespmem:s24], [sflag:$0x1] =	stream.indirect_vreg.gather [hbm4b:s5+s2], $0x80, v4, vm0, $0xb8;
	[tilespmem:$0x4400] =	vst v63  }
0x174: {  	v3 =	vadd.s32 v1, v3  }
0x175: {  	[tilespmem:s25], [sflag:$0x1] =	stream.indirect_vreg.gather [hbm4b:s6+s2], $0x80, v4, vm0, $0xb8;
	[tilespmem:$0x4400] =	vst v63  }
0x176: {  	_ = 	snop  }
0x177: {  	[tilespmem:s26], [sflag:$0x1] =	stream.indirect_vreg.gather [hbm4b:s7+s2], $0x80, v4, vm0, $0xb8;
	[tilespmem:$0x4400] =	vst v63  }
0x178: {  	_ = 	snop  }
0x179: {  	[tilespmem:s28], [sflag:$0x1] =	stream.indirect_vreg.gather [hbm4b:s3+s2], $0x80, v3, vm0, $0xb8;
	[tilespmem:$0x4400] =	vst v63  }
0x17a: {  	_ = 	snop  }
0x17b: {  	[tilespmem:s29], [sflag:$0x1] =	stream.indirect_vreg.gather [hbm4b:s5+s2], $0x80, v3, vm0, $0xb8;
	[tilespmem:$0x4400] =	vst v63  }
0x17c: {  	_ = 	snop  }
0x17d: {  	[tilespmem:s30], [sflag:$0x1] =	stream.indirect_vreg.gather [hbm4b:s6+s2], $0x80, v3, vm0, $0xb8;
	[tilespmem:$0x4400] =	vst v63  }
0x17e: {  	_ = 	snop  }
0x17f: {  	[tilespmem:s31], [sflag:$0x1] =	stream.indirect_vreg.gather [hbm4b:s7+s2], $0x80, v3, vm0, $0xb8;
	[tilespmem:$0x4400] =	vst v63  }
0x180: {  	_ =	swait.ge [sflag:s1], $0x4000  }
0x181: {  	[sflag:s1] =	ssyncset.done $0x0  }
0x182: {  	[sflag:s1] =	ssyncadd.s32 $0xFFFFC000  }
0x183: {  	[hbm4b:s17+s2] =	stream.linear.scatter [tilespmem:s23], [sflag:$0x2], $0x4000, $0x38;
	[tilespmem:$0x4400] =	vst v63  }
0x184: {  	_ =	swait.ge [sflag:s22], $0x4000  }
0x185: {  	[sflag:s22] =	ssyncset.done $0x0  }
0x186: {  	[sflag:s22] =	ssyncadd.s32 $0xFFFFC000  }
0x187: {  	v3 =	vld [tilespmem:$0x280];
	_ =	sdelay $0x4  }
0x188: {  	v61 =	vshll.u32 v3, $0x3  }
0x189: {  	v3 =	vand.u32 $0x7, v3;
	v4 =	vand.u32 $0xFFFFFFC0, v61  }
0x18a: {  	v3 =	vor.u32 v3, v4  }
0x18b: {  	v4 =	vperm.xlane v3, v0;
	_ =	sdelay $0x1  }
0x18c: {  	v4 =	vadd.s32 v1, v4;
	_ =	sdelay $0x4  }
0x18d: {  	[tilespmem:s23], [sflag:$0x1] =	stream.indirect_vreg.gather [hbm4b:s3+s2], $0x80, v4, vm0, $0xb8;
	[tilespmem:$0x4400] =	vst v63  }
0x18e: {  	v3 =	vperm.xlane v3, v2  }
0x18f: {  	[tilespmem:s24], [sflag:$0x1] =	stream.indirect_vreg.gather [hbm4b:s5+s2], $0x80, v4, vm0, $0xb8;
	[tilespmem:$0x4400] =	vst v63  }
0x190: {  	v3 =	vadd.s32 v1, v3  }
0x191: {  	[tilespmem:s25], [sflag:$0x1] =	stream.indirect_vreg.gather [hbm4b:s6+s2], $0x80, v4, vm0, $0xb8;
	[tilespmem:$0x4400] =	vst v63  }
0x192: {  	_ = 	snop  }
0x193: {  	[tilespmem:s26], [sflag:$0x1] =	stream.indirect_vreg.gather [hbm4b:s7+s2], $0x80, v4, vm0, $0xb8;
	[tilespmem:$0x4400] =	vst v63  }
0x194: {  	_ = 	snop  }
0x195: {  	[tilespmem:s28], [sflag:$0x1] =	stream.indirect_vreg.gather [hbm4b:s3+s2], $0x80, v3, vm0, $0xb8;
	[tilespmem:$0x4400] =	vst v63  }
0x196: {  	_ = 	snop  }
0x197: {  	[tilespmem:s29], [sflag:$0x1] =	stream.indirect_vreg.gather [hbm4b:s5+s2], $0x80, v3, vm0, $0xb8;
	[tilespmem:$0x4400] =	vst v63  }
0x198: {  	_ = 	snop  }
0x199: {  	[tilespmem:s30], [sflag:$0x1] =	stream.indirect_vreg.gather [hbm4b:s6+s2], $0x80, v3, vm0, $0xb8;
	[tilespmem:$0x4400] =	vst v63  }
0x19a: {  	_ = 	snop  }
0x19b: {  	[tilespmem:s31], [sflag:$0x1] =	stream.indirect_vreg.gather [hbm4b:s7+s2], $0x80, v3, vm0, $0xb8;
	[tilespmem:$0x4400] =	vst v63  }
0x19c: {  	_ =	swait.ge [sflag:s1], $0x4000  }
0x19d: {  	[sflag:s1] =	ssyncset.done $0x0  }
0x19e: {  	[sflag:s1] =	ssyncadd.s32 $0xFFFFC000  }
0x19f: {  	[hbm4b:s18+s2] =	stream.linear.scatter [tilespmem:s23], [sflag:$0x2], $0x4000, $0x38;
	[tilespmem:$0x4400] =	vst v63  }
0x1a0: {  	_ =	swait.ge [sflag:s22], $0x4000  }
0x1a1: {  	[sflag:s22] =	ssyncset.done $0x0  }
0x1a2: {  	[sflag:s22] =	ssyncadd.s32 $0xFFFFC000  }
0x1a3: {  	v3 =	vld [tilespmem:$0x300];
	_ =	sdelay $0x4  }
0x1a4: {  	v62 =	vshll.u32 v3, $0x3  }
0x1a5: {  	v3 =	vand.u32 $0x7, v3;
	v4 =	vand.u32 $0xFFFFFFC0, v62  }
0x1a6: {  	v3 =	vor.u32 v3, v4  }
0x1a7: {  	v4 =	vperm.xlane v3, v0;
	_ =	sdelay $0x1  }
0x1a8: {  	v4 =	vadd.s32 v1, v4;
	_ =	sdelay $0x4  }
0x1a9: {  	[tilespmem:s23], [sflag:$0x1] =	stream.indirect_vreg.gather [hbm4b:s3+s2], $0x80, v4, vm0, $0xb8;
	[tilespmem:$0x4400] =	vst v63  }
0x1aa: {  	v3 =	vperm.xlane v3, v2  }
0x1ab: {  	[tilespmem:s24], [sflag:$0x1] =	stream.indirect_vreg.gather [hbm4b:s5+s2], $0x80, v4, vm0, $0xb8;
	[tilespmem:$0x4400] =	vst v63  }
0x1ac: {  	v3 =	vadd.s32 v1, v3  }
0x1ad: {  	[tilespmem:s25], [sflag:$0x1] =	stream.indirect_vreg.gather [hbm4b:s6+s2], $0x80, v4, vm0, $0xb8;
	[tilespmem:$0x4400] =	vst v63  }
0x1ae: {  	_ = 	snop  }
0x1af: {  	[tilespmem:s26], [sflag:$0x1] =	stream.indirect_vreg.gather [hbm4b:s7+s2], $0x80, v4, vm0, $0xb8;
	[tilespmem:$0x4400] =	vst v63  }
0x1b0: {  	_ = 	snop  }
0x1b1: {  	[tilespmem:s28], [sflag:$0x1] =	stream.indirect_vreg.gather [hbm4b:s3+s2], $0x80, v3, vm0, $0xb8;
	[tilespmem:$0x4400] =	vst v63  }
0x1b2: {  	_ = 	snop  }
0x1b3: {  	[tilespmem:s29], [sflag:$0x1] =	stream.indirect_vreg.gather [hbm4b:s5+s2], $0x80, v3, vm0, $0xb8;
	[tilespmem:$0x4400] =	vst v63  }
0x1b4: {  	_ = 	snop  }
0x1b5: {  	[tilespmem:s30], [sflag:$0x1] =	stream.indirect_vreg.gather [hbm4b:s6+s2], $0x80, v3, vm0, $0xb8;
	[tilespmem:$0x4400] =	vst v63  }
0x1b6: {  	_ = 	snop  }
0x1b7: {  	[tilespmem:s31], [sflag:$0x1] =	stream.indirect_vreg.gather [hbm4b:s7+s2], $0x80, v3, vm0, $0xb8;
	[tilespmem:$0x4400] =	vst v63  }
0x1b8: {  	_ =	swait.ge [sflag:s1], $0x4000  }
0x1b9: {  	[sflag:s1] =	ssyncset.done $0x0  }
0x1ba: {  	[sflag:s1] =	ssyncadd.s32 $0xFFFFC000  }
0x1bb: {  	[hbm4b:s19+s2] =	stream.linear.scatter [tilespmem:s23], [sflag:$0x2], $0x4000, $0x38;
	[tilespmem:$0x4400] =	vst v63  }
0x1bc: {  	_ =	swait.ge [sflag:s22], $0x4000  }
0x1bd: {  	[sflag:s22] =	ssyncset.done $0x0  }
0x1be: {  	[sflag:s22] =	ssyncadd.s32 $0xFFFFC000  }
0x1bf: {  	v3 =	vld [tilespmem:$0x380];
	_ =	sdelay $0x4  }
0x1c0: {  	v63 =	vshll.u32 v3, $0x3  }
0x1c1: {  	v3 =	vand.u32 $0x7, v3;
	v4 =	vand.u32 $0xFFFFFFC0, v63  }
0x1c2: {  	v3 =	vor.u32 v3, v4  }
0x1c3: {  	v4 =	vperm.xlane v3, v0;
	_ =	sdelay $0x1  }
0x1c4: {  	v4 =	vadd.s32 v1, v4;
	_ =	sdelay $0x4  }
0x1c5: {  	[tilespmem:s23], [sflag:$0x1] =	stream.indirect_vreg.gather [hbm4b:s3+s2], $0x80, v4, vm0, $0xb8;
	[tilespmem:$0x4400] =	vst v63  }
0x1c6: {  	v3 =	vperm.xlane v3, v2  }
0x1c7: {  	[tilespmem:s24], [sflag:$0x1] =	stream.indirect_vreg.gather [hbm4b:s5+s2], $0x80, v4, vm0, $0xb8;
	[tilespmem:$0x4400] =	vst v63  }
0x1c8: {  	v3 =	vadd.s32 v1, v3  }
0x1c9: {  	[tilespmem:s25], [sflag:$0x1] =	stream.indirect_vreg.gather [hbm4b:s6+s2], $0x80, v4, vm0, $0xb8;
	[tilespmem:$0x4400] =	vst v63  }
0x1ca: {  	_ = 	snop  }
0x1cb: {  	[tilespmem:s26], [sflag:$0x1] =	stream.indirect_vreg.gather [hbm4b:s7+s2], $0x80, v4, vm0, $0xb8;
	[tilespmem:$0x4400] =	vst v63  }
0x1cc: {  	_ = 	snop  }
0x1cd: {  	[tilespmem:s28], [sflag:$0x1] =	stream.indirect_vreg.gather [hbm4b:s3+s2], $0x80, v3, vm0, $0xb8;
	[tilespmem:$0x4400] =	vst v63  }
0x1ce: {  	_ = 	snop  }
0x1cf: {  	[tilespmem:s29], [sflag:$0x1] =	stream.indirect_vreg.gather [hbm4b:s5+s2], $0x80, v3, vm0, $0xb8;
	[tilespmem:$0x4400] =	vst v63  }
0x1d0: {  	_ = 	snop  }
0x1d1: {  	[tilespmem:s30], [sflag:$0x1] =	stream.indirect_vreg.gather [hbm4b:s6+s2], $0x80, v3, vm0, $0xb8;
	[tilespmem:$0x4400] =	vst v63  }
0x1d2: {  	_ = 	snop  }
0x1d3: {  	[tilespmem:s31], [sflag:$0x1] =	stream.indirect_vreg.gather [hbm4b:s7+s2], $0x80, v3, vm0, $0xb8;
	[tilespmem:$0x4400] =	vst v63  }
0x1d4: {  	_ =	swait.ge [sflag:s1], $0x4000  }
0x1d5: {  	p0 =	sne.s32 s21, $0x1;
	[sflag:s1] =	ssyncset.done $0x0  }
.Ltmp0:
0x1d6: {  	[sflag:s1] =	ssyncadd.s32 $0xFFFFC000;
	(pc) =	sbr.rel @p0 .LBB2_1-.Ltmp0, $4  }
0x1d7: {  	[hbm4b:s20+s2] =	stream.linear.scatter [tilespmem:s23], [sflag:$0x2], $0x4000, $0x38;
	[tilespmem:$0x4400] =	vst v63  }
0x1d8: {  	_ =	swait.ge [sflag:s22], $0x4000  }
0x1d9: {  	[sflag:s22] =	ssyncset.done $0x0  }
0x1da: {  	s21 =	sadd.s32 $0xFFFFFFFF, s21;
	[sflag:s22] =	ssyncadd.s32 $0xFFFFC000  }
0x1db: {  	_ =	sfence.sel $0x180000  }
0x1dc: {  	[bflag:$0x0] =	sbarrier.arrive $0xFFFF  }
0x1dd: {  	_ =	strace $0x9000004A  }
0x1de: {  	s0 =	stileid.u32;
	[bflag:$0x2] =	sbarrier.arrive $0xFFFF  }
0x1df: {  	p0 =	sne.s32 s0, $0x0;
	s0 =	rddreg [dreg:$0x2]  }
0x1e0: {  	s0 =	sadd.s32 @!p0 $0x100000, s0  }
0x1e1: {  	[sflag:s0] =	ssyncadd.tile.s32 @!p0 $0x1;
	_ =	shalt  }
.Lfunc_end2:
_tile_overlayer_lowered:
.L_overlay_start_2:
0x1e2: {  	(tag) =	ssettag $0x2  }
0x1e3: {  	s0 =	rddreg [dreg:$0x0];
	s2 =	stileid.u32  }
0x1e4: {  	s1 =	rddreg [dreg:$0x1];
	p0 =	sne.s32 s2, $0x0  }
0x1e5: {  	s3 =	rddreg [dreg:$0x2];
	[bflag:$0x3] =	sbarrier.arrive $0xFFFF;
	s2 =	simm.s32 @!p0 $0x1C02  }
0x1e6: {  	[timem:s3], [sflag:s2] =	dma.local @!p0 [hbm:s0], s1  }
0x1e7: {  	s0 =	simm.s32 @!p0 $0x2  }
0x1e8: {  	_ =	swait.ge @!p0 [sflag:s0], s1  }
0x1e9: {  	s1 =	ssub.s32 @!p0 $0x0, s1;
	[sflag:s0] =	ssyncset.done @!p0 $0x0  }
0x1ea: {  	[sflag:s0] =	ssyncadd.s32 @!p0 s1  }
0x1eb: {  	[bflag:$0x3] =	sbarrier.arrive $0xFFFF  }
0x1ec: {  	_ =	shalt  }

// kernel: kernel.7.cloned.1.call-start
scs
__scs_entry_jumppad:
0x0: {  	(pc) =	sbr.rel $0x88, $3  }
0x1: {  	(tag) =	ssettag $0x0;
	lr =	simm.s32 $0x1  }
0x2: {  	[smem:$0x3F99] =	sst lr;
	_ =	strace $0xD0000000  }
0x3: {  	_ = 	snop  }
0x4: {  	_ = 	snop  }
0x5: {  	_ = 	snop  }
0x6: {  	_ = 	snop  }
0x7: {  	_ = 	snop  }
__scs_overlays_trampoline_lowered:
0x8: {  	[smem:$0x3FA8] =	sst s0  }
0x9: {  	[smem:$0x3FA9] =	sst s1  }
0xa: {  	[smem:$0x3FAA] =	sst s2  }
0xb: {  	[smem:$0x3FAB] =	sst s3  }
0xc: {  	[smem:$0x3FAC] =	sst s4  }
0xd: {  	[smem:$0x3FAD] =	sst s5  }
0xe: {  	[smem:$0x3FAE] =	sst s6  }
0xf: {  	[smem:$0x3FAF] =	sst s7  }
0x10: {  	[smem:$0x3FB0] =	sst s8  }
0x11: {  	[smem:$0x3FB1] =	sst s9;
	s0 =	simm.s32 @!p0 $0x0  }
0x12: {  	s1 =	sld [smem:$0x3F97];
	s0 =	simm.s32 @p0 $0x1  }
0x13: {  	[smem:$0x3FB2] =	sst s0;
	s0 =	simm.s32 @!p1 $0x0  }
0x14: {  	s2 =	sld [smem:$0x3F96];
	s0 =	simm.s32 @p1 $0x1  }
0x15: {  	[smem:$0x3FB3] =	sst s0;
	s0 =	simm.s32 @!p2 $0x0  }
0x16: {  	s3 =	sld [smem:$0x3FDB];
	s0 =	simm.s32 @p2 $0x1  }
0x17: {  	s4 =	simm.s32 $0x1BF5;
	[smem:$0x3FB5] =	sst s0  }
0x18: {  	s0 =	sld [smem:$0x3F98];
	_ =	swait.ge [sflag:s4], $0x0  }
0x19: {  	s7 =	sld [smem:$0x3F99]  }
0x1a: {  	s8 =	sadd.s32 $0xFFFFE003, lr  }
0x1b: {  	s9 =	sadd.s32 $0xFFFFFEF7, lr;
	s5 =	simm.s32 $0xFFFFFFFF;
	p2 =	slt.u32 s8, $0xFFFFF086  }
0x1c: {  	p1 =	slt.u32 s9, $0xF7A;
	s5 =	simm.s32 @!p2 $0x0  }
0x1d: {  	s5 =	simm.s32 @p1 $0x1;
	p0 =	seq.s32 s7, s2  }
0x1e: {  	s7 =	smul.u32 @!p0 $0xF7A, s2;
	p2 =	seq.s32 @!p0 s5, $0x0  }
0x1f: {  	s9 =	smul.u32 $0xF7A, s1;
	s8 =	simm.s32 @!p0 $0x1BF5;
	p2 =	por !p2, p0  }
0x20: {  	[sflag:s8] =	ssyncset.s32 @!p0 $0xFFFFF086;
	s6 =	sadd.s32 @!p0 s3, s7;
	s7 =	simm.s32 @!p0 $0x108  }
0x21: {  	s3 =	sadd.s32 s3, s9;
	s6 =	sadd.s32 @!p0 $0x88, s6;
	s7 =	simm.s32 @p2 $0x1082  }
0x22: {  	[simem:s7], [sflag:s8] =	dma.local @!p0 [hbm:s6], $0xF7A  }
0x23: {  	s9 =	sor.u32 $0xD0000000, s2;
	s6 =	simm.s32 $0x108;
	_ =	swait.ge @!p0 [sflag:s8], $0x0  }
0x24: {  	s3 =	sadd.s32 $0x88, s3;
	s6 =	simm.s32 @!p1 $0x1082;
	[sflag:s4] =	ssyncset.s32 $0xFFFFF086  }
0x25: {  	[simem:s6], [sflag:s4] =	dma.local [hbm:s3], $0xF7A  }
0x26: {  	[smem:$0x3F99] =	sst s1;
	(tag) =	ssettag s2;
	_ =	strace s9  }
0x27: {  	s1 =	sld [smem:$0x3FA9]  }
0x28: {  	s2 =	sld [smem:$0x3FAA]  }
0x29: {  	s4 =	sld [smem:$0x3FAC]  }
0x2a: {  	p0 =	seq.s32 s5, $0x0;
	s5 =	sld [smem:$0x3FAD]  }
0x2b: {  	s6 =	sld [smem:$0x3FAE]  }
0x2c: {  	s7 =	sld [smem:$0x3FAF]  }
0x2d: {  	s3 =	simm.s32 $0x108;
	s8 =	sld [smem:$0x3FB0]  }
0x2e: {  	s3 =	simm.s32 @!p0 $0x1082;
	s9 =	sld [smem:$0x3FB1]  }
0x2f: {  	lr =	sadd.s32 s0, s3;
	s0 =	sld [smem:$0x3FA8]  }
0x30: {  	s3 =	sld [smem:$0x3FAB]  }
0x31: {  	[smem:$0x3FB4] =	sst s10  }
0x32: {  	s10 =	sld [smem:$0x3FB2];
	_ =	sdelay $0x3  }
0x33: {  	p0 =	seq.s32 s10, $0x1;
	s10 =	sld [smem:$0x3FB4];
	_ =	sdelay $0x3  }
0x34: {  	[smem:$0x3FB4] =	sst s10  }
0x35: {  	s10 =	sld [smem:$0x3FB3];
	_ =	sdelay $0x3  }
0x36: {  	p1 =	seq.s32 s10, $0x1;
	s10 =	sld [smem:$0x3FB4];
	_ =	sdelay $0x3  }
0x37: {  	[smem:$0x3FB4] =	sst s10  }
0x38: {  	s10 =	sld [smem:$0x3FB5]  }
0x39: {  	_ = 	snop;
	(pc) =	sbr.ind lr, $3  }
0x3a: {  	_ = 	snop  }
0x3b: {  	_ = 	snop  }
0x3c: {  	p2 =	seq.s32 s10, $0x1;
	s10 =	sld [smem:$0x3FB4]  }
0x3d: {  	_ =	shalt  }
0x3e: {  	_ =	shalt  }
0x3f: {  	_ =	shalt  }
0x40: {  	_ =	shalt  }
0x41: {  	_ =	shalt  }
0x42: {  	_ =	shalt  }
0x43: {  	_ =	shalt  }
0x44: {  	_ =	shalt  }
0x45: {  	_ =	shalt  }
0x46: {  	_ =	shalt  }
0x47: {  	_ =	shalt  }
0x48: {  	_ =	shalt  }
0x49: {  	_ =	shalt  }
0x4a: {  	_ =	shalt  }
0x4b: {  	_ =	shalt  }
0x4c: {  	_ =	shalt  }
0x4d: {  	_ =	shalt  }
0x4e: {  	_ =	shalt  }
0x4f: {  	_ =	shalt  }
0x50: {  	_ =	shalt  }
0x51: {  	_ =	shalt  }
0x52: {  	_ =	shalt  }
0x53: {  	_ =	shalt  }
0x54: {  	_ =	shalt  }
0x55: {  	_ =	shalt  }
0x56: {  	_ =	shalt  }
0x57: {  	_ =	shalt  }
0x58: {  	_ =	shalt  }
0x59: {  	_ =	shalt  }
0x5a: {  	_ =	shalt  }
0x5b: {  	_ =	shalt  }
0x5c: {  	_ =	shalt  }
0x5d: {  	_ =	shalt  }
0x5e: {  	_ =	shalt  }
0x5f: {  	_ =	shalt  }
0x60: {  	_ =	shalt  }
0x61: {  	_ =	shalt  }
0x62: {  	_ =	shalt  }
0x63: {  	_ =	shalt  }
0x64: {  	_ =	shalt  }
0x65: {  	_ =	shalt  }
0x66: {  	_ =	shalt  }
0x67: {  	_ =	shalt  }
0x68: {  	_ =	shalt  }
0x69: {  	_ =	shalt  }
0x6a: {  	_ =	shalt  }
0x6b: {  	_ =	shalt  }
0x6c: {  	_ =	shalt  }
0x6d: {  	_ =	shalt  }
0x6e: {  	_ =	shalt  }
0x6f: {  	_ =	shalt  }
0x70: {  	_ =	shalt  }
0x71: {  	_ =	shalt  }
0x72: {  	_ =	shalt  }
0x73: {  	_ =	shalt  }
0x74: {  	_ =	shalt  }
0x75: {  	_ =	shalt  }
0x76: {  	_ =	shalt  }
0x77: {  	_ =	shalt  }
0x78: {  	_ =	shalt  }
0x79: {  	_ =	shalt  }
0x7a: {  	_ =	shalt  }
0x7b: {  	_ =	shalt  }
0x7c: {  	_ =	shalt  }
0x7d: {  	_ =	shalt  }
0x7e: {  	_ =	shalt  }
0x7f: {  	_ =	shalt  }
0x80: {  	_ =	shalt  }
0x81: {  	_ =	shalt  }
0x82: {  	_ =	shalt  }
0x83: {  	_ =	shalt  }
0x84: {  	_ =	shalt  }
0x85: {  	_ =	shalt  }
0x86: {  	_ =	shalt  }
0x87: {  	_ =	shalt  }
.Lfunc_end0:
.L_simem_size_0:
called_computation_lowered:
.L_overlay_start_0:
0x88: {  	s2 =	sld [smem:$0x3FD9]  }
0x89: {  	s3 =	sld [smem:$0x3FFE];
	_ =	sdelay $0x1  }
0x8a: {  	s1 =	srdreg.scid  }
0x8b: {  	s0 =	sand.u32 $0x1, s1  }
0x8c: {  	s17 =	sshll.u32 s0, $0xA;
	s2 =	sadd.s32 s3, s2  }
0x8d: {  	s2 =	sadd.s32 s2, s17  }
0x8e: {  	[smem:$0x3FC0] =	sst s2  }
0x8f: {  	_ = 	snop  }
0x90: {  	s2 =	sld [smem:$0x3FC9]  }
0x91: {  	s18 =	sld [smem:$0x3FD0];
	(tm) =	ssettm $0x1  }
0x92: {  	s4 =	sld [smem:$0x3FFB];
	_ =	sdelay $0x3  }
0x93: {  	_ =	strace s4  }
0x94: {  	s4 =	sld [smem:$0x3FFC];
	_ =	sdelay $0x3  }
0x95: {  	_ =	strace s4  }
0x96: {  	s4 =	sld [smem:$0x3FFD];
	_ =	sdelay $0x3  }
0x97: {  	_ =	strace s4  }
0x98: {  	_ =	strace $0x8FFFFFFF  }
0x99: {  	s19 =	sld [smem:$0x3FDB];
	_ =	sdelay $0x1  }
0x9a: {  	s5 =	simm.s32 $_scs_section_size  }
0x9b: {  	s6 =	simm.s32 $_size__tile_overlayer_lowered;
	s7 =	simm.s32 $_tile_overlayer_lowered  }
0x9c: {  	s22 =	simm.s32 $0x1BFF;
	s21 =	sshll.u32 s7, $0x1;
	s4 =	sadd.s32 s5, s19  }
0x9d: {  	s8 =	simm.s32 $0x0;
	s20 =	sshll.u32 s6, $0x1;
	s6 =	sadd.s32 s21, s4  }
0x9e: {  	[timem:s8], [sflag:s22] =	dma.local [hbm:s6], s20  }
0x9f: {  	_ =	swait.ge [sflag:s22], s20  }
0xa0: {  	s5 =	ssub.s32 $0x0, s20;
	[sflag:s22] =	ssyncset.done $0x0  }
0xa1: {  	[sflag:s22] =	ssyncadd.s32 s5;
	_ =	sdelay $0x1  }
0xa2: {  	s23 =	simm.s32 $0x1B8B  }
0xa3: {  	_ =	swait.ge [sflag:s23], $0x1  }
0xa4: {  	[sflag:s23] =	ssyncset.done $0x0  }
0xa5: {  	s25 =	simm.s32 $0x1B8E;
	s24 =	sld [smem:$0x3FFE];
	[sflag:s23] =	ssyncadd.s32 $0xFFFFFFFF  }
0xa6: {  	s26 =	simm.s32 $execute0_lowered;
	[smem:$0x3FD2] =	sst s25  }
0xa7: {  	s6 =	sshll.u32 s26, $0x1;
	_ =	strace $0x80000046;
	[dreg:$0x1] =	wrdreg $0xFFFFFFFF  }
0xa8: {  	s28 =	simm.s32 $_size_execute0_lowered;
	s4 =	sadd.s32 s4, s6;
	[dreg:$0x0] =	wrdreg $0x0  }
0xa9: {  	s6 =	sshll.u32 s28, $0x1;
	[dreg:$0x2] =	wrdreg s4  }
0xaa: {  	[dreg:$0x3] =	wrdreg s6  }
0xab: {  	[dreg:$0x4] =	wrdreg $0xC0  }
0xac: {  	_ =	task [dreg:s8], $0x5FFFF  }
0xad: {  	[dreg:$0x1] =	wrdreg $0xFFFFFFFF  }
0xae: {  	[dreg:$0x0] =	wrdreg $0x60  }
0xaf: {  	[dreg:$0x2] =	wrdreg s2  }
0xb0: {  	[dreg:$0x3] =	wrdreg s18  }
0xb1: {  	[dreg:$0x4] =	wrdreg s24  }
0xb2: {  	[dreg:$0x5] =	wrdreg $0x9  }
0xb3: {  	_ =	task.clear_ibuf [dreg:s8], $0x6FFFF;
	_ =	strace $0x90000046  }
0xb4: {  	s29 =	simm.s32 $0x9;
	_ =	strace $0x80000048  }
0xb5: {  	_ =	swait.ge [sflag:s29], $0x1  }
0xb6: {  	[sflag:s29] =	ssyncadd.s32 $0xFFFFFFFF  }
0xb7: {  	_ =	strace $0x90000048  }
0xb8: {  	_ =	sfence  }
0xb9: {  	s30 =	sld [smem:$0x0];
	_ =	sdelay $0x2  }
0xba: {  	s31 =	sshll.u32 s1, $0xD;
	s1 =	sshrl.u32 s1, $0x2  }
0xbb: {  	s3 =	sand.u32 $0x4000, s31;
	s1 =	sadd.s32 s1, s30  }
0xbc: {  	s0 =	sor.u32 s3, s0;
	s1 =	sshll.u32 s1, $0x11  }
0xbd: {  	s0 =	sor.u32 s1, s0  }
0xbe: {  	s0 =	sadd.s32 $0x8F2B, s0  }
0xbf: {  	[sflag:s0] =	ssyncadd.remote.s32 $0x1  }
0xc0: {  	_ =	sfence.sel $0xFFFF  }
0xc1: {  	[dreg:$0x0] =	wrdreg $0xFFFFFFFF;
	(pc) =	sbr.abs _section_cstart, $3  }
0xc2: {  	[dreg:$0x1] =	wrdreg $0xFFFFFFFF  }
0xc3: {  	_ =	task.clear_ibuf [dreg:s8], $0x2FFFF;
	_ =	strace $0x9FFFFFFF  }
0xc4: {  	(tm) =	ssettm $0x7FFFFFFF  }
0xc5: {  	_ =	shalt  }
tec
execute0_lowered:
.L_overlay_start_1:
0x0: {  	(tag) =	ssettag $0x1  }
0x1: {  	s6 =	rddreg [dreg:$0x0]  }
0x2: {  	s4 =	rddreg [dreg:$0x1]  }
0x3: {  	s9 =	rddreg [dreg:$0x2]  }
0x4: {  	s0 =	rddreg [dreg:$0x3]  }
0x5: {  	s2 =	simm.s32 $0x0;
	s3 =	srdreg.scid;
	s1 =	stileid.u32  }
0x6: {  	s18 =	simm.s32 $0x2;
	s19 =	simm.s32 $0x400;
	s20 =	simm.s32 $0x800  }
0x7: {  	s21 =	simm.s32 $0x1000;
	s22 =	simm.s32 $0x1800;
	s23 =	simm.s32 $0x2000  }
0x8: {  	s24 =	simm.s32 $0x2800;
	s25 =	simm.s32 $0x3000;
	s26 =	simm.s32 $0x3800  }
0x9: {  	s28 =	simm.s32 $0x4000;
	s29 =	simm.s32 $0x1;
	[smem:$0x7FF] =	sst s2  }
0xa: {  	s3 =	sand.u32 $0x1, s3;
	s5 =	sshll.u32 s1, $0x1;
	_ =	strace $0x80000047  }
0xb: {  	s7 =	ssub.s32 $0x2, s3;
	s5 =	sor.u32 s3, s5;
	s3 =	sadd.s32 $0x1800, s9  }
0xc: {  	s8 =	sshrl.u32 s7, $0x1;
	s10 =	sshll.u32 s5, $0x7;
	s31 =	sshll.u32 s5, $0xE  }
0xd: {  	s17 =	ssub.s32 s7, s8;
	s4 =	sadd.s32 s4, s10;
	s6 =	sadd.s32 s6, s31  }
0xe: {  	s7 =	sadd.s32 $0x1900, s9;
	s8 =	sadd.s32 $0x1A00, s9;
	s9 =	sadd.s32 $0x1B00, s9  }
0xf: {  	v2 =	vlaneseq.u32;
	s5 =	sadd.s32 $0x1000, s4;
	s10 =	sadd.s32 $0x800, s6;
	s11 =	sadd.s32 $0x1000, s6  }
0x10: {  	vm0 =	vmmov $0xffff;
	v1 =	vshrl.u32 v2, $0x3;
	s12 =	sadd.s32 $0x1800, s6;
	s13 =	sadd.s32 $0x2000, s6;
	s14 =	sadd.s32 $0x2800, s6  }
0x11: {  	v0 =	vand.u32 $0x7, v2;
	v2 =	vor.u32 $0x8, v2;
	v1 =	vmul.u32 $0x8, v1;
	s15 =	sadd.s32 $0x3000, s6;
	s16 =	sadd.s32 $0x3800, s6;
	s17 =	smax.u32 s17, $0x1  }
.LBB2_1:
0x12: {  	[tilespmem:s2], [sflag:$0x2] =	stream.linear.gather [hbm4b:s4+s2], $0x400, $0x38;
	[tilespmem:$0x4800] =	vst v63  }
0x13: {  	_ =	swait.ge [sflag:s18], $0x400  }
0x14: {  	[sflag:s18] =	ssyncset.done $0x0  }
0x15: {  	[sflag:s18] =	ssyncadd.s32 $0xFFFFFC00  }
0x16: {  	[tilespmem:s19], [sflag:$0x2] =	stream.linear.gather [hbm4b:s5+s2], $0x400, $0x38;
	[tilespmem:$0x4800] =	vst v63  }
0x17: {  	_ =	swait.ge [sflag:s18], $0x400  }
0x18: {  	[sflag:s18] =	ssyncset.done $0x0  }
0x19: {  	[sflag:s18] =	ssyncadd.s32 $0xFFFFFC00  }
0x1a: {  	[tilespmem:s20], [sflag:$0x2] =	stream.linear.gather [hbm4b:s6+s2], $0x4000, $0x38;
	[tilespmem:$0x4800] =	vst v63  }
0x1b: {  	_ =	swait.ge [sflag:s18], $0x4000  }
0x1c: {  	[sflag:s18] =	ssyncset.done $0x0  }
0x1d: {  	[sflag:s18] =	ssyncadd.s32 $0xFFFFC000  }
0x1e: {  	v3 =	vld [tilespmem:$0x0];
	_ =	sdelay $0x4  }
0x1f: {  	v4 =	vshll.u32 v3, $0x3  }
0x20: {  	v3 =	vand.u32 $0x7, v3;
	v4 =	vand.u32 $0xFFFFFFC0, v4  }
0x21: {  	v3 =	vor.u32 v3, v4  }
0x22: {  	v4 =	vperm.xlane v3, v0;
	_ =	sdelay $0x1  }
0x23: {  	v4 =	vadd.s32 v1, v4;
	_ =	sdelay $0x4  }
0x24: {  	[hbm4b:s3+s2] =	stream.indirect_vreg.scatter [tilespmem:s20], [sflag:$0x1], $0x80, v4, vm0, $0xb8;
	[tilespmem:$0x4800] =	vst v63  }
0x25: {  	v3 =	vperm.xlane v3, v2  }
0x26: {  	[hbm4b:s7+s2] =	stream.indirect_vreg.scatter [tilespmem:s21], [sflag:$0x1], $0x80, v4, vm0, $0xb8;
	[tilespmem:$0x4800] =	vst v63  }
0x27: {  	v3 =	vadd.s32 v1, v3  }
0x28: {  	[hbm4b:s8+s2] =	stream.indirect_vreg.scatter [tilespmem:s22], [sflag:$0x1], $0x80, v4, vm0, $0xb8;
	[tilespmem:$0x4800] =	vst v63  }
0x29: {  	_ = 	snop  }
0x2a: {  	[hbm4b:s9+s2] =	stream.indirect_vreg.scatter [tilespmem:s23], [sflag:$0x1], $0x80, v4, vm0, $0xb8;
	[tilespmem:$0x4800] =	vst v63  }
0x2b: {  	_ = 	snop  }
0x2c: {  	[hbm4b:s3+s2] =	stream.indirect_vreg.scatter [tilespmem:s24], [sflag:$0x1], $0x80, v3, vm0, $0xb8;
	[tilespmem:$0x4800] =	vst v63  }
0x2d: {  	_ = 	snop  }
0x2e: {  	[hbm4b:s7+s2] =	stream.indirect_vreg.scatter [tilespmem:s25], [sflag:$0x1], $0x80, v3, vm0, $0xb8;
	[tilespmem:$0x4800] =	vst v63  }
0x2f: {  	_ = 	snop  }
0x30: {  	[hbm4b:s8+s2] =	stream.indirect_vreg.scatter [tilespmem:s26], [sflag:$0x1], $0x80, v3, vm0, $0xb8;
	[tilespmem:$0x4800] =	vst v63  }
0x31: {  	_ = 	snop  }
0x32: {  	[hbm4b:s9+s2] =	stream.indirect_vreg.scatter [tilespmem:s28], [sflag:$0x1], $0x80, v3, vm0, $0xb8;
	[tilespmem:$0x4800] =	vst v63  }
0x33: {  	v3 =	vld [tilespmem:$0x400];
	_ =	sdelay $0x4  }
0x34: {  	v49 =	vshll.u32 v3, $0x3  }
0x35: {  	v3 =	vand.u32 $0x7, v3;
	v4 =	vand.u32 $0xFFFFFFC0, v49  }
0x36: {  	v3 =	vor.u32 v3, v4  }
0x37: {  	v4 =	vperm.xlane v3, v0;
	_ =	sdelay $0x1  }
0x38: {  	v4 =	vadd.s32 v1, v4;
	_ =	sdelay $0x4  }
0x39: {  	[hbm4b:s3+s2] =	stream.indirect_vreg.scatter [tilespmem:s20], [sflag:$0x1], $0x80, v4, vm0, $0xb8;
	[tilespmem:$0x4800] =	vst v63  }
0x3a: {  	v3 =	vperm.xlane v3, v2  }
0x3b: {  	[hbm4b:s7+s2] =	stream.indirect_vreg.scatter [tilespmem:s21], [sflag:$0x1], $0x80, v4, vm0, $0xb8;
	[tilespmem:$0x4800] =	vst v63  }
0x3c: {  	v3 =	vadd.s32 v1, v3  }
0x3d: {  	[hbm4b:s8+s2] =	stream.indirect_vreg.scatter [tilespmem:s22], [sflag:$0x1], $0x80, v4, vm0, $0xb8;
	[tilespmem:$0x4800] =	vst v63  }
0x3e: {  	_ = 	snop  }
0x3f: {  	[hbm4b:s9+s2] =	stream.indirect_vreg.scatter [tilespmem:s23], [sflag:$0x1], $0x80, v4, vm0, $0xb8;
	[tilespmem:$0x4800] =	vst v63  }
0x40: {  	_ = 	snop  }
0x41: {  	[hbm4b:s3+s2] =	stream.indirect_vreg.scatter [tilespmem:s24], [sflag:$0x1], $0x80, v3, vm0, $0xb8;
	[tilespmem:$0x4800] =	vst v63  }
0x42: {  	_ = 	snop  }
0x43: {  	[hbm4b:s7+s2] =	stream.indirect_vreg.scatter [tilespmem:s25], [sflag:$0x1], $0x80, v3, vm0, $0xb8;
	[tilespmem:$0x4800] =	vst v63  }
0x44: {  	_ = 	snop  }
0x45: {  	[hbm4b:s8+s2] =	stream.indirect_vreg.scatter [tilespmem:s26], [sflag:$0x1], $0x80, v3, vm0, $0xb8;
	[tilespmem:$0x4800] =	vst v63  }
0x46: {  	_ = 	snop  }
0x47: {  	[hbm4b:s9+s2] =	stream.indirect_vreg.scatter [tilespmem:s28], [sflag:$0x1], $0x80, v3, vm0, $0xb8;
	[tilespmem:$0x4800] =	vst v63  }
0x48: {  	_ =	swait.ge [sflag:s29], $0x4000  }
0x49: {  	[sflag:s29] =	ssyncset.done $0x0  }
0x4a: {  	[sflag:s29] =	ssyncadd.s32 $0xFFFFC000  }
0x4b: {  	_ =	swait.ge [sflag:s29], $0x4000  }
0x4c: {  	[sflag:s29] =	ssyncset.done $0x0  }
0x4d: {  	[sflag:s29] =	ssyncadd.s32 $0xFFFFC000  }
0x4e: {  	[tilespmem:s20], [sflag:$0x2] =	stream.linear.gather [hbm4b:s10+s2], $0x4000, $0x38;
	[tilespmem:$0x4800] =	vst v63  }
0x4f: {  	_ =	swait.ge [sflag:s18], $0x4000  }
0x50: {  	[sflag:s18] =	ssyncset.done $0x0  }
0x51: {  	[sflag:s18] =	ssyncadd.s32 $0xFFFFC000  }
0x52: {  	v3 =	vld [tilespmem:$0x80];
	_ =	sdelay $0x4  }
0x53: {  	v50 =	vshll.u32 v3, $0x3  }
0x54: {  	v3 =	vand.u32 $0x7, v3;
	v4 =	vand.u32 $0xFFFFFFC0, v50  }
0x55: {  	v3 =	vor.u32 v3, v4  }
0x56: {  	v4 =	vperm.xlane v3, v0;
	_ =	sdelay $0x1  }
0x57: {  	v4 =	vadd.s32 v1, v4;
	_ =	sdelay $0x4  }
0x58: {  	[hbm4b:s3+s2] =	stream.indirect_vreg.scatter [tilespmem:s20], [sflag:$0x1], $0x80, v4, vm0, $0xb8;
	[tilespmem:$0x4800] =	vst v63  }
0x59: {  	v3 =	vperm.xlane v3, v2  }
0x5a: {  	[hbm4b:s7+s2] =	stream.indirect_vreg.scatter [tilespmem:s21], [sflag:$0x1], $0x80, v4, vm0, $0xb8;
	[tilespmem:$0x4800] =	vst v63  }
0x5b: {  	v3 =	vadd.s32 v1, v3  }
0x5c: {  	[hbm4b:s8+s2] =	stream.indirect_vreg.scatter [tilespmem:s22], [sflag:$0x1], $0x80, v4, vm0, $0xb8;
	[tilespmem:$0x4800] =	vst v63  }
0x5d: {  	_ = 	snop  }
0x5e: {  	[hbm4b:s9+s2] =	stream.indirect_vreg.scatter [tilespmem:s23], [sflag:$0x1], $0x80, v4, vm0, $0xb8;
	[tilespmem:$0x4800] =	vst v63  }
0x5f: {  	_ = 	snop  }
0x60: {  	[hbm4b:s3+s2] =	stream.indirect_vreg.scatter [tilespmem:s24], [sflag:$0x1], $0x80, v3, vm0, $0xb8;
	[tilespmem:$0x4800] =	vst v63  }
0x61: {  	_ = 	snop  }
0x62: {  	[hbm4b:s7+s2] =	stream.indirect_vreg.scatter [tilespmem:s25], [sflag:$0x1], $0x80, v3, vm0, $0xb8;
	[tilespmem:$0x4800] =	vst v63  }
0x63: {  	_ = 	snop  }
0x64: {  	[hbm4b:s8+s2] =	stream.indirect_vreg.scatter [tilespmem:s26], [sflag:$0x1], $0x80, v3, vm0, $0xb8;
	[tilespmem:$0x4800] =	vst v63  }
0x65: {  	_ = 	snop  }
0x66: {  	[hbm4b:s9+s2] =	stream.indirect_vreg.scatter [tilespmem:s28], [sflag:$0x1], $0x80, v3, vm0, $0xb8;
	[tilespmem:$0x4800] =	vst v63  }
0x67: {  	v3 =	vld [tilespmem:$0x480];
	_ =	sdelay $0x4  }
0x68: {  	v51 =	vshll.u32 v3, $0x3  }
0x69: {  	v3 =	vand.u32 $0x7, v3;
	v4 =	vand.u32 $0xFFFFFFC0, v51  }
0x6a: {  	v3 =	vor.u32 v3, v4  }
0x6b: {  	v4 =	vperm.xlane v3, v0;
	_ =	sdelay $0x1  }
0x6c: {  	v4 =	vadd.s32 v1, v4;
	_ =	sdelay $0x4  }
0x6d: {  	[hbm4b:s3+s2] =	stream.indirect_vreg.scatter [tilespmem:s20], [sflag:$0x1], $0x80, v4, vm0, $0xb8;
	[tilespmem:$0x4800] =	vst v63  }
0x6e: {  	v3 =	vperm.xlane v3, v2  }
0x6f: {  	[hbm4b:s7+s2] =	stream.indirect_vreg.scatter [tilespmem:s21], [sflag:$0x1], $0x80, v4, vm0, $0xb8;
	[tilespmem:$0x4800] =	vst v63  }
0x70: {  	v3 =	vadd.s32 v1, v3  }
0x71: {  	[hbm4b:s8+s2] =	stream.indirect_vreg.scatter [tilespmem:s22], [sflag:$0x1], $0x80, v4, vm0, $0xb8;
	[tilespmem:$0x4800] =	vst v63  }
0x72: {  	_ = 	snop  }
0x73: {  	[hbm4b:s9+s2] =	stream.indirect_vreg.scatter [tilespmem:s23], [sflag:$0x1], $0x80, v4, vm0, $0xb8;
	[tilespmem:$0x4800] =	vst v63  }
0x74: {  	_ = 	snop  }
0x75: {  	[hbm4b:s3+s2] =	stream.indirect_vreg.scatter [tilespmem:s24], [sflag:$0x1], $0x80, v3, vm0, $0xb8;
	[tilespmem:$0x4800] =	vst v63  }
0x76: {  	_ = 	snop  }
0x77: {  	[hbm4b:s7+s2] =	stream.indirect_vreg.scatter [tilespmem:s25], [sflag:$0x1], $0x80, v3, vm0, $0xb8;
	[tilespmem:$0x4800] =	vst v63  }
0x78: {  	_ = 	snop  }
0x79: {  	[hbm4b:s8+s2] =	stream.indirect_vreg.scatter [tilespmem:s26], [sflag:$0x1], $0x80, v3, vm0, $0xb8;
	[tilespmem:$0x4800] =	vst v63  }
0x7a: {  	_ = 	snop  }
0x7b: {  	[hbm4b:s9+s2] =	stream.indirect_vreg.scatter [tilespmem:s28], [sflag:$0x1], $0x80, v3, vm0, $0xb8;
	[tilespmem:$0x4800] =	vst v63  }
0x7c: {  	_ =	swait.ge [sflag:s29], $0x4000  }
0x7d: {  	[sflag:s29] =	ssyncset.done $0x0  }
0x7e: {  	[sflag:s29] =	ssyncadd.s32 $0xFFFFC000  }
0x7f: {  	_ =	swait.ge [sflag:s29], $0x4000  }
0x80: {  	[sflag:s29] =	ssyncset.done $0x0  }
0x81: {  	[sflag:s29] =	ssyncadd.s32 $0xFFFFC000  }
0x82: {  	[tilespmem:s20], [sflag:$0x2] =	stream.linear.gather [hbm4b:s11+s2], $0x4000, $0x38;
	[tilespmem:$0x4800] =	vst v63  }
0x83: {  	_ =	swait.ge [sflag:s18], $0x4000  }
0x84: {  	[sflag:s18] =	ssyncset.done $0x0  }
0x85: {  	[sflag:s18] =	ssyncadd.s32 $0xFFFFC000  }
0x86: {  	v3 =	vld [tilespmem:$0x100];
	_ =	sdelay $0x4  }
0x87: {  	v52 =	vshll.u32 v3, $0x3  }
0x88: {  	v3 =	vand.u32 $0x7, v3;
	v4 =	vand.u32 $0xFFFFFFC0, v52  }
0x89: {  	v3 =	vor.u32 v3, v4  }
0x8a: {  	v4 =	vperm.xlane v3, v0;
	_ =	sdelay $0x1  }
0x8b: {  	v4 =	vadd.s32 v1, v4;
	_ =	sdelay $0x4  }
0x8c: {  	[hbm4b:s3+s2] =	stream.indirect_vreg.scatter [tilespmem:s20], [sflag:$0x1], $0x80, v4, vm0, $0xb8;
	[tilespmem:$0x4800] =	vst v63  }
0x8d: {  	v3 =	vperm.xlane v3, v2  }
0x8e: {  	[hbm4b:s7+s2] =	stream.indirect_vreg.scatter [tilespmem:s21], [sflag:$0x1], $0x80, v4, vm0, $0xb8;
	[tilespmem:$0x4800] =	vst v63  }
0x8f: {  	v3 =	vadd.s32 v1, v3  }
0x90: {  	[hbm4b:s8+s2] =	stream.indirect_vreg.scatter [tilespmem:s22], [sflag:$0x1], $0x80, v4, vm0, $0xb8;
	[tilespmem:$0x4800] =	vst v63  }
0x91: {  	_ = 	snop  }
0x92: {  	[hbm4b:s9+s2] =	stream.indirect_vreg.scatter [tilespmem:s23], [sflag:$0x1], $0x80, v4, vm0, $0xb8;
	[tilespmem:$0x4800] =	vst v63  }
0x93: {  	_ = 	snop  }
0x94: {  	[hbm4b:s3+s2] =	stream.indirect_vreg.scatter [tilespmem:s24], [sflag:$0x1], $0x80, v3, vm0, $0xb8;
	[tilespmem:$0x4800] =	vst v63  }
0x95: {  	_ = 	snop  }
0x96: {  	[hbm4b:s7+s2] =	stream.indirect_vreg.scatter [tilespmem:s25], [sflag:$0x1], $0x80, v3, vm0, $0xb8;
	[tilespmem:$0x4800] =	vst v63  }
0x97: {  	_ = 	snop  }
0x98: {  	[hbm4b:s8+s2] =	stream.indirect_vreg.scatter [tilespmem:s26], [sflag:$0x1], $0x80, v3, vm0, $0xb8;
	[tilespmem:$0x4800] =	vst v63  }
0x99: {  	_ = 	snop  }
0x9a: {  	[hbm4b:s9+s2] =	stream.indirect_vreg.scatter [tilespmem:s28], [sflag:$0x1], $0x80, v3, vm0, $0xb8;
	[tilespmem:$0x4800] =	vst v63  }
0x9b: {  	v3 =	vld [tilespmem:$0x500];
	_ =	sdelay $0x4  }
0x9c: {  	v53 =	vshll.u32 v3, $0x3  }
0x9d: {  	v3 =	vand.u32 $0x7, v3;
	v4 =	vand.u32 $0xFFFFFFC0, v53  }
0x9e: {  	v3 =	vor.u32 v3, v4  }
0x9f: {  	v4 =	vperm.xlane v3, v0;
	_ =	sdelay $0x1  }
0xa0: {  	v4 =	vadd.s32 v1, v4;
	_ =	sdelay $0x4  }
0xa1: {  	[hbm4b:s3+s2] =	stream.indirect_vreg.scatter [tilespmem:s20], [sflag:$0x1], $0x80, v4, vm0, $0xb8;
	[tilespmem:$0x4800] =	vst v63  }
0xa2: {  	v3 =	vperm.xlane v3, v2  }
0xa3: {  	[hbm4b:s7+s2] =	stream.indirect_vreg.scatter [tilespmem:s21], [sflag:$0x1], $0x80, v4, vm0, $0xb8;
	[tilespmem:$0x4800] =	vst v63  }
0xa4: {  	v3 =	vadd.s32 v1, v3  }
0xa5: {  	[hbm4b:s8+s2] =	stream.indirect_vreg.scatter [tilespmem:s22], [sflag:$0x1], $0x80, v4, vm0, $0xb8;
	[tilespmem:$0x4800] =	vst v63  }
0xa6: {  	_ = 	snop  }
0xa7: {  	[hbm4b:s9+s2] =	stream.indirect_vreg.scatter [tilespmem:s23], [sflag:$0x1], $0x80, v4, vm0, $0xb8;
	[tilespmem:$0x4800] =	vst v63  }
0xa8: {  	_ = 	snop  }
0xa9: {  	[hbm4b:s3+s2] =	stream.indirect_vreg.scatter [tilespmem:s24], [sflag:$0x1], $0x80, v3, vm0, $0xb8;
	[tilespmem:$0x4800] =	vst v63  }
0xaa: {  	_ = 	snop  }
0xab: {  	[hbm4b:s7+s2] =	stream.indirect_vreg.scatter [tilespmem:s25], [sflag:$0x1], $0x80, v3, vm0, $0xb8;
	[tilespmem:$0x4800] =	vst v63  }
0xac: {  	_ = 	snop  }
0xad: {  	[hbm4b:s8+s2] =	stream.indirect_vreg.scatter [tilespmem:s26], [sflag:$0x1], $0x80, v3, vm0, $0xb8;
	[tilespmem:$0x4800] =	vst v63  }
0xae: {  	_ = 	snop  }
0xaf: {  	[hbm4b:s9+s2] =	stream.indirect_vreg.scatter [tilespmem:s28], [sflag:$0x1], $0x80, v3, vm0, $0xb8;
	[tilespmem:$0x4800] =	vst v63  }
0xb0: {  	_ =	swait.ge [sflag:s29], $0x4000  }
0xb1: {  	[sflag:s29] =	ssyncset.done $0x0  }
0xb2: {  	[sflag:s29] =	ssyncadd.s32 $0xFFFFC000  }
0xb3: {  	_ =	swait.ge [sflag:s29], $0x4000  }
0xb4: {  	[sflag:s29] =	ssyncset.done $0x0  }
0xb5: {  	[sflag:s29] =	ssyncadd.s32 $0xFFFFC000  }
0xb6: {  	[tilespmem:s20], [sflag:$0x2] =	stream.linear.gather [hbm4b:s12+s2], $0x4000, $0x38;
	[tilespmem:$0x4800] =	vst v63  }
0xb7: {  	_ =	swait.ge [sflag:s18], $0x4000  }
0xb8: {  	[sflag:s18] =	ssyncset.done $0x0  }
0xb9: {  	[sflag:s18] =	ssyncadd.s32 $0xFFFFC000  }
0xba: {  	v3 =	vld [tilespmem:$0x180];
	_ =	sdelay $0x4  }
0xbb: {  	v54 =	vshll.u32 v3, $0x3  }
0xbc: {  	v3 =	vand.u32 $0x7, v3;
	v4 =	vand.u32 $0xFFFFFFC0, v54  }
0xbd: {  	v3 =	vor.u32 v3, v4  }
0xbe: {  	v4 =	vperm.xlane v3, v0;
	_ =	sdelay $0x1  }
0xbf: {  	v4 =	vadd.s32 v1, v4;
	_ =	sdelay $0x4  }
0xc0: {  	[hbm4b:s3+s2] =	stream.indirect_vreg.scatter [tilespmem:s20], [sflag:$0x1], $0x80, v4, vm0, $0xb8;
	[tilespmem:$0x4800] =	vst v63  }
0xc1: {  	v3 =	vperm.xlane v3, v2  }
0xc2: {  	[hbm4b:s7+s2] =	stream.indirect_vreg.scatter [tilespmem:s21], [sflag:$0x1], $0x80, v4, vm0, $0xb8;
	[tilespmem:$0x4800] =	vst v63  }
0xc3: {  	v3 =	vadd.s32 v1, v3  }
0xc4: {  	[hbm4b:s8+s2] =	stream.indirect_vreg.scatter [tilespmem:s22], [sflag:$0x1], $0x80, v4, vm0, $0xb8;
	[tilespmem:$0x4800] =	vst v63  }
0xc5: {  	_ = 	snop  }
0xc6: {  	[hbm4b:s9+s2] =	stream.indirect_vreg.scatter [tilespmem:s23], [sflag:$0x1], $0x80, v4, vm0, $0xb8;
	[tilespmem:$0x4800] =	vst v63  }
0xc7: {  	_ = 	snop  }
0xc8: {  	[hbm4b:s3+s2] =	stream.indirect_vreg.scatter [tilespmem:s24], [sflag:$0x1], $0x80, v3, vm0, $0xb8;
	[tilespmem:$0x4800] =	vst v63  }
0xc9: {  	_ = 	snop  }
0xca: {  	[hbm4b:s7+s2] =	stream.indirect_vreg.scatter [tilespmem:s25], [sflag:$0x1], $0x80, v3, vm0, $0xb8;
	[tilespmem:$0x4800] =	vst v63  }
0xcb: {  	_ = 	snop  }
0xcc: {  	[hbm4b:s8+s2] =	stream.indirect_vreg.scatter [tilespmem:s26], [sflag:$0x1], $0x80, v3, vm0, $0xb8;
	[tilespmem:$0x4800] =	vst v63  }
0xcd: {  	_ = 	snop  }
0xce: {  	[hbm4b:s9+s2] =	stream.indirect_vreg.scatter [tilespmem:s28], [sflag:$0x1], $0x80, v3, vm0, $0xb8;
	[tilespmem:$0x4800] =	vst v63  }
0xcf: {  	v3 =	vld [tilespmem:$0x580];
	_ =	sdelay $0x4  }
0xd0: {  	v55 =	vshll.u32 v3, $0x3  }
0xd1: {  	v3 =	vand.u32 $0x7, v3;
	v4 =	vand.u32 $0xFFFFFFC0, v55  }
0xd2: {  	v3 =	vor.u32 v3, v4  }
0xd3: {  	v4 =	vperm.xlane v3, v0;
	_ =	sdelay $0x1  }
0xd4: {  	v4 =	vadd.s32 v1, v4;
	_ =	sdelay $0x4  }
0xd5: {  	[hbm4b:s3+s2] =	stream.indirect_vreg.scatter [tilespmem:s20], [sflag:$0x1], $0x80, v4, vm0, $0xb8;
	[tilespmem:$0x4800] =	vst v63  }
0xd6: {  	v3 =	vperm.xlane v3, v2  }
0xd7: {  	[hbm4b:s7+s2] =	stream.indirect_vreg.scatter [tilespmem:s21], [sflag:$0x1], $0x80, v4, vm0, $0xb8;
	[tilespmem:$0x4800] =	vst v63  }
0xd8: {  	v3 =	vadd.s32 v1, v3  }
0xd9: {  	[hbm4b:s8+s2] =	stream.indirect_vreg.scatter [tilespmem:s22], [sflag:$0x1], $0x80, v4, vm0, $0xb8;
	[tilespmem:$0x4800] =	vst v63  }
0xda: {  	_ = 	snop  }
0xdb: {  	[hbm4b:s9+s2] =	stream.indirect_vreg.scatter [tilespmem:s23], [sflag:$0x1], $0x80, v4, vm0, $0xb8;
	[tilespmem:$0x4800] =	vst v63  }
0xdc: {  	_ = 	snop  }
0xdd: {  	[hbm4b:s3+s2] =	stream.indirect_vreg.scatter [tilespmem:s24], [sflag:$0x1], $0x80, v3, vm0, $0xb8;
	[tilespmem:$0x4800] =	vst v63  }
0xde: {  	_ = 	snop  }
0xdf: {  	[hbm4b:s7+s2] =	stream.indirect_vreg.scatter [tilespmem:s25], [sflag:$0x1], $0x80, v3, vm0, $0xb8;
	[tilespmem:$0x4800] =	vst v63  }
0xe0: {  	_ = 	snop  }
0xe1: {  	[hbm4b:s8+s2] =	stream.indirect_vreg.scatter [tilespmem:s26], [sflag:$0x1], $0x80, v3, vm0, $0xb8;
	[tilespmem:$0x4800] =	vst v63  }
0xe2: {  	_ = 	snop  }
0xe3: {  	[hbm4b:s9+s2] =	stream.indirect_vreg.scatter [tilespmem:s28], [sflag:$0x1], $0x80, v3, vm0, $0xb8;
	[tilespmem:$0x4800] =	vst v63  }
0xe4: {  	_ =	swait.ge [sflag:s29], $0x4000  }
0xe5: {  	[sflag:s29] =	ssyncset.done $0x0  }
0xe6: {  	[sflag:s29] =	ssyncadd.s32 $0xFFFFC000  }
0xe7: {  	_ =	swait.ge [sflag:s29], $0x4000  }
0xe8: {  	[sflag:s29] =	ssyncset.done $0x0  }
0xe9: {  	[sflag:s29] =	ssyncadd.s32 $0xFFFFC000  }
0xea: {  	[tilespmem:s20], [sflag:$0x2] =	stream.linear.gather [hbm4b:s13+s2], $0x4000, $0x38;
	[tilespmem:$0x4800] =	vst v63  }
0xeb: {  	_ =	swait.ge [sflag:s18], $0x4000  }
0xec: {  	[sflag:s18] =	ssyncset.done $0x0  }
0xed: {  	[sflag:s18] =	ssyncadd.s32 $0xFFFFC000  }
0xee: {  	v3 =	vld [tilespmem:$0x200];
	_ =	sdelay $0x4  }
0xef: {  	v56 =	vshll.u32 v3, $0x3  }
0xf0: {  	v3 =	vand.u32 $0x7, v3;
	v4 =	vand.u32 $0xFFFFFFC0, v56  }
0xf1: {  	v3 =	vor.u32 v3, v4  }
0xf2: {  	v4 =	vperm.xlane v3, v0;
	_ =	sdelay $0x1  }
0xf3: {  	v4 =	vadd.s32 v1, v4;
	_ =	sdelay $0x4  }
0xf4: {  	[hbm4b:s3+s2] =	stream.indirect_vreg.scatter [tilespmem:s20], [sflag:$0x1], $0x80, v4, vm0, $0xb8;
	[tilespmem:$0x4800] =	vst v63  }
0xf5: {  	v3 =	vperm.xlane v3, v2  }
0xf6: {  	[hbm4b:s7+s2] =	stream.indirect_vreg.scatter [tilespmem:s21], [sflag:$0x1], $0x80, v4, vm0, $0xb8;
	[tilespmem:$0x4800] =	vst v63  }
0xf7: {  	v3 =	vadd.s32 v1, v3  }
0xf8: {  	[hbm4b:s8+s2] =	stream.indirect_vreg.scatter [tilespmem:s22], [sflag:$0x1], $0x80, v4, vm0, $0xb8;
	[tilespmem:$0x4800] =	vst v63  }
0xf9: {  	_ = 	snop  }
0xfa: {  	[hbm4b:s9+s2] =	stream.indirect_vreg.scatter [tilespmem:s23], [sflag:$0x1], $0x80, v4, vm0, $0xb8;
	[tilespmem:$0x4800] =	vst v63  }
0xfb: {  	_ = 	snop  }
0xfc: {  	[hbm4b:s3+s2] =	stream.indirect_vreg.scatter [tilespmem:s24], [sflag:$0x1], $0x80, v3, vm0, $0xb8;
	[tilespmem:$0x4800] =	vst v63  }
0xfd: {  	_ = 	snop  }
0xfe: {  	[hbm4b:s7+s2] =	stream.indirect_vreg.scatter [tilespmem:s25], [sflag:$0x1], $0x80, v3, vm0, $0xb8;
	[tilespmem:$0x4800] =	vst v63  }
0xff: {  	_ = 	snop  }
0x100: {  	[hbm4b:s8+s2] =	stream.indirect_vreg.scatter [tilespmem:s26], [sflag:$0x1], $0x80, v3, vm0, $0xb8;
	[tilespmem:$0x4800] =	vst v63  }
0x101: {  	_ = 	snop  }
0x102: {  	[hbm4b:s9+s2] =	stream.indirect_vreg.scatter [tilespmem:s28], [sflag:$0x1], $0x80, v3, vm0, $0xb8;
	[tilespmem:$0x4800] =	vst v63  }
0x103: {  	v3 =	vld [tilespmem:$0x600];
	_ =	sdelay $0x4  }
0x104: {  	v57 =	vshll.u32 v3, $0x3  }
0x105: {  	v3 =	vand.u32 $0x7, v3;
	v4 =	vand.u32 $0xFFFFFFC0, v57  }
0x106: {  	v3 =	vor.u32 v3, v4  }
0x107: {  	v4 =	vperm.xlane v3, v0;
	_ =	sdelay $0x1  }
0x108: {  	v4 =	vadd.s32 v1, v4;
	_ =	sdelay $0x4  }
0x109: {  	[hbm4b:s3+s2] =	stream.indirect_vreg.scatter [tilespmem:s20], [sflag:$0x1], $0x80, v4, vm0, $0xb8;
	[tilespmem:$0x4800] =	vst v63  }
0x10a: {  	v3 =	vperm.xlane v3, v2  }
0x10b: {  	[hbm4b:s7+s2] =	stream.indirect_vreg.scatter [tilespmem:s21], [sflag:$0x1], $0x80, v4, vm0, $0xb8;
	[tilespmem:$0x4800] =	vst v63  }
0x10c: {  	v3 =	vadd.s32 v1, v3  }
0x10d: {  	[hbm4b:s8+s2] =	stream.indirect_vreg.scatter [tilespmem:s22], [sflag:$0x1], $0x80, v4, vm0, $0xb8;
	[tilespmem:$0x4800] =	vst v63  }
0x10e: {  	_ = 	snop  }
0x10f: {  	[hbm4b:s9+s2] =	stream.indirect_vreg.scatter [tilespmem:s23], [sflag:$0x1], $0x80, v4, vm0, $0xb8;
	[tilespmem:$0x4800] =	vst v63  }
0x110: {  	_ = 	snop  }
0x111: {  	[hbm4b:s3+s2] =	stream.indirect_vreg.scatter [tilespmem:s24], [sflag:$0x1], $0x80, v3, vm0, $0xb8;
	[tilespmem:$0x4800] =	vst v63  }
0x112: {  	_ = 	snop  }
0x113: {  	[hbm4b:s7+s2] =	stream.indirect_vreg.scatter [tilespmem:s25], [sflag:$0x1], $0x80, v3, vm0, $0xb8;
	[tilespmem:$0x4800] =	vst v63  }
0x114: {  	_ = 	snop  }
0x115: {  	[hbm4b:s8+s2] =	stream.indirect_vreg.scatter [tilespmem:s26], [sflag:$0x1], $0x80, v3, vm0, $0xb8;
	[tilespmem:$0x4800] =	vst v63  }
0x116: {  	_ = 	snop  }
0x117: {  	[hbm4b:s9+s2] =	stream.indirect_vreg.scatter [tilespmem:s28], [sflag:$0x1], $0x80, v3, vm0, $0xb8;
	[tilespmem:$0x4800] =	vst v63  }
0x118: {  	_ =	swait.ge [sflag:s29], $0x4000  }
0x119: {  	[sflag:s29] =	ssyncset.done $0x0  }
0x11a: {  	[sflag:s29] =	ssyncadd.s32 $0xFFFFC000  }
0x11b: {  	_ =	swait.ge [sflag:s29], $0x4000  }
0x11c: {  	[sflag:s29] =	ssyncset.done $0x0  }
0x11d: {  	[sflag:s29] =	ssyncadd.s32 $0xFFFFC000  }
0x11e: {  	[tilespmem:s20], [sflag:$0x2] =	stream.linear.gather [hbm4b:s14+s2], $0x4000, $0x38;
	[tilespmem:$0x4800] =	vst v63  }
0x11f: {  	_ =	swait.ge [sflag:s18], $0x4000  }
0x120: {  	[sflag:s18] =	ssyncset.done $0x0  }
0x121: {  	[sflag:s18] =	ssyncadd.s32 $0xFFFFC000  }
0x122: {  	v3 =	vld [tilespmem:$0x280];
	_ =	sdelay $0x4  }
0x123: {  	v58 =	vshll.u32 v3, $0x3  }
0x124: {  	v3 =	vand.u32 $0x7, v3;
	v4 =	vand.u32 $0xFFFFFFC0, v58  }
0x125: {  	v3 =	vor.u32 v3, v4  }
0x126: {  	v4 =	vperm.xlane v3, v0;
	_ =	sdelay $0x1  }
0x127: {  	v4 =	vadd.s32 v1, v4;
	_ =	sdelay $0x4  }
0x128: {  	[hbm4b:s3+s2] =	stream.indirect_vreg.scatter [tilespmem:s20], [sflag:$0x1], $0x80, v4, vm0, $0xb8;
	[tilespmem:$0x4800] =	vst v63  }
0x129: {  	v3 =	vperm.xlane v3, v2  }
0x12a: {  	[hbm4b:s7+s2] =	stream.indirect_vreg.scatter [tilespmem:s21], [sflag:$0x1], $0x80, v4, vm0, $0xb8;
	[tilespmem:$0x4800] =	vst v63  }
0x12b: {  	v3 =	vadd.s32 v1, v3  }
0x12c: {  	[hbm4b:s8+s2] =	stream.indirect_vreg.scatter [tilespmem:s22], [sflag:$0x1], $0x80, v4, vm0, $0xb8;
	[tilespmem:$0x4800] =	vst v63  }
0x12d: {  	_ = 	snop  }
0x12e: {  	[hbm4b:s9+s2] =	stream.indirect_vreg.scatter [tilespmem:s23], [sflag:$0x1], $0x80, v4, vm0, $0xb8;
	[tilespmem:$0x4800] =	vst v63  }
0x12f: {  	_ = 	snop  }
0x130: {  	[hbm4b:s3+s2] =	stream.indirect_vreg.scatter [tilespmem:s24], [sflag:$0x1], $0x80, v3, vm0, $0xb8;
	[tilespmem:$0x4800] =	vst v63  }
0x131: {  	_ = 	snop  }
0x132: {  	[hbm4b:s7+s2] =	stream.indirect_vreg.scatter [tilespmem:s25], [sflag:$0x1], $0x80, v3, vm0, $0xb8;
	[tilespmem:$0x4800] =	vst v63  }
0x133: {  	_ = 	snop  }
0x134: {  	[hbm4b:s8+s2] =	stream.indirect_vreg.scatter [tilespmem:s26], [sflag:$0x1], $0x80, v3, vm0, $0xb8;
	[tilespmem:$0x4800] =	vst v63  }
0x135: {  	_ = 	snop  }
0x136: {  	[hbm4b:s9+s2] =	stream.indirect_vreg.scatter [tilespmem:s28], [sflag:$0x1], $0x80, v3, vm0, $0xb8;
	[tilespmem:$0x4800] =	vst v63  }
0x137: {  	v3 =	vld [tilespmem:$0x680];
	_ =	sdelay $0x4  }
0x138: {  	v59 =	vshll.u32 v3, $0x3  }
0x139: {  	v3 =	vand.u32 $0x7, v3;
	v4 =	vand.u32 $0xFFFFFFC0, v59  }
0x13a: {  	v3 =	vor.u32 v3, v4  }
0x13b: {  	v4 =	vperm.xlane v3, v0;
	_ =	sdelay $0x1  }
0x13c: {  	v4 =	vadd.s32 v1, v4;
	_ =	sdelay $0x4  }
0x13d: {  	[hbm4b:s3+s2] =	stream.indirect_vreg.scatter [tilespmem:s20], [sflag:$0x1], $0x80, v4, vm0, $0xb8;
	[tilespmem:$0x4800] =	vst v63  }
0x13e: {  	v3 =	vperm.xlane v3, v2  }
0x13f: {  	[hbm4b:s7+s2] =	stream.indirect_vreg.scatter [tilespmem:s21], [sflag:$0x1], $0x80, v4, vm0, $0xb8;
	[tilespmem:$0x4800] =	vst v63  }
0x140: {  	v3 =	vadd.s32 v1, v3  }
0x141: {  	[hbm4b:s8+s2] =	stream.indirect_vreg.scatter [tilespmem:s22], [sflag:$0x1], $0x80, v4, vm0, $0xb8;
	[tilespmem:$0x4800] =	vst v63  }
0x142: {  	_ = 	snop  }
0x143: {  	[hbm4b:s9+s2] =	stream.indirect_vreg.scatter [tilespmem:s23], [sflag:$0x1], $0x80, v4, vm0, $0xb8;
	[tilespmem:$0x4800] =	vst v63  }
0x144: {  	_ = 	snop  }
0x145: {  	[hbm4b:s3+s2] =	stream.indirect_vreg.scatter [tilespmem:s24], [sflag:$0x1], $0x80, v3, vm0, $0xb8;
	[tilespmem:$0x4800] =	vst v63  }
0x146: {  	_ = 	snop  }
0x147: {  	[hbm4b:s7+s2] =	stream.indirect_vreg.scatter [tilespmem:s25], [sflag:$0x1], $0x80, v3, vm0, $0xb8;
	[tilespmem:$0x4800] =	vst v63  }
0x148: {  	_ = 	snop  }
0x149: {  	[hbm4b:s8+s2] =	stream.indirect_vreg.scatter [tilespmem:s26], [sflag:$0x1], $0x80, v3, vm0, $0xb8;
	[tilespmem:$0x4800] =	vst v63  }
0x14a: {  	_ = 	snop  }
0x14b: {  	[hbm4b:s9+s2] =	stream.indirect_vreg.scatter [tilespmem:s28], [sflag:$0x1], $0x80, v3, vm0, $0xb8;
	[tilespmem:$0x4800] =	vst v63  }
0x14c: {  	_ =	swait.ge [sflag:s29], $0x4000  }
0x14d: {  	[sflag:s29] =	ssyncset.done $0x0  }
0x14e: {  	[sflag:s29] =	ssyncadd.s32 $0xFFFFC000  }
0x14f: {  	_ =	swait.ge [sflag:s29], $0x4000  }
0x150: {  	[sflag:s29] =	ssyncset.done $0x0  }
0x151: {  	[sflag:s29] =	ssyncadd.s32 $0xFFFFC000  }
0x152: {  	[tilespmem:s20], [sflag:$0x2] =	stream.linear.gather [hbm4b:s15+s2], $0x4000, $0x38;
	[tilespmem:$0x4800] =	vst v63  }
0x153: {  	_ =	swait.ge [sflag:s18], $0x4000  }
0x154: {  	[sflag:s18] =	ssyncset.done $0x0  }
0x155: {  	[sflag:s18] =	ssyncadd.s32 $0xFFFFC000  }
0x156: {  	v3 =	vld [tilespmem:$0x300];
	_ =	sdelay $0x4  }
0x157: {  	v60 =	vshll.u32 v3, $0x3  }
0x158: {  	v3 =	vand.u32 $0x7, v3;
	v4 =	vand.u32 $0xFFFFFFC0, v60  }
0x159: {  	v3 =	vor.u32 v3, v4  }
0x15a: {  	v4 =	vperm.xlane v3, v0;
	_ =	sdelay $0x1  }
0x15b: {  	v4 =	vadd.s32 v1, v4;
	_ =	sdelay $0x4  }
0x15c: {  	[hbm4b:s3+s2] =	stream.indirect_vreg.scatter [tilespmem:s20], [sflag:$0x1], $0x80, v4, vm0, $0xb8;
	[tilespmem:$0x4800] =	vst v63  }
0x15d: {  	v3 =	vperm.xlane v3, v2  }
0x15e: {  	[hbm4b:s7+s2] =	stream.indirect_vreg.scatter [tilespmem:s21], [sflag:$0x1], $0x80, v4, vm0, $0xb8;
	[tilespmem:$0x4800] =	vst v63  }
0x15f: {  	v3 =	vadd.s32 v1, v3  }
0x160: {  	[hbm4b:s8+s2] =	stream.indirect_vreg.scatter [tilespmem:s22], [sflag:$0x1], $0x80, v4, vm0, $0xb8;
	[tilespmem:$0x4800] =	vst v63  }
0x161: {  	_ = 	snop  }
0x162: {  	[hbm4b:s9+s2] =	stream.indirect_vreg.scatter [tilespmem:s23], [sflag:$0x1], $0x80, v4, vm0, $0xb8;
	[tilespmem:$0x4800] =	vst v63  }
0x163: {  	_ = 	snop  }
0x164: {  	[hbm4b:s3+s2] =	stream.indirect_vreg.scatter [tilespmem:s24], [sflag:$0x1], $0x80, v3, vm0, $0xb8;
	[tilespmem:$0x4800] =	vst v63  }
0x165: {  	_ = 	snop  }
0x166: {  	[hbm4b:s7+s2] =	stream.indirect_vreg.scatter [tilespmem:s25], [sflag:$0x1], $0x80, v3, vm0, $0xb8;
	[tilespmem:$0x4800] =	vst v63  }
0x167: {  	_ = 	snop  }
0x168: {  	[hbm4b:s8+s2] =	stream.indirect_vreg.scatter [tilespmem:s26], [sflag:$0x1], $0x80, v3, vm0, $0xb8;
	[tilespmem:$0x4800] =	vst v63  }
0x169: {  	_ = 	snop  }
0x16a: {  	[hbm4b:s9+s2] =	stream.indirect_vreg.scatter [tilespmem:s28], [sflag:$0x1], $0x80, v3, vm0, $0xb8;
	[tilespmem:$0x4800] =	vst v63  }
0x16b: {  	v3 =	vld [tilespmem:$0x700];
	_ =	sdelay $0x4  }
0x16c: {  	v61 =	vshll.u32 v3, $0x3  }
0x16d: {  	v3 =	vand.u32 $0x7, v3;
	v4 =	vand.u32 $0xFFFFFFC0, v61  }
0x16e: {  	v3 =	vor.u32 v3, v4  }
0x16f: {  	v4 =	vperm.xlane v3, v0;
	_ =	sdelay $0x1  }
0x170: {  	v4 =	vadd.s32 v1, v4;
	_ =	sdelay $0x4  }
0x171: {  	[hbm4b:s3+s2] =	stream.indirect_vreg.scatter [tilespmem:s20], [sflag:$0x1], $0x80, v4, vm0, $0xb8;
	[tilespmem:$0x4800] =	vst v63  }
0x172: {  	v3 =	vperm.xlane v3, v2  }
0x173: {  	[hbm4b:s7+s2] =	stream.indirect_vreg.scatter [tilespmem:s21], [sflag:$0x1], $0x80, v4, vm0, $0xb8;
	[tilespmem:$0x4800] =	vst v63  }
0x174: {  	v3 =	vadd.s32 v1, v3  }
0x175: {  	[hbm4b:s8+s2] =	stream.indirect_vreg.scatter [tilespmem:s22], [sflag:$0x1], $0x80, v4, vm0, $0xb8;
	[tilespmem:$0x4800] =	vst v63  }
0x176: {  	_ = 	snop  }
0x177: {  	[hbm4b:s9+s2] =	stream.indirect_vreg.scatter [tilespmem:s23], [sflag:$0x1], $0x80, v4, vm0, $0xb8;
	[tilespmem:$0x4800] =	vst v63  }
0x178: {  	_ = 	snop  }
0x179: {  	[hbm4b:s3+s2] =	stream.indirect_vreg.scatter [tilespmem:s24], [sflag:$0x1], $0x80, v3, vm0, $0xb8;
	[tilespmem:$0x4800] =	vst v63  }
0x17a: {  	_ = 	snop  }
0x17b: {  	[hbm4b:s7+s2] =	stream.indirect_vreg.scatter [tilespmem:s25], [sflag:$0x1], $0x80, v3, vm0, $0xb8;
	[tilespmem:$0x4800] =	vst v63  }
0x17c: {  	_ = 	snop  }
0x17d: {  	[hbm4b:s8+s2] =	stream.indirect_vreg.scatter [tilespmem:s26], [sflag:$0x1], $0x80, v3, vm0, $0xb8;
	[tilespmem:$0x4800] =	vst v63  }
0x17e: {  	_ = 	snop  }
0x17f: {  	[hbm4b:s9+s2] =	stream.indirect_vreg.scatter [tilespmem:s28], [sflag:$0x1], $0x80, v3, vm0, $0xb8;
	[tilespmem:$0x4800] =	vst v63  }
0x180: {  	_ =	swait.ge [sflag:s29], $0x4000  }
0x181: {  	[sflag:s29] =	ssyncset.done $0x0  }
0x182: {  	[sflag:s29] =	ssyncadd.s32 $0xFFFFC000  }
0x183: {  	_ =	swait.ge [sflag:s29], $0x4000  }
0x184: {  	[sflag:s29] =	ssyncset.done $0x0  }
0x185: {  	[sflag:s29] =	ssyncadd.s32 $0xFFFFC000  }
0x186: {  	[tilespmem:s20], [sflag:$0x2] =	stream.linear.gather [hbm4b:s16+s2], $0x4000, $0x38;
	[tilespmem:$0x4800] =	vst v63  }
0x187: {  	_ =	swait.ge [sflag:s18], $0x4000  }
0x188: {  	[sflag:s18] =	ssyncset.done $0x0  }
0x189: {  	[sflag:s18] =	ssyncadd.s32 $0xFFFFC000  }
0x18a: {  	v3 =	vld [tilespmem:$0x380];
	_ =	sdelay $0x4  }
0x18b: {  	v62 =	vshll.u32 v3, $0x3  }
0x18c: {  	v3 =	vand.u32 $0x7, v3;
	v4 =	vand.u32 $0xFFFFFFC0, v62  }
0x18d: {  	v3 =	vor.u32 v3, v4  }
0x18e: {  	v4 =	vperm.xlane v3, v0;
	_ =	sdelay $0x1  }
0x18f: {  	v4 =	vadd.s32 v1, v4;
	_ =	sdelay $0x4  }
0x190: {  	[hbm4b:s3+s2] =	stream.indirect_vreg.scatter [tilespmem:s20], [sflag:$0x1], $0x80, v4, vm0, $0xb8;
	[tilespmem:$0x4800] =	vst v63  }
0x191: {  	v3 =	vperm.xlane v3, v2  }
0x192: {  	[hbm4b:s7+s2] =	stream.indirect_vreg.scatter [tilespmem:s21], [sflag:$0x1], $0x80, v4, vm0, $0xb8;
	[tilespmem:$0x4800] =	vst v63  }
0x193: {  	v3 =	vadd.s32 v1, v3  }
0x194: {  	[hbm4b:s8+s2] =	stream.indirect_vreg.scatter [tilespmem:s22], [sflag:$0x1], $0x80, v4, vm0, $0xb8;
	[tilespmem:$0x4800] =	vst v63  }
0x195: {  	_ = 	snop  }
0x196: {  	[hbm4b:s9+s2] =	stream.indirect_vreg.scatter [tilespmem:s23], [sflag:$0x1], $0x80, v4, vm0, $0xb8;
	[tilespmem:$0x4800] =	vst v63  }
0x197: {  	_ = 	snop  }
0x198: {  	[hbm4b:s3+s2] =	stream.indirect_vreg.scatter [tilespmem:s24], [sflag:$0x1], $0x80, v3, vm0, $0xb8;
	[tilespmem:$0x4800] =	vst v63  }
0x199: {  	_ = 	snop  }
0x19a: {  	[hbm4b:s7+s2] =	stream.indirect_vreg.scatter [tilespmem:s25], [sflag:$0x1], $0x80, v3, vm0, $0xb8;
	[tilespmem:$0x4800] =	vst v63  }
0x19b: {  	_ = 	snop  }
0x19c: {  	[hbm4b:s8+s2] =	stream.indirect_vreg.scatter [tilespmem:s26], [sflag:$0x1], $0x80, v3, vm0, $0xb8;
	[tilespmem:$0x4800] =	vst v63  }
0x19d: {  	_ = 	snop  }
0x19e: {  	[hbm4b:s9+s2] =	stream.indirect_vreg.scatter [tilespmem:s28], [sflag:$0x1], $0x80, v3, vm0, $0xb8;
	[tilespmem:$0x4800] =	vst v63  }
0x19f: {  	v3 =	vld [tilespmem:$0x780];
	_ =	sdelay $0x4  }
0x1a0: {  	v63 =	vshll.u32 v3, $0x3  }
0x1a1: {  	v3 =	vand.u32 $0x7, v3;
	v4 =	vand.u32 $0xFFFFFFC0, v63  }
0x1a2: {  	v3 =	vor.u32 v3, v4  }
0x1a3: {  	v4 =	vperm.xlane v3, v0;
	_ =	sdelay $0x1  }
0x1a4: {  	v4 =	vadd.s32 v1, v4;
	_ =	sdelay $0x4  }
0x1a5: {  	[hbm4b:s3+s2] =	stream.indirect_vreg.scatter [tilespmem:s20], [sflag:$0x1], $0x80, v4, vm0, $0xb8;
	[tilespmem:$0x4800] =	vst v63  }
0x1a6: {  	v3 =	vperm.xlane v3, v2  }
0x1a7: {  	[hbm4b:s7+s2] =	stream.indirect_vreg.scatter [tilespmem:s21], [sflag:$0x1], $0x80, v4, vm0, $0xb8;
	[tilespmem:$0x4800] =	vst v63  }
0x1a8: {  	v3 =	vadd.s32 v1, v3  }
0x1a9: {  	[hbm4b:s8+s2] =	stream.indirect_vreg.scatter [tilespmem:s22], [sflag:$0x1], $0x80, v4, vm0, $0xb8;
	[tilespmem:$0x4800] =	vst v63  }
0x1aa: {  	_ = 	snop  }
0x1ab: {  	[hbm4b:s9+s2] =	stream.indirect_vreg.scatter [tilespmem:s23], [sflag:$0x1], $0x80, v4, vm0, $0xb8;
	[tilespmem:$0x4800] =	vst v63  }
0x1ac: {  	_ = 	snop  }
0x1ad: {  	[hbm4b:s3+s2] =	stream.indirect_vreg.scatter [tilespmem:s24], [sflag:$0x1], $0x80, v3, vm0, $0xb8;
	[tilespmem:$0x4800] =	vst v63  }
0x1ae: {  	_ = 	snop  }
0x1af: {  	[hbm4b:s7+s2] =	stream.indirect_vreg.scatter [tilespmem:s25], [sflag:$0x1], $0x80, v3, vm0, $0xb8;
	[tilespmem:$0x4800] =	vst v63  }
0x1b0: {  	_ = 	snop  }
0x1b1: {  	[hbm4b:s8+s2] =	stream.indirect_vreg.scatter [tilespmem:s26], [sflag:$0x1], $0x80, v3, vm0, $0xb8;
	[tilespmem:$0x4800] =	vst v63  }
0x1b2: {  	_ = 	snop  }
0x1b3: {  	[hbm4b:s9+s2] =	stream.indirect_vreg.scatter [tilespmem:s28], [sflag:$0x1], $0x80, v3, vm0, $0xb8;
	[tilespmem:$0x4800] =	vst v63  }
0x1b4: {  	p0 =	sne.s32 s17, $0x1;
	_ =	swait.ge [sflag:s29], $0x4000  }
.Ltmp0:
0x1b5: {  	[sflag:s29] =	ssyncset.done $0x0;
	(pc) =	sbr.rel @p0 .LBB2_1-.Ltmp0, $4  }
0x1b6: {  	[sflag:s29] =	ssyncadd.s32 $0xFFFFC000  }
0x1b7: {  	_ =	swait.ge [sflag:s29], $0x4000  }
0x1b8: {  	[sflag:s29] =	ssyncset.done $0x0  }
0x1b9: {  	s17 =	sadd.s32 $0xFFFFFFFF, s17;
	[sflag:s29] =	ssyncadd.s32 $0xFFFFC000  }
0x1ba: {  	_ =	sfence.sel $0x180000  }
0x1bb: {  	[bflag:$0x0] =	sbarrier.arrive $0xFFFF  }
0x1bc: {  	p0 =	sne.s32 s1, $0x0;
	_ =	strace $0x90000047  }
0x1bd: {  	s0 =	sadd.s32 @!p0 $0x100000, s0;
	[bflag:$0x2] =	sbarrier.arrive $0xFFFF  }
0x1be: {  	[sflag:s0] =	ssyncadd.tile.s32 @!p0 $0x1;
	_ =	shalt  }
.Lfunc_end2:
_tile_overlayer_lowered:
.L_overlay_start_2:
0x1bf: {  	(tag) =	ssettag $0x2  }
0x1c0: {  	s0 =	rddreg [dreg:$0x0];
	s2 =	stileid.u32  }
0x1c1: {  	s1 =	rddreg [dreg:$0x1];
	p0 =	sne.s32 s2, $0x0  }
0x1c2: {  	s3 =	rddreg [dreg:$0x2];
	[bflag:$0x3] =	sbarrier.arrive $0xFFFF;
	s2 =	simm.s32 @!p0 $0x1C02  }
0x1c3: {  	[timem:s3], [sflag:s2] =	dma.local @!p0 [hbm:s0], s1  }
0x1c4: {  	s0 =	simm.s32 @!p0 $0x2  }
0x1c5: {  	_ =	swait.ge @!p0 [sflag:s0], s1  }
0x1c6: {  	s1 =	ssub.s32 @!p0 $0x0, s1;
	[sflag:s0] =	ssyncset.done @!p0 $0x0  }
0x1c7: {  	[sflag:s0] =	ssyncadd.s32 @!p0 s1  }
0x1c8: {  	[bflag:$0x3] =	sbarrier.arrive $0xFFFF  }
0x1c9: {  	_ =	shalt  }

</sc_bundles>
